<compile_context>
chip_gen: v7x
topology: tpu7x:2x2x1
jax: 0.10.2.dev20260603
libtpu: 0.0.44.dev20260713+nightly
codegen_flags: <defaults>
</compile_context>

<pallas_src>
import functools

import jax
import jax.numpy as jnp
from jax import lax
from jax.experimental import pallas as pl
from jax.experimental.pallas import tpu as pltpu
from jax.experimental.pallas import tpu_sc as plsc

N = 10000
E = 160000
D = 256
DH = 128
NC = 2
NS = 16
CHUNK = 128
CPT = 80
ET = NS * CPT * CHUNK
SEG = 40
TILE_ROWS = 624
TAIL_ROWS = N - (NS - 1) * TILE_ROWS
EPS = 1e-5


def _fill2d(ref, nrows, ncols, val):
    vec = jnp.full((16,), val, jnp.float32)

    def row(i, _):
        def col(j, _):
            ref[i, pl.ds(j * 16, 16)] = vec
            return 0

        lax.fori_loop(0, ncols // 16, col, 0)
        return 0

    lax.fori_loop(0, nrows, row, 0)


def _zero_stripe(src_buf, sh, base, s):
    for off in (0, 128, 256, 384):
        pltpu.sync_copy(src_buf, sh.at[pl.ds(base + off, 128)])
    pltpu.sync_copy(src_buf.at[pl.ds(0, 112)], sh.at[pl.ds(base + 512, 112)])

    @pl.when(s == NS - 1)
    def _():
        pltpu.sync_copy(src_buf.at[pl.ds(0, 24)],
                        sh.at[pl.ds(NS * TILE_ROWS, 24)])


def _write_stripe(sh, out, base, out_row0, s):
    out_base = pl.multiple_of(out_row0 + base, 8)

    @pl.when(s < NS - 1)
    def _():
        pltpu.sync_copy(sh.at[pl.ds(base, TILE_ROWS)],
                        out.at[pl.ds(out_base, TILE_ROWS)])

    @pl.when(s == NS - 1)
    def _():
        pltpu.sync_copy(sh.at[pl.ds(base, TAIL_ROWS)],
                        out.at[pl.ds(out_base, TAIL_ROWS)])


def _cnt_body(dst2, cnt_out, cnt_sh, didx2, ones, ssem):
    c = lax.axis_index("c")
    s = lax.axis_index("s")
    base = pl.multiple_of(s * TILE_ROWS, 8)

    pltpu.sync_copy(dst2.at[pl.ds(s * CPT, CPT)], didx2)
    _fill2d(ones, CHUNK, DH, 0.0)
    _zero_stripe(ones, cnt_sh, base, s)
    _fill2d(ones, CHUNK, DH, 1.0)
    plsc.subcore_barrier()

    def group(g, _):
        descs = [
            pltpu.async_copy(ones, cnt_sh.at[didx2.at[2 * (20 * g + j) + c]],
                             ssem, add=True)
            for j in range(20)
        ]
        for dsc in descs:
            dsc.wait()
        return 0

    lax.fori_loop(0, CPT // 40, group, 0)
    plsc.subcore_barrier()
    _write_stripe(cnt_sh, cnt_out, base, c * N, s)


_sc_cnt = functools.partial(
    pl.kernel,
    out_type=jax.ShapeDtypeStruct((NC * N, DH), jnp.float32),
    mesh=plsc.VectorSubcoreMesh(core_axis_name="c", subcore_axis_name="s",
                                num_cores=NC, num_subcores=NS),
    scratch_types=[
        pltpu.VMEM_SHARED((N + 8, DH), jnp.float32),
        pltpu.VMEM((CPT, CHUNK), jnp.int32),
        pltpu.VMEM((CHUNK, DH), jnp.float32),
        pltpu.SemaphoreType.DMA,
    ],
)(_cnt_body)


def _agg_body(x0, x1, src2, dst2, agg_out, agg_sh, sidx2, didx2,
              rows0, rows1, sem0, sem1):
    c = lax.axis_index("c")
    s = lax.axis_index("s")
    base = pl.multiple_of(s * TILE_ROWS, 8)

    _fill2d(rows0, CHUNK, DH, 0.0)
    _zero_stripe(rows0, agg_sh, base, s)
    plsc.subcore_barrier()

    def work(xh):
        for h in range(CPT // SEG):
            row0 = pl.multiple_of(s * CPT + h * SEG, 8)
            pltpu.sync_copy(src2.at[pl.ds(row0, SEG)], sidx2)
            pltpu.sync_copy(dst2.at[pl.ds(row0, SEG)], didx2)
            pltpu.async_copy(xh.at[sidx2.at[0]], rows0, sem0)

            def step(k2, _):
                k = 2 * k2
                pltpu.async_copy(xh.at[sidx2.at[k + 1]], rows1, sem1)
                pltpu.make_async_copy(xh.at[sidx2.at[0]], rows0, sem0).wait()
                pltpu.sync_copy(rows0, agg_sh.at[didx2.at[k]], add=True)

                @pl.when(k + 2 < SEG)
                def _():
                    pltpu.async_copy(xh.at[sidx2.at[k + 2]], rows0, sem0)

                pltpu.make_async_copy(xh.at[sidx2.at[0]], rows1, sem1).wait()
                pltpu.sync_copy(rows1, agg_sh.at[didx2.at[k + 1]], add=True)
                return 0

            lax.fori_loop(0, SEG // 2, step, 0)

    @pl.when(c == 0)
    def _():
        work(x0)

    @pl.when(c == 1)
    def _():
        work(x1)

    plsc.subcore_barrier()
    _write_stripe(agg_sh, agg_out, base, c * N, s)


_sc_agg = functools.partial(
    pl.kernel,
    out_type=jax.ShapeDtypeStruct((NC * N, DH), jnp.float32),
    mesh=plsc.VectorSubcoreMesh(core_axis_name="c", subcore_axis_name="s",
                                num_cores=NC, num_subcores=NS),
    scratch_types=[
        pltpu.VMEM_SHARED((N + 8, DH), jnp.float32),
        pltpu.VMEM((SEG, CHUNK), jnp.int32),
        pltpu.VMEM((SEG, CHUNK), jnp.int32),
        pltpu.VMEM((CHUNK, DH), jnp.float32),
        pltpu.VMEM((CHUNK, DH), jnp.float32),
        pltpu.SemaphoreType.DMA,
        pltpu.SemaphoreType.DMA,
    ],
)(_agg_body)


NB = 5
BR = N // NB


def _tcr_body(x_ref, wr_ref, bl_ref, r_ref):
    r_ref[...] = jnp.dot(x_ref[...], wr_ref[...],
                         preferred_element_type=jnp.float32) + bl_ref[...]


def _tc_body(r_ref, a0_ref, a1_ref, cnt0_ref, cnt1_ref, wl_ref, g_ref, b_ref,
             o_ref, h_scr, sum_scr, sq_scr):
    p = pl.program_id(0)
    i = pl.program_id(1)

    @pl.when(p == 0)
    def _():
        cnt = cnt0_ref[:, 0:1] + cnt1_ref[:, 0:1]
        inv = 1.0 / jnp.maximum(cnt, 1.0)
        t = jnp.dot(a0_ref[...], wl_ref[0:DH, :],
                    preferred_element_type=jnp.float32)
        t = t + jnp.dot(a1_ref[...], wl_ref[DH:D, :],
                        preferred_element_type=jnp.float32)
        h = t * inv + r_ref[...]
        h_scr[pl.ds(i * BR, BR), :] = h
        csum = jnp.sum(h, axis=0, keepdims=True)
        csq = jnp.sum(h * h, axis=0, keepdims=True)

        @pl.when(i == 0)
        def _():
            sum_scr[...] = csum
            sq_scr[...] = csq

        @pl.when(i > 0)
        def _():
            sum_scr[...] = sum_scr[...] + csum
            sq_scr[...] = sq_scr[...] + csq

    @pl.when(p == 1)
    def _():
        mu = sum_scr[...] * (1.0 / N)
        var = sq_scr[...] * (1.0 / N) - mu * mu
        scale = lax.rsqrt(var + EPS) * g_ref[...]
        h = h_scr[pl.ds(i * BR, BR), :]
        o_ref[...] = jnp.maximum((h - mu) * scale + b_ref[...], 0.0)


def kernel(x, edge_index, W_l, b_l, W_r, gamma, beta):
    pad = ET - E
    src = jnp.concatenate([edge_index[0], jnp.zeros((pad,), jnp.int32)])
    dst = jnp.concatenate(
        [edge_index[1], N + (jnp.arange(pad, dtype=jnp.int32) % 8)])
    src2 = src.reshape(ET // CHUNK, CHUNK)
    dst2 = dst.reshape(ET // CHUNK, CHUNK)
    x0 = x[:, :DH]
    x1 = x[:, DH:]
    cnt = _sc_cnt(dst2)
    agg = _sc_agg(x0, x1, src2, dst2)
    row_blk = lambda p, i: (i, 0)
    r = pl.pallas_call(
        _tcr_body,
        grid=(NB,),
        in_specs=[
            pl.BlockSpec((BR, D), lambda i: (i, 0)),
            pl.BlockSpec((D, D), lambda i: (0, 0)),
            pl.BlockSpec((1, D), lambda i: (0, 0)),
        ],
        out_specs=pl.BlockSpec((BR, D), lambda i: (i, 0)),
        out_shape=jax.ShapeDtypeStruct((N, D), jnp.float32),
    )(x, W_r, b_l.reshape(1, D))
    return pl.pallas_call(
        _tc_body,
        grid=(2, NB),
        in_specs=[
            pl.BlockSpec((BR, D), row_blk),
            pl.BlockSpec((BR, DH), row_blk),
            pl.BlockSpec((BR, DH), lambda p, i: (NB + i, 0)),
            pl.BlockSpec((BR, DH), row_blk),
            pl.BlockSpec((BR, DH), lambda p, i: (NB + i, 0)),
            pl.BlockSpec((D, D), lambda p, i: (0, 0)),
            pl.BlockSpec((1, D), lambda p, i: (0, 0)),
            pl.BlockSpec((1, D), lambda p, i: (0, 0)),
        ],
        out_specs=pl.BlockSpec((BR, D), row_blk),
        out_shape=jax.ShapeDtypeStruct((N, D), jnp.float32),
        scratch_shapes=[
            pltpu.VMEM((N, D), jnp.float32),
            pltpu.VMEM((1, D), jnp.float32),
            pltpu.VMEM((1, D), jnp.float32),
        ],
    )(r, agg, agg, cnt, cnt, W_l, gamma.reshape(1, D), beta.reshape(1, D))

# --- scband reference (transcript-rebuilt; emitter-appended) ---
"""Pipeline reference for scband-sageblock-22093311771314 (READ-ONLY COPY).

The authoritative reference and input builder live on the scoring server;
editing this copy changes nothing except your own understanding.
"""

import jax, jax.numpy as jnp
import numpy as np

N = 10000
E = 160000
D_IN = 256
D_OUT = 256
EPS = 1e-5


def setup_inputs(seed: int = 0) -> dict:
    key = jax.random.key(seed)
    k1, k2, k3, k4 = jax.random.split(key, 4)
    x = jax.random.normal(k1, (N, D_IN), dtype=jnp.float32)
    edge_index = jax.random.randint(k2, (2, E), 0, N, dtype=jnp.int32)
    scale = 1.0 / np.sqrt(D_IN)
    W_l = jax.random.normal(k3, (D_IN, D_OUT), dtype=jnp.float32) * scale
    b_l = jnp.zeros((D_OUT,), dtype=jnp.float32)
    W_r = jax.random.normal(k4, (D_IN, D_OUT), dtype=jnp.float32) * scale
    gamma = jnp.ones((D_OUT,), dtype=jnp.float32)
    beta = jnp.zeros((D_OUT,), dtype=jnp.float32)
    return {"x": x, "edge_index": edge_index, "W_l": W_l, "b_l": b_l, "W_r": W_r, "gamma": gamma, "beta": beta}


def reference(x, edge_index, W_l, b_l, W_r, gamma, beta):
    # SAGEConv (mean aggregation): out = lin_l(mean_agg(x_src over dst)) + lin_r(x)
    src = edge_index[0]
    dst = edge_index[1]
    msg = jnp.take(x, src, axis=0)                      # gather [E, D_IN]
    agg = jax.ops.segment_sum(msg, dst, num_segments=N) # scatter-add [N, D_IN]
    cnt = jax.ops.segment_sum(jnp.ones((E,), dtype=x.dtype), dst, num_segments=N)
    mean_agg = agg / jnp.clip(cnt, 1.0)[:, None]
    h = mean_agg @ W_l + b_l + x @ W_r
    # BatchNorm1d (training mode: batch statistics, biased variance)
    mu = jnp.mean(h, axis=0)
    var = jnp.var(h, axis=0)
    h_norm = (h - mu) / jnp.sqrt(var + EPS)
    out = h_norm * gamma + beta
    return jax.nn.relu(out)

if __name__ == "__main__":
    import jax
    _d = setup_inputs()
    print(jax.jit(kernel)(*tuple(_d.values())))

</pallas_src>

<mosaic_0001>
#map = affine_map<(d0, d1) -> (0, 0)>
module attributes {stable_mosaic.version = 14 : i64} {
  func.func @_cnt_body(%arg0: i32, %arg1: i32, %arg2: memref<1280x128xi32, #tpu.memory_space<hbm>>, %arg3: memref<20000x128xf32, #tpu.memory_space<hbm>>, %arg4: memref<10008x128xf32, #tpu.memory_space<vmem_shared>>, %arg5: memref<80x128xi32, #tpu.memory_space<vmem>>, %arg6: memref<128x128xf32, #tpu.memory_space<vmem>>, %arg7: memref<!tpu.dma_semaphore, #tpu.memory_space<semaphore_mem>>) attributes {dimension_semantics = [#tpu.dimension_semantics<core_parallel>, #tpu.dimension_semantics<subcore_parallel>], iteration_bounds = array<i64: 2, 16>, scalar_prefetch = 0 : i64, scratch_operands = 4 : i64, tpu.core_type = #tpu.core_type<sc_vector_subcore>, window_params = [{transform_indices = #map}, {transform_indices = #map}]} {
    %mul3A = arith.constant 624 : i32
    %mul3A_0 = arith.muli %arg1, %mul3A : i32
    %multiple_of3A = tpu.assume_multiple %mul3A_0, 8 : i32
    %mul3A_1 = arith.constant 80 : i32
    %mul3A_2 = arith.muli %arg1, %mul3A_1 : i32
    "tpu.region"() ({
      %run_scoped3A = tpu.sem_alloc : memref<!tpu.dma_semaphore, #tpu.memory_space<semaphore_mem>>
      %dma_start3A = arith.constant 0 : i32
      %dma_start3A_51 = tpu.memref_slice %arg2[%mul3A_2, %dma_start3A] : memref<1280x128xi32, #tpu.memory_space<hbm>> -> memref<80x128xi32, #tpu.memory_space<hbm>>
      %dma_start3A_52 = arith.constant 0 : i32
      %dma_start3A_53 = tpu.memref_slice %arg2[%mul3A_2, %dma_start3A_52] : memref<1280x128xi32, #tpu.memory_space<hbm>> -> memref<80x128xi32, #tpu.memory_space<hbm>>
      tpu.enqueue_dma source(%dma_start3A_53 : memref<80x128xi32, #tpu.memory_space<hbm>>) target(%arg5 : memref<80x128xi32, #tpu.memory_space<vmem>>) target_semaphore(%run_scoped3A : memref<!tpu.dma_semaphore, #tpu.memory_space<semaphore_mem>>)
      %dma_wait3A = arith.constant 0 : i32
      %dma_wait3A_54 = tpu.memref_slice %arg2[%mul3A_2, %dma_wait3A] : memref<1280x128xi32, #tpu.memory_space<hbm>> -> memref<80x128xi32, #tpu.memory_space<hbm>>
      %dma_wait3A_55 = arith.constant 0 : i32
      %dma_wait3A_56 = tpu.memref_slice %arg2[%mul3A_2, %dma_wait3A_55] : memref<1280x128xi32, #tpu.memory_space<hbm>> -> memref<80x128xi32, #tpu.memory_space<hbm>>
      tpu.wait_dma2 semaphore(%run_scoped3A : memref<!tpu.dma_semaphore, #tpu.memory_space<semaphore_mem>>) src(%dma_wait3A_56 : memref<80x128xi32, #tpu.memory_space<hbm>>) dst(%arg5 : memref<80x128xi32, #tpu.memory_space<vmem>>)
      tpu.yield
    }) : () -> ()
    %broadcast_in_dim3A = arith.constant 0.000000e+00 : f32
    %broadcast_in_dim3A_3 = vector.broadcast %broadcast_in_dim3A : f32 to vector<16xf32>
    %scan3A = arith.constant 0 : i32
    %scan3A_4 = arith.constant 0 : i32
    %scan3A_5 = arith.constant 128 : i32
    %scan3A_6 = arith.addi %scan3A_4, %scan3A_5 : i32
    %scan3A_7 = arith.constant 1 : i32
    %scan3A_8 = scf.for %scan3A_51 = %scan3A_4 to %scan3A_6 step %scan3A_7 iter_args(%scan3A_52 = %scan3A) -> (i32)  : i32 {
      %scan3A_53 = arith.constant 0 : i32
      %scan3A_54 = arith.constant 0 : i32
      %scan3A_55 = arith.constant 8 : i32
      %scan3A_56 = arith.addi %scan3A_54, %scan3A_55 : i32
      %scan3A_57 = arith.constant 1 : i32
      %scan3A_58 = scf.for %scan3A_61 = %scan3A_54 to %scan3A_56 step %scan3A_57 iter_args(%scan3A_62 = %scan3A_53) -> (i32)  : i32 {
        %mul3A_63 = arith.constant 16 : i32
        %mul3A_64 = arith.muli %scan3A_61, %mul3A_63 : i32
        %swap3A = arith.index_cast %scan3A_51 : i32 to index
        %swap3A_65 = arith.index_cast %mul3A_64 : i32 to index
        %swap3A_66 = tpu.vector_load %arg6[%swap3A, %swap3A_65] {strides = array<i32>} : memref<128x128xf32, #tpu.memory_space<vmem>>, vector<1x16xf32>,
        %swap3A_67 = vector.shape_cast %swap3A_66 : vector<1x16xf32> to vector<16xf32>
        %swap3A_68 = vector.shape_cast %broadcast_in_dim3A_3 : vector<16xf32> to vector<1x16xf32>
        tpu.vector_store %arg6[%swap3A, %swap3A_65], %swap3A_68 {strides = array<i32>} : memref<128x128xf32, #tpu.memory_space<vmem>>, vector<1x16xf32>,
        %scan3A_69 = arith.constant 0 : i32
        scf.yield %scan3A_69 : i32
      }
      %scan3A_59 = arith.constant 8 : i32
      %scan3A_60 = arith.constant 0 : i32
      scf.yield %scan3A_60 : i32
    }
    %scan3A_9 = arith.constant 128 : i32
    %add3A = arith.constant 0 : i32
    %add3A_10 = arith.addi %multiple_of3A, %add3A : i32
    "tpu.region"() ({
      %run_scoped3A = tpu.sem_alloc : memref<!tpu.dma_semaphore, #tpu.memory_space<semaphore_mem>>
      %dma_start3A = arith.constant 0 : i32
      %dma_start3A_51 = tpu.memref_slice %arg4[%add3A_10, %dma_start3A] : memref<10008x128xf32, #tpu.memory_space<vmem_shared>> -> memref<128x128xf32, #tpu.memory_space<vmem_shared>>
      %dma_start3A_52 = arith.constant 0 : i32
      %dma_start3A_53 = tpu.memref_slice %arg4[%add3A_10, %dma_start3A_52] : memref<10008x128xf32, #tpu.memory_space<vmem_shared>> -> memref<128x128xf32, #tpu.memory_space<vmem_shared>>
      tpu.enqueue_dma source(%arg6 : memref<128x128xf32, #tpu.memory_space<vmem>>) target(%dma_start3A_53 : memref<128x128xf32, #tpu.memory_space<vmem_shared>>) target_semaphore(%run_scoped3A : memref<!tpu.dma_semaphore, #tpu.memory_space<semaphore_mem>>)
      %dma_wait3A = arith.constant 0 : i32
      %dma_wait3A_54 = tpu.memref_slice %arg4[%add3A_10, %dma_wait3A] : memref<10008x128xf32, #tpu.memory_space<vmem_shared>> -> memref<128x128xf32, #tpu.memory_space<vmem_shared>>
      %dma_wait3A_55 = arith.constant 0 : i32
      %dma_wait3A_56 = tpu.memref_slice %arg4[%add3A_10, %dma_wait3A_55] : memref<10008x128xf32, #tpu.memory_space<vmem_shared>> -> memref<128x128xf32, #tpu.memory_space<vmem_shared>>
      tpu.wait_dma2 semaphore(%run_scoped3A : memref<!tpu.dma_semaphore, #tpu.memory_space<semaphore_mem>>) src(%arg6 : memref<128x128xf32, #tpu.memory_space<vmem>>) dst(%dma_wait3A_56 : memref<128x128xf32, #tpu.memory_space<vmem_shared>>)
      tpu.yield
    }) : () -> ()
    %add3A_11 = arith.constant 128 : i32
    %add3A_12 = arith.addi %multiple_of3A, %add3A_11 : i32
    "tpu.region"() ({
      %run_scoped3A = tpu.sem_alloc : memref<!tpu.dma_semaphore, #tpu.memory_space<semaphore_mem>>
      %dma_start3A = arith.constant 0 : i32
      %dma_start3A_51 = tpu.memref_slice %arg4[%add3A_12, %dma_start3A] : memref<10008x128xf32, #tpu.memory_space<vmem_shared>> -> memref<128x128xf32, #tpu.memory_space<vmem_shared>>
      %dma_start3A_52 = arith.constant 0 : i32
      %dma_start3A_53 = tpu.memref_slice %arg4[%add3A_12, %dma_start3A_52] : memref<10008x128xf32, #tpu.memory_space<vmem_shared>> -> memref<128x128xf32, #tpu.memory_space<vmem_shared>>
      tpu.enqueue_dma source(%arg6 : memref<128x128xf32, #tpu.memory_space<vmem>>) target(%dma_start3A_53 : memref<128x128xf32, #tpu.memory_space<vmem_shared>>) target_semaphore(%run_scoped3A : memref<!tpu.dma_semaphore, #tpu.memory_space<semaphore_mem>>)
      %dma_wait3A = arith.constant 0 : i32
      %dma_wait3A_54 = tpu.memref_slice %arg4[%add3A_12, %dma_wait3A] : memref<10008x128xf32, #tpu.memory_space<vmem_shared>> -> memref<128x128xf32, #tpu.memory_space<vmem_shared>>
      %dma_wait3A_55 = arith.constant 0 : i32
      %dma_wait3A_56 = tpu.memref_slice %arg4[%add3A_12, %dma_wait3A_55] : memref<10008x128xf32, #tpu.memory_space<vmem_shared>> -> memref<128x128xf32, #tpu.memory_space<vmem_shared>>
      tpu.wait_dma2 semaphore(%run_scoped3A : memref<!tpu.dma_semaphore, #tpu.memory_space<semaphore_mem>>) src(%arg6 : memref<128x128xf32, #tpu.memory_space<vmem>>) dst(%dma_wait3A_56 : memref<128x128xf32, #tpu.memory_space<vmem_shared>>)
      tpu.yield
    }) : () -> ()
    %add3A_13 = arith.constant 256 : i32
    %add3A_14 = arith.addi %multiple_of3A, %add3A_13 : i32
    "tpu.region"() ({
      %run_scoped3A = tpu.sem_alloc : memref<!tpu.dma_semaphore, #tpu.memory_space<semaphore_mem>>
      %dma_start3A = arith.constant 0 : i32
      %dma_start3A_51 = tpu.memref_slice %arg4[%add3A_14, %dma_start3A] : memref<10008x128xf32, #tpu.memory_space<vmem_shared>> -> memref<128x128xf32, #tpu.memory_space<vmem_shared>>
      %dma_start3A_52 = arith.constant 0 : i32
      %dma_start3A_53 = tpu.memref_slice %arg4[%add3A_14, %dma_start3A_52] : memref<10008x128xf32, #tpu.memory_space<vmem_shared>> -> memref<128x128xf32, #tpu.memory_space<vmem_shared>>
      tpu.enqueue_dma source(%arg6 : memref<128x128xf32, #tpu.memory_space<vmem>>) target(%dma_start3A_53 : memref<128x128xf32, #tpu.memory_space<vmem_shared>>) target_semaphore(%run_scoped3A : memref<!tpu.dma_semaphore, #tpu.memory_space<semaphore_mem>>)
      %dma_wait3A = arith.constant 0 : i32
      %dma_wait3A_54 = tpu.memref_slice %arg4[%add3A_14, %dma_wait3A] : memref<10008x128xf32, #tpu.memory_space<vmem_shared>> -> memref<128x128xf32, #tpu.memory_space<vmem_shared>>
      %dma_wait3A_55 = arith.constant 0 : i32
      %dma_wait3A_56 = tpu.memref_slice %arg4[%add3A_14, %dma_wait3A_55] : memref<10008x128xf32, #tpu.memory_space<vmem_shared>> -> memref<128x128xf32, #tpu.memory_space<vmem_shared>>
      tpu.wait_dma2 semaphore(%run_scoped3A : memref<!tpu.dma_semaphore, #tpu.memory_space<semaphore_mem>>) src(%arg6 : memref<128x128xf32, #tpu.memory_space<vmem>>) dst(%dma_wait3A_56 : memref<128x128xf32, #tpu.memory_space<vmem_shared>>)
      tpu.yield
    }) : () -> ()
    %add3A_15 = arith.constant 384 : i32
    %add3A_16 = arith.addi %multiple_of3A, %add3A_15 : i32
    "tpu.region"() ({
      %run_scoped3A = tpu.sem_alloc : memref<!tpu.dma_semaphore, #tpu.memory_space<semaphore_mem>>
      %dma_start3A = arith.constant 0 : i32
      %dma_start3A_51 = tpu.memref_slice %arg4[%add3A_16, %dma_start3A] : memref<10008x128xf32, #tpu.memory_space<vmem_shared>> -> memref<128x128xf32, #tpu.memory_space<vmem_shared>>
      %dma_start3A_52 = arith.constant 0 : i32
      %dma_start3A_53 = tpu.memref_slice %arg4[%add3A_16, %dma_start3A_52] : memref<10008x128xf32, #tpu.memory_space<vmem_shared>> -> memref<128x128xf32, #tpu.memory_space<vmem_shared>>
      tpu.enqueue_dma source(%arg6 : memref<128x128xf32, #tpu.memory_space<vmem>>) target(%dma_start3A_53 : memref<128x128xf32, #tpu.memory_space<vmem_shared>>) target_semaphore(%run_scoped3A : memref<!tpu.dma_semaphore, #tpu.memory_space<semaphore_mem>>)
      %dma_wait3A = arith.constant 0 : i32
      %dma_wait3A_54 = tpu.memref_slice %arg4[%add3A_16, %dma_wait3A] : memref<10008x128xf32, #tpu.memory_space<vmem_shared>> -> memref<128x128xf32, #tpu.memory_space<vmem_shared>>
      %dma_wait3A_55 = arith.constant 0 : i32
      %dma_wait3A_56 = tpu.memref_slice %arg4[%add3A_16, %dma_wait3A_55] : memref<10008x128xf32, #tpu.memory_space<vmem_shared>> -> memref<128x128xf32, #tpu.memory_space<vmem_shared>>
      tpu.wait_dma2 semaphore(%run_scoped3A : memref<!tpu.dma_semaphore, #tpu.memory_space<semaphore_mem>>) src(%arg6 : memref<128x128xf32, #tpu.memory_space<vmem>>) dst(%dma_wait3A_56 : memref<128x128xf32, #tpu.memory_space<vmem_shared>>)
      tpu.yield
    }) : () -> ()
    %add3A_17 = arith.constant 512 : i32
    %add3A_18 = arith.addi %multiple_of3A, %add3A_17 : i32
    "tpu.region"() ({
      %run_scoped3A = tpu.sem_alloc : memref<!tpu.dma_semaphore, #tpu.memory_space<semaphore_mem>>
      %dma_start3A = arith.constant 0 : i32
      %dma_start3A_51 = arith.constant 0 : i32
      %dma_start3A_52 = tpu.memref_slice %arg6[%dma_start3A, %dma_start3A_51] : memref<128x128xf32, #tpu.memory_space<vmem>> -> memref<112x128xf32, #tpu.memory_space<vmem>>
      %dma_start3A_53 = arith.constant 0 : i32
      %dma_start3A_54 = tpu.memref_slice %arg4[%add3A_18, %dma_start3A_53] : memref<10008x128xf32, #tpu.memory_space<vmem_shared>> -> memref<112x128xf32, #tpu.memory_space<vmem_shared>>
      %dma_start3A_55 = arith.constant 0 : i32
      %dma_start3A_56 = tpu.memref_slice %arg4[%add3A_18, %dma_start3A_55] : memref<10008x128xf32, #tpu.memory_space<vmem_shared>> -> memref<112x128xf32, #tpu.memory_space<vmem_shared>>
      %dma_start3A_57 = arith.constant 0 : i32
      %dma_start3A_58 = arith.constant 0 : i32
      %dma_start3A_59 = tpu.memref_slice %arg6[%dma_start3A_57, %dma_start3A_58] : memref<128x128xf32, #tpu.memory_space<vmem>> -> memref<112x128xf32, #tpu.memory_space<vmem>>
      tpu.enqueue_dma source(%dma_start3A_59 : memref<112x128xf32, #tpu.memory_space<vmem>>) target(%dma_start3A_56 : memref<112x128xf32, #tpu.memory_space<vmem_shared>>) target_semaphore(%run_scoped3A : memref<!tpu.dma_semaphore, #tpu.memory_space<semaphore_mem>>)
      %dma_wait3A = arith.constant 0 : i32
      %dma_wait3A_60 = arith.constant 0 : i32
      %dma_wait3A_61 = tpu.memref_slice %arg6[%dma_wait3A, %dma_wait3A_60] : memref<128x128xf32, #tpu.memory_space<vmem>> -> memref<112x128xf32, #tpu.memory_space<vmem>>
      %dma_wait3A_62 = arith.constant 0 : i32
      %dma_wait3A_63 = tpu.memref_slice %arg4[%add3A_18, %dma_wait3A_62] : memref<10008x128xf32, #tpu.memory_space<vmem_shared>> -> memref<112x128xf32, #tpu.memory_space<vmem_shared>>
      %dma_wait3A_64 = arith.constant 0 : i32
      %dma_wait3A_65 = tpu.memref_slice %arg4[%add3A_18, %dma_wait3A_64] : memref<10008x128xf32, #tpu.memory_space<vmem_shared>> -> memref<112x128xf32, #tpu.memory_space<vmem_shared>>
      %dma_wait3A_66 = arith.constant 0 : i32
      %dma_wait3A_67 = arith.constant 0 : i32
      %dma_wait3A_68 = tpu.memref_slice %arg6[%dma_wait3A_66, %dma_wait3A_67] : memref<128x128xf32, #tpu.memory_space<vmem>> -> memref<112x128xf32, #tpu.memory_space<vmem>>
      tpu.wait_dma2 semaphore(%run_scoped3A : memref<!tpu.dma_semaphore, #tpu.memory_space<semaphore_mem>>) src(%dma_wait3A_68 : memref<112x128xf32, #tpu.memory_space<vmem>>) dst(%dma_wait3A_65 : memref<112x128xf32, #tpu.memory_space<vmem_shared>>)
      tpu.yield
    }) : () -> ()
    %eq3A = arith.constant 15 : i32
    %eq3A_19 = arith.cmpi eq, %arg1, %eq3A : i32
    %convert_element_type3A = arith.extui %eq3A_19 : i1 to i32
    %cond3A = arith.constant 0 : i32
    %cond3A_20 = arith.cmpi ne, %convert_element_type3A, %cond3A : i32
    scf.if %cond3A_20 {
      "tpu.region"() ({
        %run_scoped3A = tpu.sem_alloc : memref<!tpu.dma_semaphore, #tpu.memory_space<semaphore_mem>>
        %dma_start3A = arith.constant 0 : i32
        %dma_start3A_51 = arith.constant 0 : i32
        %dma_start3A_52 = tpu.memref_slice %arg6[%dma_start3A, %dma_start3A_51] : memref<128x128xf32, #tpu.memory_space<vmem>> -> memref<24x128xf32, #tpu.memory_space<vmem>>
        %dma_start3A_53 = arith.constant 9984 : i32
        %dma_start3A_54 = arith.constant 0 : i32
        %dma_start3A_55 = tpu.memref_slice %arg4[%dma_start3A_53, %dma_start3A_54] : memref<10008x128xf32, #tpu.memory_space<vmem_shared>> -> memref<24x128xf32, #tpu.memory_space<vmem_shared>>
        %dma_start3A_56 = arith.constant 9984 : i32
        %dma_start3A_57 = arith.constant 0 : i32
        %dma_start3A_58 = tpu.memref_slice %arg4[%dma_start3A_56, %dma_start3A_57] : memref<10008x128xf32, #tpu.memory_space<vmem_shared>> -> memref<24x128xf32, #tpu.memory_space<vmem_shared>>
        %dma_start3A_59 = arith.constant 0 : i32
        %dma_start3A_60 = arith.constant 0 : i32
        %dma_start3A_61 = tpu.memref_slice %arg6[%dma_start3A_59, %dma_start3A_60] : memref<128x128xf32, #tpu.memory_space<vmem>> -> memref<24x128xf32, #tpu.memory_space<vmem>>
        tpu.enqueue_dma source(%dma_start3A_61 : memref<24x128xf32, #tpu.memory_space<vmem>>) target(%dma_start3A_58 : memref<24x128xf32, #tpu.memory_space<vmem_shared>>) target_semaphore(%run_scoped3A : memref<!tpu.dma_semaphore, #tpu.memory_space<semaphore_mem>>)
        %dma_wait3A = arith.constant 0 : i32
        %dma_wait3A_62 = arith.constant 0 : i32
        %dma_wait3A_63 = tpu.memref_slice %arg6[%dma_wait3A, %dma_wait3A_62] : memref<128x128xf32, #tpu.memory_space<vmem>> -> memref<24x128xf32, #tpu.memory_space<vmem>>
        %dma_wait3A_64 = arith.constant 9984 : i32
        %dma_wait3A_65 = arith.constant 0 : i32
        %dma_wait3A_66 = tpu.memref_slice %arg4[%dma_wait3A_64, %dma_wait3A_65] : memref<10008x128xf32, #tpu.memory_space<vmem_shared>> -> memref<24x128xf32, #tpu.memory_space<vmem_shared>>
        %dma_wait3A_67 = arith.constant 9984 : i32
        %dma_wait3A_68 = arith.constant 0 : i32
        %dma_wait3A_69 = tpu.memref_slice %arg4[%dma_wait3A_67, %dma_wait3A_68] : memref<10008x128xf32, #tpu.memory_space<vmem_shared>> -> memref<24x128xf32, #tpu.memory_space<vmem_shared>>
        %dma_wait3A_70 = arith.constant 0 : i32
        %dma_wait3A_71 = arith.constant 0 : i32
        %dma_wait3A_72 = tpu.memref_slice %arg6[%dma_wait3A_70, %dma_wait3A_71] : memref<128x128xf32, #tpu.memory_space<vmem>> -> memref<24x128xf32, #tpu.memory_space<vmem>>
        tpu.wait_dma2 semaphore(%run_scoped3A : memref<!tpu.dma_semaphore, #tpu.memory_space<semaphore_mem>>) src(%dma_wait3A_72 : memref<24x128xf32, #tpu.memory_space<vmem>>) dst(%dma_wait3A_69 : memref<24x128xf32, #tpu.memory_space<vmem_shared>>)
        tpu.yield
      }) : () -> ()
    } else {
    }
    %broadcast_in_dim3A_21 = arith.constant 1.000000e+00 : f32
    %broadcast_in_dim3A_22 = vector.broadcast %broadcast_in_dim3A_21 : f32 to vector<16xf32>
    %scan3A_23 = arith.constant 0 : i32
    %scan3A_24 = arith.constant 0 : i32
    %scan3A_25 = arith.constant 128 : i32
    %scan3A_26 = arith.addi %scan3A_24, %scan3A_25 : i32
    %scan3A_27 = arith.constant 1 : i32
    %scan3A_28 = scf.for %scan3A_51 = %scan3A_24 to %scan3A_26 step %scan3A_27 iter_args(%scan3A_52 = %scan3A_23) -> (i32)  : i32 {
      %scan3A_53 = arith.constant 0 : i32
      %scan3A_54 = arith.constant 0 : i32
      %scan3A_55 = arith.constant 8 : i32
      %scan3A_56 = arith.addi %scan3A_54, %scan3A_55 : i32
      %scan3A_57 = arith.constant 1 : i32
      %scan3A_58 = scf.for %scan3A_61 = %scan3A_54 to %scan3A_56 step %scan3A_57 iter_args(%scan3A_62 = %scan3A_53) -> (i32)  : i32 {
        %mul3A_63 = arith.constant 16 : i32
        %mul3A_64 = arith.muli %scan3A_61, %mul3A_63 : i32
        %swap3A = arith.index_cast %scan3A_51 : i32 to index
        %swap3A_65 = arith.index_cast %mul3A_64 : i32 to index
        %swap3A_66 = tpu.vector_load %arg6[%swap3A, %swap3A_65] {strides = array<i32>} : memref<128x128xf32, #tpu.memory_space<vmem>>, vector<1x16xf32>,
        %swap3A_67 = vector.shape_cast %swap3A_66 : vector<1x16xf32> to vector<16xf32>
        %swap3A_68 = vector.shape_cast %broadcast_in_dim3A_22 : vector<16xf32> to vector<1x16xf32>
        tpu.vector_store %arg6[%swap3A, %swap3A_65], %swap3A_68 {strides = array<i32>} : memref<128x128xf32, #tpu.memory_space<vmem>>, vector<1x16xf32>,
        %scan3A_69 = arith.constant 0 : i32
        scf.yield %scan3A_69 : i32
      }
      %scan3A_59 = arith.constant 8 : i32
      %scan3A_60 = arith.constant 0 : i32
      scf.yield %scan3A_60 : i32
    }
    %scan3A_29 = arith.constant 128 : i32
    %barrier3A = arith.constant 0 : index
    tpu.barrier barrier_id(%barrier3A)
    %scan3A_30 = arith.constant 0 : i32
    %scan3A_31 = arith.constant 0 : i32
    %scan3A_32 = arith.constant 2 : i32
    %scan3A_33 = arith.addi %scan3A_31, %scan3A_32 : i32
    %scan3A_34 = arith.constant 1 : i32
    %scan3A_35 = scf.for %scan3A_51 = %scan3A_31 to %scan3A_33 step %scan3A_34 iter_args(%scan3A_52 = %scan3A_30) -> (i32)  : i32 {
      %mul3A_53 = arith.constant 20 : i32
      %mul3A_54 = arith.muli %mul3A_53, %scan3A_51 : i32
      %add3A_55 = arith.constant 0 : i32
      %add3A_56 = arith.addi %mul3A_54, %add3A_55 : i32
      %mul3A_57 = arith.constant 2 : i32
      %mul3A_58 = arith.muli %mul3A_57, %add3A_56 : i32
      %add3A_59 = arith.addi %mul3A_58, %arg0 : i32
      %dma_start3A = arith.constant 0 : i32
      %dma_start3A_60 = tpu.memref_slice %arg5[%add3A_59, %dma_start3A] : memref<80x128xi32, #tpu.memory_space<vmem>> -> memref<1x128xi32, #tpu.memory_space<vmem>>
      %dma_start3A_61 = tpu.memref_squeeze %dma_start3A_60 : memref<1x128xi32, #tpu.memory_space<vmem>> -> memref<128xi32, #tpu.memory_space<vmem>>
      %dma_start3A_62 = arith.constant 0 : i32
      %dma_start3A_63 = arith.constant 0 : i32
      %dma_start3A_64 = tpu.memref_slice %arg4[%dma_start3A_62, %dma_start3A_63] : memref<10008x128xf32, #tpu.memory_space<vmem_shared>> -> memref<10008x128xf32, #tpu.memory_space<vmem_shared>>
      tpu.enqueue_indirect_dma source(%arg6 : memref<128x128xf32, #tpu.memory_space<vmem>>) target(%dma_start3A_64 : memref<10008x128xf32, #tpu.memory_space<vmem_shared>>) offsets(%dma_start3A_61 : memref<128xi32, #tpu.memory_space<vmem>>) semaphore(%arg7 : memref<!tpu.dma_semaphore, #tpu.memory_space<semaphore_mem>>) {add = true}
      %mul3A_65 = arith.constant 20 : i32
      %mul3A_66 = arith.muli %mul3A_65, %scan3A_51 : i32
      %add3A_67 = arith.constant 1 : i32
      %add3A_68 = arith.addi %mul3A_66, %add3A_67 : i32
      %mul3A_69 = arith.constant 2 : i32
      %mul3A_70 = arith.muli %mul3A_69, %add3A_68 : i32
      %add3A_71 = arith.addi %mul3A_70, %arg0 : i32
      %dma_start3A_72 = arith.constant 0 : i32
      %dma_start3A_73 = tpu.memref_slice %arg5[%add3A_71, %dma_start3A_72] : memref<80x128xi32, #tpu.memory_space<vmem>> -> memref<1x128xi32, #tpu.memory_space<vmem>>
      %dma_start3A_74 = tpu.memref_squeeze %dma_start3A_73 : memref<1x128xi32, #tpu.memory_space<vmem>> -> memref<128xi32, #tpu.memory_space<vmem>>
      %dma_start3A_75 = arith.constant 0 : i32
      %dma_start3A_76 = arith.constant 0 : i32
      %dma_start3A_77 = tpu.memref_slice %arg4[%dma_start3A_75, %dma_start3A_76] : memref<10008x128xf32, #tpu.memory_space<vmem_shared>> -> memref<10008x128xf32, #tpu.memory_space<vmem_shared>>
      tpu.enqueue_indirect_dma source(%arg6 : memref<128x128xf32, #tpu.memory_space<vmem>>) target(%dma_start3A_77 : memref<10008x128xf32, #tpu.memory_space<vmem_shared>>) offsets(%dma_start3A_74 : memref<128xi32, #tpu.memory_space<vmem>>) semaphore(%arg7 : memref<!tpu.dma_semaphore, #tpu.memory_space<semaphore_mem>>) {add = true}
      %mul3A_78 = arith.constant 20 : i32
      %mul3A_79 = arith.muli %mul3A_78, %scan3A_51 : i32
      %add3A_80 = arith.constant 2 : i32
      %add3A_81 = arith.addi %mul3A_79, %add3A_80 : i32
      %mul3A_82 = arith.constant 2 : i32
      %mul3A_83 = arith.muli %mul3A_82, %add3A_81 : i32
      %add3A_84 = arith.addi %mul3A_83, %arg0 : i32
      %dma_start3A_85 = arith.constant 0 : i32
      %dma_start3A_86 = tpu.memref_slice %arg5[%add3A_84, %dma_start3A_85] : memref<80x128xi32, #tpu.memory_space<vmem>> -> memref<1x128xi32, #tpu.memory_space<vmem>>
      %dma_start3A_87 = tpu.memref_squeeze %dma_start3A_86 : memref<1x128xi32, #tpu.memory_space<vmem>> -> memref<128xi32, #tpu.memory_space<vmem>>
      %dma_start3A_88 = arith.constant 0 : i32
      %dma_start3A_89 = arith.constant 0 : i32
      %dma_start3A_90 = tpu.memref_slice %arg4[%dma_start3A_88, %dma_start3A_89] : memref<10008x128xf32, #tpu.memory_space<vmem_shared>> -> memref<10008x128xf32, #tpu.memory_space<vmem_shared>>
      tpu.enqueue_indirect_dma source(%arg6 : memref<128x128xf32, #tpu.memory_space<vmem>>) target(%dma_start3A_90 : memref<10008x128xf32, #tpu.memory_space<vmem_shared>>) offsets(%dma_start3A_87 : memref<128xi32, #tpu.memory_space<vmem>>) semaphore(%arg7 : memref<!tpu.dma_semaphore, #tpu.memory_space<semaphore_mem>>) {add = true}
      %mul3A_91 = arith.constant 20 : i32
      %mul3A_92 = arith.muli %mul3A_91, %scan3A_51 : i32
      %add3A_93 = arith.constant 3 : i32
      %add3A_94 = arith.addi %mul3A_92, %add3A_93 : i32
      %mul3A_95 = arith.constant 2 : i32
      %mul3A_96 = arith.muli %mul3A_95, %add3A_94 : i32
      %add3A_97 = arith.addi %mul3A_96, %arg0 : i32
      %dma_start3A_98 = arith.constant 0 : i32
      %dma_start3A_99 = tpu.memref_slice %arg5[%add3A_97, %dma_start3A_98] : memref<80x128xi32, #tpu.memory_space<vmem>> -> memref<1x128xi32, #tpu.memory_space<vmem>>
      %dma_start3A_100 = tpu.memref_squeeze %dma_start3A_99 : memref<1x128xi32, #tpu.memory_space<vmem>> -> memref<128xi32, #tpu.memory_space<vmem>>
      %dma_start3A_101 = arith.constant 0 : i32
      %dma_start3A_102 = arith.constant 0 : i32
      %dma_start3A_103 = tpu.memref_slice %arg4[%dma_start3A_101, %dma_start3A_102] : memref<10008x128xf32, #tpu.memory_space<vmem_shared>> -> memref<10008x128xf32, #tpu.memory_space<vmem_shared>>
      tpu.enqueue_indirect_dma source(%arg6 : memref<128x128xf32, #tpu.memory_space<vmem>>) target(%dma_start3A_103 : memref<10008x128xf32, #tpu.memory_space<vmem_shared>>) offsets(%dma_start3A_100 : memref<128xi32, #tpu.memory_space<vmem>>) semaphore(%arg7 : memref<!tpu.dma_semaphore, #tpu.memory_space<semaphore_mem>>) {add = true}
      %mul3A_104 = arith.constant 20 : i32
      %mul3A_105 = arith.muli %mul3A_104, %scan3A_51 : i32
      %add3A_106 = arith.constant 4 : i32
      %add3A_107 = arith.addi %mul3A_105, %add3A_106 : i32
      %mul3A_108 = arith.constant 2 : i32
      %mul3A_109 = arith.muli %mul3A_108, %add3A_107 : i32
      %add3A_110 = arith.addi %mul3A_109, %arg0 : i32
      %dma_start3A_111 = arith.constant 0 : i32
      %dma_start3A_112 = tpu.memref_slice %arg5[%add3A_110, %dma_start3A_111] : memref<80x128xi32, #tpu.memory_space<vmem>> -> memref<1x128xi32, #tpu.memory_space<vmem>>
      %dma_start3A_113 = tpu.memref_squeeze %dma_start3A_112 : memref<1x128xi32, #tpu.memory_space<vmem>> -> memref<128xi32, #tpu.memory_space<vmem>>
      %dma_start3A_114 = arith.constant 0 : i32
      %dma_start3A_115 = arith.constant 0 : i32
      %dma_start3A_116 = tpu.memref_slice %arg4[%dma_start3A_114, %dma_start3A_115] : memref<10008x128xf32, #tpu.memory_space<vmem_shared>> -> memref<10008x128xf32, #tpu.memory_space<vmem_shared>>
      tpu.enqueue_indirect_dma source(%arg6 : memref<128x128xf32, #tpu.memory_space<vmem>>) target(%dma_start3A_116 : memref<10008x128xf32, #tpu.memory_space<vmem_shared>>) offsets(%dma_start3A_113 : memref<128xi32, #tpu.memory_space<vmem>>) semaphore(%arg7 : memref<!tpu.dma_semaphore, #tpu.memory_space<semaphore_mem>>) {add = true}
      %mul3A_117 = arith.constant 20 : i32
      %mul3A_118 = arith.muli %mul3A_117, %scan3A_51 : i32
      %add3A_119 = arith.constant 5 : i32
      %add3A_120 = arith.addi %mul3A_118, %add3A_119 : i32
      %mul3A_121 = arith.constant 2 : i32
      %mul3A_122 = arith.muli %mul3A_121, %add3A_120 : i32
      %add3A_123 = arith.addi %mul3A_122, %arg0 : i32
      %dma_start3A_124 = arith.constant 0 : i32
      %dma_start3A_125 = tpu.memref_slice %arg5[%add3A_123, %dma_start3A_124] : memref<80x128xi32, #tpu.memory_space<vmem>> -> memref<1x128xi32, #tpu.memory_space<vmem>>
      %dma_start3A_126 = tpu.memref_squeeze %dma_start3A_125 : memref<1x128xi32, #tpu.memory_space<vmem>> -> memref<128xi32, #tpu.memory_space<vmem>>
      %dma_start3A_127 = arith.constant 0 : i32
      %dma_start3A_128 = arith.constant 0 : i32
      %dma_start3A_129 = tpu.memref_slice %arg4[%dma_start3A_127, %dma_start3A_128] : memref<10008x128xf32, #tpu.memory_space<vmem_shared>> -> memref<10008x128xf32, #tpu.memory_space<vmem_shared>>
      tpu.enqueue_indirect_dma source(%arg6 : memref<128x128xf32, #tpu.memory_space<vmem>>) target(%dma_start3A_129 : memref<10008x128xf32, #tpu.memory_space<vmem_shared>>) offsets(%dma_start3A_126 : memref<128xi32, #tpu.memory_space<vmem>>) semaphore(%arg7 : memref<!tpu.dma_semaphore, #tpu.memory_space<semaphore_mem>>) {add = true}
      %mul3A_130 = arith.constant 20 : i32
      %mul3A_131 = arith.muli %mul3A_130, %scan3A_51 : i32
      %add3A_132 = arith.constant 6 : i32
      %add3A_133 = arith.addi %mul3A_131, %add3A_132 : i32
      %mul3A_134 = arith.constant 2 : i32
      %mul3A_135 = arith.muli %mul3A_134, %add3A_133 : i32
      %add3A_136 = arith.addi %mul3A_135, %arg0 : i32
      %dma_start3A_137 = arith.constant 0 : i32
      %dma_start3A_138 = tpu.memref_slice %arg5[%add3A_136, %dma_start3A_137] : memref<80x128xi32, #tpu.memory_space<vmem>> -> memref<1x128xi32, #tpu.memory_space<vmem>>
      %dma_start3A_139 = tpu.memref_squeeze %dma_start3A_138 : memref<1x128xi32, #tpu.memory_space<vmem>> -> memref<128xi32, #tpu.memory_space<vmem>>
      %dma_start3A_140 = arith.constant 0 : i32
      %dma_start3A_141 = arith.constant 0 : i32
      %dma_start3A_142 = tpu.memref_slice %arg4[%dma_start3A_140, %dma_start3A_141] : memref<10008x128xf32, #tpu.memory_space<vmem_shared>> -> memref<10008x128xf32, #tpu.memory_space<vmem_shared>>
      tpu.enqueue_indirect_dma source(%arg6 : memref<128x128xf32, #tpu.memory_space<vmem>>) target(%dma_start3A_142 : memref<10008x128xf32, #tpu.memory_space<vmem_shared>>) offsets(%dma_start3A_139 : memref<128xi32, #tpu.memory_space<vmem>>) semaphore(%arg7 : memref<!tpu.dma_semaphore, #tpu.memory_space<semaphore_mem>>) {add = true}
      %mul3A_143 = arith.constant 20 : i32
      %mul3A_144 = arith.muli %mul3A_143, %scan3A_51 : i32
      %add3A_145 = arith.constant 7 : i32
      %add3A_146 = arith.addi %mul3A_144, %add3A_145 : i32
      %mul3A_147 = arith.constant 2 : i32
      %mul3A_148 = arith.muli %mul3A_147, %add3A_146 : i32
      %add3A_149 = arith.addi %mul3A_148, %arg0 : i32
      %dma_start3A_150 = arith.constant 0 : i32
      %dma_start3A_151 = tpu.memref_slice %arg5[%add3A_149, %dma_start3A_150] : memref<80x128xi32, #tpu.memory_space<vmem>> -> memref<1x128xi32, #tpu.memory_space<vmem>>
      %dma_start3A_152 = tpu.memref_squeeze %dma_start3A_151 : memref<1x128xi32, #tpu.memory_space<vmem>> -> memref<128xi32, #tpu.memory_space<vmem>>
      %dma_start3A_153 = arith.constant 0 : i32
      %dma_start3A_154 = arith.constant 0 : i32
      %dma_start3A_155 = tpu.memref_slice %arg4[%dma_start3A_153, %dma_start3A_154] : memref<10008x128xf32, #tpu.memory_space<vmem_shared>> -> memref<10008x128xf32, #tpu.memory_space<vmem_shared>>
      tpu.enqueue_indirect_dma source(%arg6 : memref<128x128xf32, #tpu.memory_space<vmem>>) target(%dma_start3A_155 : memref<10008x128xf32, #tpu.memory_space<vmem_shared>>) offsets(%dma_start3A_152 : memref<128xi32, #tpu.memory_space<vmem>>) semaphore(%arg7 : memref<!tpu.dma_semaphore, #tpu.memory_space<semaphore_mem>>) {add = true}
      %mul3A_156 = arith.constant 20 : i32
      %mul3A_157 = arith.muli %mul3A_156, %scan3A_51 : i32
      %add3A_158 = arith.constant 8 : i32
      %add3A_159 = arith.addi %mul3A_157, %add3A_158 : i32
      %mul3A_160 = arith.constant 2 : i32
      %mul3A_161 = arith.muli %mul3A_160, %add3A_159 : i32
      %add3A_162 = arith.addi %mul3A_161, %arg0 : i32
      %dma_start3A_163 = arith.constant 0 : i32
      %dma_start3A_164 = tpu.memref_slice %arg5[%add3A_162, %dma_start3A_163] : memref<80x128xi32, #tpu.memory_space<vmem>> -> memref<1x128xi32, #tpu.memory_space<vmem>>
      %dma_start3A_165 = tpu.memref_squeeze %dma_start3A_164 : memref<1x128xi32, #tpu.memory_space<vmem>> -> memref<128xi32, #tpu.memory_space<vmem>>
      %dma_start3A_166 = arith.constant 0 : i32
      %dma_start3A_167 = arith.constant 0 : i32
      %dma_start3A_168 = tpu.memref_slice %arg4[%dma_start3A_166, %dma_start3A_167] : memref<10008x128xf32, #tpu.memory_space<vmem_shared>> -> memref<10008x128xf32, #tpu.memory_space<vmem_shared>>
      tpu.enqueue_indirect_dma source(%arg6 : memref<128x128xf32, #tpu.memory_space<vmem>>) target(%dma_start3A_168 : memref<10008x128xf32, #tpu.memory_space<vmem_shared>>) offsets(%dma_start3A_165 : memref<128xi32, #tpu.memory_space<vmem>>) semaphore(%arg7 : memref<!tpu.dma_semaphore, #tpu.memory_space<semaphore_mem>>) {add = true}
      %mul3A_169 = arith.constant 20 : i32
      %mul3A_170 = arith.muli %mul3A_169, %scan3A_51 : i32
      %add3A_171 = arith.constant 9 : i32
      %add3A_172 = arith.addi %mul3A_170, %add3A_171 : i32
      %mul3A_173 = arith.constant 2 : i32
      %mul3A_174 = arith.muli %mul3A_173, %add3A_172 : i32
      %add3A_175 = arith.addi %mul3A_174, %arg0 : i32
      %dma_start3A_176 = arith.constant 0 : i32
      %dma_start3A_177 = tpu.memref_slice %arg5[%add3A_175, %dma_start3A_176] : memref<80x128xi32, #tpu.memory_space<vmem>> -> memref<1x128xi32, #tpu.memory_space<vmem>>
      %dma_start3A_178 = tpu.memref_squeeze %dma_start3A_177 : memref<1x128xi32, #tpu.memory_space<vmem>> -> memref<128xi32, #tpu.memory_space<vmem>>
      %dma_start3A_179 = arith.constant 0 : i32
      %dma_start3A_180 = arith.constant 0 : i32
      %dma_start3A_181 = tpu.memref_slice %arg4[%dma_start3A_179, %dma_start3A_180] : memref<10008x128xf32, #tpu.memory_space<vmem_shared>> -> memref<10008x128xf32, #tpu.memory_space<vmem_shared>>
      tpu.enqueue_indirect_dma source(%arg6 : memref<128x128xf32, #tpu.memory_space<vmem>>) target(%dma_start3A_181 : memref<10008x128xf32, #tpu.memory_space<vmem_shared>>) offsets(%dma_start3A_178 : memref<128xi32, #tpu.memory_space<vmem>>) semaphore(%arg7 : memref<!tpu.dma_semaphore, #tpu.memory_space<semaphore_mem>>) {add = true}
      %mul3A_182 = arith.constant 20 : i32
      %mul3A_183 = arith.muli %mul3A_182, %scan3A_51 : i32
      %add3A_184 = arith.constant 10 : i32
      %add3A_185 = arith.addi %mul3A_183, %add3A_184 : i32
      %mul3A_186 = arith.constant 2 : i32
      %mul3A_187 = arith.muli %mul3A_186, %add3A_185 : i32
      %add3A_188 = arith.addi %mul3A_187, %arg0 : i32
      %dma_start3A_189 = arith.constant 0 : i32
      %dma_start3A_190 = tpu.memref_slice %arg5[%add3A_188, %dma_start3A_189] : memref<80x128xi32, #tpu.memory_space<vmem>> -> memref<1x128xi32, #tpu.memory_space<vmem>>
      %dma_start3A_191 = tpu.memref_squeeze %dma_start3A_190 : memref<1x128xi32, #tpu.memory_space<vmem>> -> memref<128xi32, #tpu.memory_space<vmem>>
      %dma_start3A_192 = arith.constant 0 : i32
      %dma_start3A_193 = arith.constant 0 : i32
      %dma_start3A_194 = tpu.memref_slice %arg4[%dma_start3A_192, %dma_start3A_193] : memref<10008x128xf32, #tpu.memory_space<vmem_shared>> -> memref<10008x128xf32, #tpu.memory_space<vmem_shared>>
      tpu.enqueue_indirect_dma source(%arg6 : memref<128x128xf32, #tpu.memory_space<vmem>>) target(%dma_start3A_194 : memref<10008x128xf32, #tpu.memory_space<vmem_shared>>) offsets(%dma_start3A_191 : memref<128xi32, #tpu.memory_space<vmem>>) semaphore(%arg7 : memref<!tpu.dma_semaphore, #tpu.memory_space<semaphore_mem>>) {add = true}
      %mul3A_195 = arith.constant 20 : i32
      %mul3A_196 = arith.muli %mul3A_195, %scan3A_51 : i32
      %add3A_197 = arith.constant 11 : i32
      %add3A_198 = arith.addi %mul3A_196, %add3A_197 : i32
      %mul3A_199 = arith.constant 2 : i32
      %mul3A_200 = arith.muli %mul3A_199, %add3A_198 : i32
      %add3A_201 = arith.addi %mul3A_200, %arg0 : i32
      %dma_start3A_202 = arith.constant 0 : i32
      %dma_start3A_203 = tpu.memref_slice %arg5[%add3A_201, %dma_start3A_202] : memref<80x128xi32, #tpu.memory_space<vmem>> -> memref<1x128xi32, #tpu.memory_space<vmem>>
      %dma_start3A_204 = tpu.memref_squeeze %dma_start3A_203 : memref<1x128xi32, #tpu.memory_space<vmem>> -> memref<128xi32, #tpu.memory_space<vmem>>
      %dma_start3A_205 = arith.constant 0 : i32
      %dma_start3A_206 = arith.constant 0 : i32
      %dma_start3A_207 = tpu.memref_slice %arg4[%dma_start3A_205, %dma_start3A_206] : memref<10008x128xf32, #tpu.memory_space<vmem_shared>> -> memref<10008x128xf32, #tpu.memory_space<vmem_shared>>
      tpu.enqueue_indirect_dma source(%arg6 : memref<128x128xf32, #tpu.memory_space<vmem>>) target(%dma_start3A_207 : memref<10008x128xf32, #tpu.memory_space<vmem_shared>>) offsets(%dma_start3A_204 : memref<128xi32, #tpu.memory_space<vmem>>) semaphore(%arg7 : memref<!tpu.dma_semaphore, #tpu.memory_space<semaphore_mem>>) {add = true}
      %mul3A_208 = arith.constant 20 : i32
      %mul3A_209 = arith.muli %mul3A_208, %scan3A_51 : i32
      %add3A_210 = arith.constant 12 : i32
      %add3A_211 = arith.addi %mul3A_209, %add3A_210 : i32
      %mul3A_212 = arith.constant 2 : i32
      %mul3A_213 = arith.muli %mul3A_212, %add3A_211 : i32
      %add3A_214 = arith.addi %mul3A_213, %arg0 : i32
      %dma_start3A_215 = arith.constant 0 : i32
      %dma_start3A_216 = tpu.memref_slice %arg5[%add3A_214, %dma_start3A_215] : memref<80x128xi32, #tpu.memory_space<vmem>> -> memref<1x128xi32, #tpu.memory_space<vmem>>
      %dma_start3A_217 = tpu.memref_squeeze %dma_start3A_216 : memref<1x128xi32, #tpu.memory_space<vmem>> -> memref<128xi32, #tpu.memory_space<vmem>>
      %dma_start3A_218 = arith.constant 0 : i32
      %dma_start3A_219 = arith.constant 0 : i32
      %dma_start3A_220 = tpu.memref_slice %arg4[%dma_start3A_218, %dma_start3A_219] : memref<10008x128xf32, #tpu.memory_space<vmem_shared>> -> memref<10008x128xf32, #tpu.memory_space<vmem_shared>>
      tpu.enqueue_indirect_dma source(%arg6 : memref<128x128xf32, #tpu.memory_space<vmem>>) target(%dma_start3A_220 : memref<10008x128xf32, #tpu.memory_space<vmem_shared>>) offsets(%dma_start3A_217 : memref<128xi32, #tpu.memory_space<vmem>>) semaphore(%arg7 : memref<!tpu.dma_semaphore, #tpu.memory_space<semaphore_mem>>) {add = true}
      %mul3A_221 = arith.constant 20 : i32
      %mul3A_222 = arith.muli %mul3A_221, %scan3A_51 : i32
      %add3A_223 = arith.constant 13 : i32
      %add3A_224 = arith.addi %mul3A_222, %add3A_223 : i32
      %mul3A_225 = arith.constant 2 : i32
      %mul3A_226 = arith.muli %mul3A_225, %add3A_224 : i32
      %add3A_227 = arith.addi %mul3A_226, %arg0 : i32
      %dma_start3A_228 = arith.constant 0 : i32
      %dma_start3A_229 = tpu.memref_slice %arg5[%add3A_227, %dma_start3A_228] : memref<80x128xi32, #tpu.memory_space<vmem>> -> memref<1x128xi32, #tpu.memory_space<vmem>>
      %dma_start3A_230 = tpu.memref_squeeze %dma_start3A_229 : memref<1x128xi32, #tpu.memory_space<vmem>> -> memref<128xi32, #tpu.memory_space<vmem>>
      %dma_start3A_231 = arith.constant 0 : i32
      %dma_start3A_232 = arith.constant 0 : i32
      %dma_start3A_233 = tpu.memref_slice %arg4[%dma_start3A_231, %dma_start3A_232] : memref<10008x128xf32, #tpu.memory_space<vmem_shared>> -> memref<10008x128xf32, #tpu.memory_space<vmem_shared>>
      tpu.enqueue_indirect_dma source(%arg6 : memref<128x128xf32, #tpu.memory_space<vmem>>) target(%dma_start3A_233 : memref<10008x128xf32, #tpu.memory_space<vmem_shared>>) offsets(%dma_start3A_230 : memref<128xi32, #tpu.memory_space<vmem>>) semaphore(%arg7 : memref<!tpu.dma_semaphore, #tpu.memory_space<semaphore_mem>>) {add = true}
      %mul3A_234 = arith.constant 20 : i32
      %mul3A_235 = arith.muli %mul3A_234, %scan3A_51 : i32
      %add3A_236 = arith.constant 14 : i32
      %add3A_237 = arith.addi %mul3A_235, %add3A_236 : i32
      %mul3A_238 = arith.constant 2 : i32
      %mul3A_239 = arith.muli %mul3A_238, %add3A_237 : i32
      %add3A_240 = arith.addi %mul3A_239, %arg0 : i32
      %dma_start3A_241 = arith.constant 0 : i32
      %dma_start3A_242 = tpu.memref_slice %arg5[%add3A_240, %dma_start3A_241] : memref<80x128xi32, #tpu.memory_space<vmem>> -> memref<1x128xi32, #tpu.memory_space<vmem>>
      %dma_start3A_243 = tpu.memref_squeeze %dma_start3A_242 : memref<1x128xi32, #tpu.memory_space<vmem>> -> memref<128xi32, #tpu.memory_space<vmem>>
      %dma_start3A_244 = arith.constant 0 : i32
      %dma_start3A_245 = arith.constant 0 : i32
      %dma_start3A_246 = tpu.memref_slice %arg4[%dma_start3A_244, %dma_start3A_245] : memref<10008x128xf32, #tpu.memory_space<vmem_shared>> -> memref<10008x128xf32, #tpu.memory_space<vmem_shared>>
      tpu.enqueue_indirect_dma source(%arg6 : memref<128x128xf32, #tpu.memory_space<vmem>>) target(%dma_start3A_246 : memref<10008x128xf32, #tpu.memory_space<vmem_shared>>) offsets(%dma_start3A_243 : memref<128xi32, #tpu.memory_space<vmem>>) semaphore(%arg7 : memref<!tpu.dma_semaphore, #tpu.memory_space<semaphore_mem>>) {add = true}
      %mul3A_247 = arith.constant 20 : i32
      %mul3A_248 = arith.muli %mul3A_247, %scan3A_51 : i32
      %add3A_249 = arith.constant 15 : i32
      %add3A_250 = arith.addi %mul3A_248, %add3A_249 : i32
      %mul3A_251 = arith.constant 2 : i32
      %mul3A_252 = arith.muli %mul3A_251, %add3A_250 : i32
      %add3A_253 = arith.addi %mul3A_252, %arg0 : i32
      %dma_start3A_254 = arith.constant 0 : i32
      %dma_start3A_255 = tpu.memref_slice %arg5[%add3A_253, %dma_start3A_254] : memref<80x128xi32, #tpu.memory_space<vmem>> -> memref<1x128xi32, #tpu.memory_space<vmem>>
      %dma_start3A_256 = tpu.memref_squeeze %dma_start3A_255 : memref<1x128xi32, #tpu.memory_space<vmem>> -> memref<128xi32, #tpu.memory_space<vmem>>
      %dma_start3A_257 = arith.constant 0 : i32
      %dma_start3A_258 = arith.constant 0 : i32
      %dma_start3A_259 = tpu.memref_slice %arg4[%dma_start3A_257, %dma_start3A_258] : memref<10008x128xf32, #tpu.memory_space<vmem_shared>> -> memref<10008x128xf32, #tpu.memory_space<vmem_shared>>
      tpu.enqueue_indirect_dma source(%arg6 : memref<128x128xf32, #tpu.memory_space<vmem>>) target(%dma_start3A_259 : memref<10008x128xf32, #tpu.memory_space<vmem_shared>>) offsets(%dma_start3A_256 : memref<128xi32, #tpu.memory_space<vmem>>) semaphore(%arg7 : memref<!tpu.dma_semaphore, #tpu.memory_space<semaphore_mem>>) {add = true}
      %mul3A_260 = arith.constant 20 : i32
      %mul3A_261 = arith.muli %mul3A_260, %scan3A_51 : i32
      %add3A_262 = arith.constant 16 : i32
      %add3A_263 = arith.addi %mul3A_261, %add3A_262 : i32
      %mul3A_264 = arith.constant 2 : i32
      %mul3A_265 = arith.muli %mul3A_264, %add3A_263 : i32
      %add3A_266 = arith.addi %mul3A_265, %arg0 : i32
      %dma_start3A_267 = arith.constant 0 : i32
      %dma_start3A_268 = tpu.memref_slice %arg5[%add3A_266, %dma_start3A_267] : memref<80x128xi32, #tpu.memory_space<vmem>> -> memref<1x128xi32, #tpu.memory_space<vmem>>
      %dma_start3A_269 = tpu.memref_squeeze %dma_start3A_268 : memref<1x128xi32, #tpu.memory_space<vmem>> -> memref<128xi32, #tpu.memory_space<vmem>>
      %dma_start3A_270 = arith.constant 0 : i32
      %dma_start3A_271 = arith.constant 0 : i32
      %dma_start3A_272 = tpu.memref_slice %arg4[%dma_start3A_270, %dma_start3A_271] : memref<10008x128xf32, #tpu.memory_space<vmem_shared>> -> memref<10008x128xf32, #tpu.memory_space<vmem_shared>>
      tpu.enqueue_indirect_dma source(%arg6 : memref<128x128xf32, #tpu.memory_space<vmem>>) target(%dma_start3A_272 : memref<10008x128xf32, #tpu.memory_space<vmem_shared>>) offsets(%dma_start3A_269 : memref<128xi32, #tpu.memory_space<vmem>>) semaphore(%arg7 : memref<!tpu.dma_semaphore, #tpu.memory_space<semaphore_mem>>) {add = true}
      %mul3A_273 = arith.constant 20 : i32
      %mul3A_274 = arith.muli %mul3A_273, %scan3A_51 : i32
      %add3A_275 = arith.constant 17 : i32
      %add3A_276 = arith.addi %mul3A_274, %add3A_275 : i32
      %mul3A_277 = arith.constant 2 : i32
      %mul3A_278 = arith.muli %mul3A_277, %add3A_276 : i32
      %add3A_279 = arith.addi %mul3A_278, %arg0 : i32
      %dma_start3A_280 = arith.constant 0 : i32
      %dma_start3A_281 = tpu.memref_slice %arg5[%add3A_279, %dma_start3A_280] : memref<80x128xi32, #tpu.memory_space<vmem>> -> memref<1x128xi32, #tpu.memory_space<vmem>>
      %dma_start3A_282 = tpu.memref_squeeze %dma_start3A_281 : memref<1x128xi32, #tpu.memory_space<vmem>> -> memref<128xi32, #tpu.memory_space<vmem>>
      %dma_start3A_283 = arith.constant 0 : i32
      %dma_start3A_284 = arith.constant 0 : i32
      %dma_start3A_285 = tpu.memref_slice %arg4[%dma_start3A_283, %dma_start3A_284] : memref<10008x128xf32, #tpu.memory_space<vmem_shared>> -> memref<10008x128xf32, #tpu.memory_space<vmem_shared>>
      tpu.enqueue_indirect_dma source(%arg6 : memref<128x128xf32, #tpu.memory_space<vmem>>) target(%dma_start3A_285 : memref<10008x128xf32, #tpu.memory_space<vmem_shared>>) offsets(%dma_start3A_282 : memref<128xi32, #tpu.memory_space<vmem>>) semaphore(%arg7 : memref<!tpu.dma_semaphore, #tpu.memory_space<semaphore_mem>>) {add = true}
      %mul3A_286 = arith.constant 20 : i32
      %mul3A_287 = arith.muli %mul3A_286, %scan3A_51 : i32
      %add3A_288 = arith.constant 18 : i32
      %add3A_289 = arith.addi %mul3A_287, %add3A_288 : i32
      %mul3A_290 = arith.constant 2 : i32
      %mul3A_291 = arith.muli %mul3A_290, %add3A_289 : i32
      %add3A_292 = arith.addi %mul3A_291, %arg0 : i32
      %dma_start3A_293 = arith.constant 0 : i32
      %dma_start3A_294 = tpu.memref_slice %arg5[%add3A_292, %dma_start3A_293] : memref<80x128xi32, #tpu.memory_space<vmem>> -> memref<1x128xi32, #tpu.memory_space<vmem>>
      %dma_start3A_295 = tpu.memref_squeeze %dma_start3A_294 : memref<1x128xi32, #tpu.memory_space<vmem>> -> memref<128xi32, #tpu.memory_space<vmem>>
      %dma_start3A_296 = arith.constant 0 : i32
      %dma_start3A_297 = arith.constant 0 : i32
      %dma_start3A_298 = tpu.memref_slice %arg4[%dma_start3A_296, %dma_start3A_297] : memref<10008x128xf32, #tpu.memory_space<vmem_shared>> -> memref<10008x128xf32, #tpu.memory_space<vmem_shared>>
      tpu.enqueue_indirect_dma source(%arg6 : memref<128x128xf32, #tpu.memory_space<vmem>>) target(%dma_start3A_298 : memref<10008x128xf32, #tpu.memory_space<vmem_shared>>) offsets(%dma_start3A_295 : memref<128xi32, #tpu.memory_space<vmem>>) semaphore(%arg7 : memref<!tpu.dma_semaphore, #tpu.memory_space<semaphore_mem>>) {add = true}
      %mul3A_299 = arith.constant 20 : i32
      %mul3A_300 = arith.muli %mul3A_299, %scan3A_51 : i32
      %add3A_301 = arith.constant 19 : i32
      %add3A_302 = arith.addi %mul3A_300, %add3A_301 : i32
      %mul3A_303 = arith.constant 2 : i32
      %mul3A_304 = arith.muli %mul3A_303, %add3A_302 : i32
      %add3A_305 = arith.addi %mul3A_304, %arg0 : i32
      %dma_start3A_306 = arith.constant 0 : i32
      %dma_start3A_307 = tpu.memref_slice %arg5[%add3A_305, %dma_start3A_306] : memref<80x128xi32, #tpu.memory_space<vmem>> -> memref<1x128xi32, #tpu.memory_space<vmem>>
      %dma_start3A_308 = tpu.memref_squeeze %dma_start3A_307 : memref<1x128xi32, #tpu.memory_space<vmem>> -> memref<128xi32, #tpu.memory_space<vmem>>
      %dma_start3A_309 = arith.constant 0 : i32
      %dma_start3A_310 = arith.constant 0 : i32
      %dma_start3A_311 = tpu.memref_slice %arg4[%dma_start3A_309, %dma_start3A_310] : memref<10008x128xf32, #tpu.memory_space<vmem_shared>> -> memref<10008x128xf32, #tpu.memory_space<vmem_shared>>
      tpu.enqueue_indirect_dma source(%arg6 : memref<128x128xf32, #tpu.memory_space<vmem>>) target(%dma_start3A_311 : memref<10008x128xf32, #tpu.memory_space<vmem_shared>>) offsets(%dma_start3A_308 : memref<128xi32, #tpu.memory_space<vmem>>) semaphore(%arg7 : memref<!tpu.dma_semaphore, #tpu.memory_space<semaphore_mem>>) {add = true}
      %dma_wait3A = arith.constant 0 : i32
      %dma_wait3A_312 = tpu.memref_slice %arg5[%add3A_59, %dma_wait3A] : memref<80x128xi32, #tpu.memory_space<vmem>> -> memref<1x128xi32, #tpu.memory_space<vmem>>
      %dma_wait3A_313 = tpu.memref_squeeze %dma_wait3A_312 : memref<1x128xi32, #tpu.memory_space<vmem>> -> memref<128xi32, #tpu.memory_space<vmem>>
      %dma_wait3A_314 = arith.constant 0 : i32
      %dma_wait3A_315 = arith.constant 0 : i32
      %dma_wait3A_316 = tpu.memref_slice %arg4[%dma_wait3A_314, %dma_wait3A_315] : memref<10008x128xf32, #tpu.memory_space<vmem_shared>> -> memref<10008x128xf32, #tpu.memory_space<vmem_shared>>
      tpu.wait_indirect_dma semaphore(%arg7 : memref<!tpu.dma_semaphore, #tpu.memory_space<semaphore_mem>>) src(%arg6 : memref<128x128xf32, #tpu.memory_space<vmem>>) dst(%dma_wait3A_316 : memref<10008x128xf32, #tpu.memory_space<vmem_shared>>)
      %dma_wait3A_317 = arith.constant 0 : i32
      %dma_wait3A_318 = tpu.memref_slice %arg5[%add3A_71, %dma_wait3A_317] : memref<80x128xi32, #tpu.memory_space<vmem>> -> memref<1x128xi32, #tpu.memory_space<vmem>>
      %dma_wait3A_319 = tpu.memref_squeeze %dma_wait3A_318 : memref<1x128xi32, #tpu.memory_space<vmem>> -> memref<128xi32, #tpu.memory_space<vmem>>
      %dma_wait3A_320 = arith.constant 0 : i32
      %dma_wait3A_321 = arith.constant 0 : i32
      %dma_wait3A_322 = tpu.memref_slice %arg4[%dma_wait3A_320, %dma_wait3A_321] : memref<10008x128xf32, #tpu.memory_space<vmem_shared>> -> memref<10008x128xf32, #tpu.memory_space<vmem_shared>>
      tpu.wait_indirect_dma semaphore(%arg7 : memref<!tpu.dma_semaphore, #tpu.memory_space<semaphore_mem>>) src(%arg6 : memref<128x128xf32, #tpu.memory_space<vmem>>) dst(%dma_wait3A_322 : memref<10008x128xf32, #tpu.memory_space<vmem_shared>>)
      %dma_wait3A_323 = arith.constant 0 : i32
      %dma_wait3A_324 = tpu.memref_slice %arg5[%add3A_84, %dma_wait3A_323] : memref<80x128xi32, #tpu.memory_space<vmem>> -> memref<1x128xi32, #tpu.memory_space<vmem>>
      %dma_wait3A_325 = tpu.memref_squeeze %dma_wait3A_324 : memref<1x128xi32, #tpu.memory_space<vmem>> -> memref<128xi32, #tpu.memory_space<vmem>>
      %dma_wait3A_326 = arith.constant 0 : i32
      %dma_wait3A_327 = arith.constant 0 : i32
      %dma_wait3A_328 = tpu.memref_slice %arg4[%dma_wait3A_326, %dma_wait3A_327] : memref<10008x128xf32, #tpu.memory_space<vmem_shared>> -> memref<10008x128xf32, #tpu.memory_space<vmem_shared>>
      tpu.wait_indirect_dma semaphore(%arg7 : memref<!tpu.dma_semaphore, #tpu.memory_space<semaphore_mem>>) src(%arg6 : memref<128x128xf32, #tpu.memory_space<vmem>>) dst(%dma_wait3A_328 : memref<10008x128xf32, #tpu.memory_space<vmem_shared>>)
      %dma_wait3A_329 = arith.constant 0 : i32
      %dma_wait3A_330 = tpu.memref_slice %arg5[%add3A_97, %dma_wait3A_329] : memref<80x128xi32, #tpu.memory_space<vmem>> -> memref<1x128xi32, #tpu.memory_space<vmem>>
      %dma_wait3A_331 = tpu.memref_squeeze %dma_wait3A_330 : memref<1x128xi32, #tpu.memory_space<vmem>> -> memref<128xi32, #tpu.memory_space<vmem>>
      %dma_wait3A_332 = arith.constant 0 : i32
      %dma_wait3A_333 = arith.constant 0 : i32
      %dma_wait3A_334 = tpu.memref_slice %arg4[%dma_wait3A_332, %dma_wait3A_333] : memref<10008x128xf32, #tpu.memory_space<vmem_shared>> -> memref<10008x128xf32, #tpu.memory_space<vmem_shared>>
      tpu.wait_indirect_dma semaphore(%arg7 : memref<!tpu.dma_semaphore, #tpu.memory_space<semaphore_mem>>) src(%arg6 : memref<128x128xf32, #tpu.memory_space<vmem>>) dst(%dma_wait3A_334 : memref<10008x128xf32, #tpu.memory_space<vmem_shared>>)
      %dma_wait3A_335 = arith.constant 0 : i32
      %dma_wait3A_336 = tpu.memref_slice %arg5[%add3A_110, %dma_wait3A_335] : memref<80x128xi32, #tpu.memory_space<vmem>> -> memref<1x128xi32, #tpu.memory_space<vmem>>
      %dma_wait3A_337 = tpu.memref_squeeze %dma_wait3A_336 : memref<1x128xi32, #tpu.memory_space<vmem>> -> memref<128xi32, #tpu.memory_space<vmem>>
      %dma_wait3A_338 = arith.constant 0 : i32
      %dma_wait3A_339 = arith.constant 0 : i32
      %dma_wait3A_340 = tpu.memref_slice %arg4[%dma_wait3A_338, %dma_wait3A_339] : memref<10008x128xf32, #tpu.memory_space<vmem_shared>> -> memref<10008x128xf32, #tpu.memory_space<vmem_shared>>
      tpu.wait_indirect_dma semaphore(%arg7 : memref<!tpu.dma_semaphore, #tpu.memory_space<semaphore_mem>>) src(%arg6 : memref<128x128xf32, #tpu.memory_space<vmem>>) dst(%dma_wait3A_340 : memref<10008x128xf32, #tpu.memory_space<vmem_shared>>)
      %dma_wait3A_341 = arith.constant 0 : i32
      %dma_wait3A_342 = tpu.memref_slice %arg5[%add3A_123, %dma_wait3A_341] : memref<80x128xi32, #tpu.memory_space<vmem>> -> memref<1x128xi32, #tpu.memory_space<vmem>>
      %dma_wait3A_343 = tpu.memref_squeeze %dma_wait3A_342 : memref<1x128xi32, #tpu.memory_space<vmem>> -> memref<128xi32, #tpu.memory_space<vmem>>
      %dma_wait3A_344 = arith.constant 0 : i32
      %dma_wait3A_345 = arith.constant 0 : i32
      %dma_wait3A_346 = tpu.memref_slice %arg4[%dma_wait3A_344, %dma_wait3A_345] : memref<10008x128xf32, #tpu.memory_space<vmem_shared>> -> memref<10008x128xf32, #tpu.memory_space<vmem_shared>>
      tpu.wait_indirect_dma semaphore(%arg7 : memref<!tpu.dma_semaphore, #tpu.memory_space<semaphore_mem>>) src(%arg6 : memref<128x128xf32, #tpu.memory_space<vmem>>) dst(%dma_wait3A_346 : memref<10008x128xf32, #tpu.memory_space<vmem_shared>>)
      %dma_wait3A_347 = arith.constant 0 : i32
      %dma_wait3A_348 = tpu.memref_slice %arg5[%add3A_136, %dma_wait3A_347] : memref<80x128xi32, #tpu.memory_space<vmem>> -> memref<1x128xi32, #tpu.memory_space<vmem>>
      %dma_wait3A_349 = tpu.memref_squeeze %dma_wait3A_348 : memref<1x128xi32, #tpu.memory_space<vmem>> -> memref<128xi32, #tpu.memory_space<vmem>>
      %dma_wait3A_350 = arith.constant 0 : i32
      %dma_wait3A_351 = arith.constant 0 : i32
      %dma_wait3A_352 = tpu.memref_slice %arg4[%dma_wait3A_350, %dma_wait3A_351] : memref<10008x128xf32, #tpu.memory_space<vmem_shared>> -> memref<10008x128xf32, #tpu.memory_space<vmem_shared>>
      tpu.wait_indirect_dma semaphore(%arg7 : memref<!tpu.dma_semaphore, #tpu.memory_space<semaphore_mem>>) src(%arg6 : memref<128x128xf32, #tpu.memory_space<vmem>>) dst(%dma_wait3A_352 : memref<10008x128xf32, #tpu.memory_space<vmem_shared>>)
      %dma_wait3A_353 = arith.constant 0 : i32
      %dma_wait3A_354 = tpu.memref_slice %arg5[%add3A_149, %dma_wait3A_353] : memref<80x128xi32, #tpu.memory_space<vmem>> -> memref<1x128xi32, #tpu.memory_space<vmem>>
      %dma_wait3A_355 = tpu.memref_squeeze %dma_wait3A_354 : memref<1x128xi32, #tpu.memory_space<vmem>> -> memref<128xi32, #tpu.memory_space<vmem>>
      %dma_wait3A_356 = arith.constant 0 : i32
      %dma_wait3A_357 = arith.constant 0 : i32
      %dma_wait3A_358 = tpu.memref_slice %arg4[%dma_wait3A_356, %dma_wait3A_357] : memref<10008x128xf32, #tpu.memory_space<vmem_shared>> -> memref<10008x128xf32, #tpu.memory_space<vmem_shared>>
      tpu.wait_indirect_dma semaphore(%arg7 : memref<!tpu.dma_semaphore, #tpu.memory_space<semaphore_mem>>) src(%arg6 : memref<128x128xf32, #tpu.memory_space<vmem>>) dst(%dma_wait3A_358 : memref<10008x128xf32, #tpu.memory_space<vmem_shared>>)
      %dma_wait3A_359 = arith.constant 0 : i32
      %dma_wait3A_360 = tpu.memref_slice %arg5[%add3A_162, %dma_wait3A_359] : memref<80x128xi32, #tpu.memory_space<vmem>> -> memref<1x128xi32, #tpu.memory_space<vmem>>
      %dma_wait3A_361 = tpu.memref_squeeze %dma_wait3A_360 : memref<1x128xi32, #tpu.memory_space<vmem>> -> memref<128xi32, #tpu.memory_space<vmem>>
      %dma_wait3A_362 = arith.constant 0 : i32
      %dma_wait3A_363 = arith.constant 0 : i32
      %dma_wait3A_364 = tpu.memref_slice %arg4[%dma_wait3A_362, %dma_wait3A_363] : memref<10008x128xf32, #tpu.memory_space<vmem_shared>> -> memref<10008x128xf32, #tpu.memory_space<vmem_shared>>
      tpu.wait_indirect_dma semaphore(%arg7 : memref<!tpu.dma_semaphore, #tpu.memory_space<semaphore_mem>>) src(%arg6 : memref<128x128xf32, #tpu.memory_space<vmem>>) dst(%dma_wait3A_364 : memref<10008x128xf32, #tpu.memory_space<vmem_shared>>)
      %dma_wait3A_365 = arith.constant 0 : i32
      %dma_wait3A_366 = tpu.memref_slice %arg5[%add3A_175, %dma_wait3A_365] : memref<80x128xi32, #tpu.memory_space<vmem>> -> memref<1x128xi32, #tpu.memory_space<vmem>>
      %dma_wait3A_367 = tpu.memref_squeeze %dma_wait3A_366 : memref<1x128xi32, #tpu.memory_space<vmem>> -> memref<128xi32, #tpu.memory_space<vmem>>
      %dma_wait3A_368 = arith.constant 0 : i32
      %dma_wait3A_369 = arith.constant 0 : i32
      %dma_wait3A_370 = tpu.memref_slice %arg4[%dma_wait3A_368, %dma_wait3A_369] : memref<10008x128xf32, #tpu.memory_space<vmem_shared>> -> memref<10008x128xf32, #tpu.memory_space<vmem_shared>>
      tpu.wait_indirect_dma semaphore(%arg7 : memref<!tpu.dma_semaphore, #tpu.memory_space<semaphore_mem>>) src(%arg6 : memref<128x128xf32, #tpu.memory_space<vmem>>) dst(%dma_wait3A_370 : memref<10008x128xf32, #tpu.memory_space<vmem_shared>>)
      %dma_wait3A_371 = arith.constant 0 : i32
      %dma_wait3A_372 = tpu.memref_slice %arg5[%add3A_188, %dma_wait3A_371] : memref<80x128xi32, #tpu.memory_space<vmem>> -> memref<1x128xi32, #tpu.memory_space<vmem>>
      %dma_wait3A_373 = tpu.memref_squeeze %dma_wait3A_372 : memref<1x128xi32, #tpu.memory_space<vmem>> -> memref<128xi32, #tpu.memory_space<vmem>>
      %dma_wait3A_374 = arith.constant 0 : i32
      %dma_wait3A_375 = arith.constant 0 : i32
      %dma_wait3A_376 = tpu.memref_slice %arg4[%dma_wait3A_374, %dma_wait3A_375] : memref<10008x128xf32, #tpu.memory_space<vmem_shared>> -> memref<10008x128xf32, #tpu.memory_space<vmem_shared>>
      tpu.wait_indirect_dma semaphore(%arg7 : memref<!tpu.dma_semaphore, #tpu.memory_space<semaphore_mem>>) src(%arg6 : memref<128x128xf32, #tpu.memory_space<vmem>>) dst(%dma_wait3A_376 : memref<10008x128xf32, #tpu.memory_space<vmem_shared>>)
      %dma_wait3A_377 = arith.constant 0 : i32
      %dma_wait3A_378 = tpu.memref_slice %arg5[%add3A_201, %dma_wait3A_377] : memref<80x128xi32, #tpu.memory_space<vmem>> -> memref<1x128xi32, #tpu.memory_space<vmem>>
      %dma_wait3A_379 = tpu.memref_squeeze %dma_wait3A_378 : memref<1x128xi32, #tpu.memory_space<vmem>> -> memref<128xi32, #tpu.memory_space<vmem>>
      %dma_wait3A_380 = arith.constant 0 : i32
      %dma_wait3A_381 = arith.constant 0 : i32
      %dma_wait3A_382 = tpu.memref_slice %arg4[%dma_wait3A_380, %dma_wait3A_381] : memref<10008x128xf32, #tpu.memory_space<vmem_shared>> -> memref<10008x128xf32, #tpu.memory_space<vmem_shared>>
      tpu.wait_indirect_dma semaphore(%arg7 : memref<!tpu.dma_semaphore, #tpu.memory_space<semaphore_mem>>) src(%arg6 : memref<128x128xf32, #tpu.memory_space<vmem>>) dst(%dma_wait3A_382 : memref<10008x128xf32, #tpu.memory_space<vmem_shared>>)
      %dma_wait3A_383 = arith.constant 0 : i32
      %dma_wait3A_384 = tpu.memref_slice %arg5[%add3A_214, %dma_wait3A_383] : memref<80x128xi32, #tpu.memory_space<vmem>> -> memref<1x128xi32, #tpu.memory_space<vmem>>
      %dma_wait3A_385 = tpu.memref_squeeze %dma_wait3A_384 : memref<1x128xi32, #tpu.memory_space<vmem>> -> memref<128xi32, #tpu.memory_space<vmem>>
      %dma_wait3A_386 = arith.constant 0 : i32
      %dma_wait3A_387 = arith.constant 0 : i32
      %dma_wait3A_388 = tpu.memref_slice %arg4[%dma_wait3A_386, %dma_wait3A_387] : memref<10008x128xf32, #tpu.memory_space<vmem_shared>> -> memref<10008x128xf32, #tpu.memory_space<vmem_shared>>
      tpu.wait_indirect_dma semaphore(%arg7 : memref<!tpu.dma_semaphore, #tpu.memory_space<semaphore_mem>>) src(%arg6 : memref<128x128xf32, #tpu.memory_space<vmem>>) dst(%dma_wait3A_388 : memref<10008x128xf32, #tpu.memory_space<vmem_shared>>)
      %dma_wait3A_389 = arith.constant 0 : i32
      %dma_wait3A_390 = tpu.memref_slice %arg5[%add3A_227, %dma_wait3A_389] : memref<80x128xi32, #tpu.memory_space<vmem>> -> memref<1x128xi32, #tpu.memory_space<vmem>>
      %dma_wait3A_391 = tpu.memref_squeeze %dma_wait3A_390 : memref<1x128xi32, #tpu.memory_space<vmem>> -> memref<128xi32, #tpu.memory_space<vmem>>
      %dma_wait3A_392 = arith.constant 0 : i32
      %dma_wait3A_393 = arith.constant 0 : i32
      %dma_wait3A_394 = tpu.memref_slice %arg4[%dma_wait3A_392, %dma_wait3A_393] : memref<10008x128xf32, #tpu.memory_space<vmem_shared>> -> memref<10008x128xf32, #tpu.memory_space<vmem_shared>>
      tpu.wait_indirect_dma semaphore(%arg7 : memref<!tpu.dma_semaphore, #tpu.memory_space<semaphore_mem>>) src(%arg6 : memref<128x128xf32, #tpu.memory_space<vmem>>) dst(%dma_wait3A_394 : memref<10008x128xf32, #tpu.memory_space<vmem_shared>>)
      %dma_wait3A_395 = arith.constant 0 : i32
      %dma_wait3A_396 = tpu.memref_slice %arg5[%add3A_240, %dma_wait3A_395] : memref<80x128xi32, #tpu.memory_space<vmem>> -> memref<1x128xi32, #tpu.memory_space<vmem>>
      %dma_wait3A_397 = tpu.memref_squeeze %dma_wait3A_396 : memref<1x128xi32, #tpu.memory_space<vmem>> -> memref<128xi32, #tpu.memory_space<vmem>>
      %dma_wait3A_398 = arith.constant 0 : i32
      %dma_wait3A_399 = arith.constant 0 : i32
      %dma_wait3A_400 = tpu.memref_slice %arg4[%dma_wait3A_398, %dma_wait3A_399] : memref<10008x128xf32, #tpu.memory_space<vmem_shared>> -> memref<10008x128xf32, #tpu.memory_space<vmem_shared>>
      tpu.wait_indirect_dma semaphore(%arg7 : memref<!tpu.dma_semaphore, #tpu.memory_space<semaphore_mem>>) src(%arg6 : memref<128x128xf32, #tpu.memory_space<vmem>>) dst(%dma_wait3A_400 : memref<10008x128xf32, #tpu.memory_space<vmem_shared>>)
      %dma_wait3A_401 = arith.constant 0 : i32
      %dma_wait3A_402 = tpu.memref_slice %arg5[%add3A_253, %dma_wait3A_401] : memref<80x128xi32, #tpu.memory_space<vmem>> -> memref<1x128xi32, #tpu.memory_space<vmem>>
      %dma_wait3A_403 = tpu.memref_squeeze %dma_wait3A_402 : memref<1x128xi32, #tpu.memory_space<vmem>> -> memref<128xi32, #tpu.memory_space<vmem>>
      %dma_wait3A_404 = arith.constant 0 : i32
      %dma_wait3A_405 = arith.constant 0 : i32
      %dma_wait3A_406 = tpu.memref_slice %arg4[%dma_wait3A_404, %dma_wait3A_405] : memref<10008x128xf32, #tpu.memory_space<vmem_shared>> -> memref<10008x128xf32, #tpu.memory_space<vmem_shared>>
      tpu.wait_indirect_dma semaphore(%arg7 : memref<!tpu.dma_semaphore, #tpu.memory_space<semaphore_mem>>) src(%arg6 : memref<128x128xf32, #tpu.memory_space<vmem>>) dst(%dma_wait3A_406 : memref<10008x128xf32, #tpu.memory_space<vmem_shared>>)
      %dma_wait3A_407 = arith.constant 0 : i32
      %dma_wait3A_408 = tpu.memref_slice %arg5[%add3A_266, %dma_wait3A_407] : memref<80x128xi32, #tpu.memory_space<vmem>> -> memref<1x128xi32, #tpu.memory_space<vmem>>
      %dma_wait3A_409 = tpu.memref_squeeze %dma_wait3A_408 : memref<1x128xi32, #tpu.memory_space<vmem>> -> memref<128xi32, #tpu.memory_space<vmem>>
      %dma_wait3A_410 = arith.constant 0 : i32
      %dma_wait3A_411 = arith.constant 0 : i32
      %dma_wait3A_412 = tpu.memref_slice %arg4[%dma_wait3A_410, %dma_wait3A_411] : memref<10008x128xf32, #tpu.memory_space<vmem_shared>> -> memref<10008x128xf32, #tpu.memory_space<vmem_shared>>
      tpu.wait_indirect_dma semaphore(%arg7 : memref<!tpu.dma_semaphore, #tpu.memory_space<semaphore_mem>>) src(%arg6 : memref<128x128xf32, #tpu.memory_space<vmem>>) dst(%dma_wait3A_412 : memref<10008x128xf32, #tpu.memory_space<vmem_shared>>)
      %dma_wait3A_413 = arith.constant 0 : i32
      %dma_wait3A_414 = tpu.memref_slice %arg5[%add3A_279, %dma_wait3A_413] : memref<80x128xi32, #tpu.memory_space<vmem>> -> memref<1x128xi32, #tpu.memory_space<vmem>>
      %dma_wait3A_415 = tpu.memref_squeeze %dma_wait3A_414 : memref<1x128xi32, #tpu.memory_space<vmem>> -> memref<128xi32, #tpu.memory_space<vmem>>
      %dma_wait3A_416 = arith.constant 0 : i32
      %dma_wait3A_417 = arith.constant 0 : i32
      %dma_wait3A_418 = tpu.memref_slice %arg4[%dma_wait3A_416, %dma_wait3A_417] : memref<10008x128xf32, #tpu.memory_space<vmem_shared>> -> memref<10008x128xf32, #tpu.memory_space<vmem_shared>>
      tpu.wait_indirect_dma semaphore(%arg7 : memref<!tpu.dma_semaphore, #tpu.memory_space<semaphore_mem>>) src(%arg6 : memref<128x128xf32, #tpu.memory_space<vmem>>) dst(%dma_wait3A_418 : memref<10008x128xf32, #tpu.memory_space<vmem_shared>>)
      %dma_wait3A_419 = arith.constant 0 : i32
      %dma_wait3A_420 = tpu.memref_slice %arg5[%add3A_292, %dma_wait3A_419] : memref<80x128xi32, #tpu.memory_space<vmem>> -> memref<1x128xi32, #tpu.memory_space<vmem>>
      %dma_wait3A_421 = tpu.memref_squeeze %dma_wait3A_420 : memref<1x128xi32, #tpu.memory_space<vmem>> -> memref<128xi32, #tpu.memory_space<vmem>>
      %dma_wait3A_422 = arith.constant 0 : i32
      %dma_wait3A_423 = arith.constant 0 : i32
      %dma_wait3A_424 = tpu.memref_slice %arg4[%dma_wait3A_422, %dma_wait3A_423] : memref<10008x128xf32, #tpu.memory_space<vmem_shared>> -> memref<10008x128xf32, #tpu.memory_space<vmem_shared>>
      tpu.wait_indirect_dma semaphore(%arg7 : memref<!tpu.dma_semaphore, #tpu.memory_space<semaphore_mem>>) src(%arg6 : memref<128x128xf32, #tpu.memory_space<vmem>>) dst(%dma_wait3A_424 : memref<10008x128xf32, #tpu.memory_space<vmem_shared>>)
      %dma_wait3A_425 = arith.constant 0 : i32
      %dma_wait3A_426 = tpu.memref_slice %arg5[%add3A_305, %dma_wait3A_425] : memref<80x128xi32, #tpu.memory_space<vmem>> -> memref<1x128xi32, #tpu.memory_space<vmem>>
      %dma_wait3A_427 = tpu.memref_squeeze %dma_wait3A_426 : memref<1x128xi32, #tpu.memory_space<vmem>> -> memref<128xi32, #tpu.memory_space<vmem>>
      %dma_wait3A_428 = arith.constant 0 : i32
      %dma_wait3A_429 = arith.constant 0 : i32
      %dma_wait3A_430 = tpu.memref_slice %arg4[%dma_wait3A_428, %dma_wait3A_429] : memref<10008x128xf32, #tpu.memory_space<vmem_shared>> -> memref<10008x128xf32, #tpu.memory_space<vmem_shared>>
      tpu.wait_indirect_dma semaphore(%arg7 : memref<!tpu.dma_semaphore, #tpu.memory_space<semaphore_mem>>) src(%arg6 : memref<128x128xf32, #tpu.memory_space<vmem>>) dst(%dma_wait3A_430 : memref<10008x128xf32, #tpu.memory_space<vmem_shared>>)
      %scan3A_431 = arith.constant 0 : i32
      scf.yield %scan3A_431 : i32
    }
    %scan3A_36 = arith.constant 2 : i32
    %barrier3A_37 = arith.constant 0 : index
    tpu.barrier barrier_id(%barrier3A_37)
    %mul3A_38 = arith.constant 10000 : i32
    %mul3A_39 = arith.muli %arg0, %mul3A_38 : i32
    %add3A_40 = arith.addi %mul3A_39, %multiple_of3A : i32
    %multiple_of3A_41 = tpu.assume_multiple %add3A_40, 8 : i32
    %lt3A = arith.constant 15 : i32
    %lt3A_42 = arith.cmpi slt, %arg1, %lt3A : i32
    %convert_element_type3A_43 = arith.extui %lt3A_42 : i1 to i32
    %cond3A_44 = arith.constant 0 : i32
    %cond3A_45 = arith.cmpi ne, %convert_element_type3A_43, %cond3A_44 : i32
    scf.if %cond3A_45 {
      "tpu.region"() ({
        %run_scoped3A = tpu.sem_alloc : memref<!tpu.dma_semaphore, #tpu.memory_space<semaphore_mem>>
        %dma_start3A = arith.constant 0 : i32
        %dma_start3A_51 = tpu.memref_slice %arg3[%multiple_of3A_41, %dma_start3A] : memref<20000x128xf32, #tpu.memory_space<hbm>> -> memref<624x128xf32, #tpu.memory_space<hbm>>
        %dma_start3A_52 = arith.constant 0 : i32
        %dma_start3A_53 = tpu.memref_slice %arg4[%multiple_of3A, %dma_start3A_52] : memref<10008x128xf32, #tpu.memory_space<vmem_shared>> -> memref<624x128xf32, #tpu.memory_space<vmem_shared>>
        tpu.enqueue_dma source(%dma_start3A_53 : memref<624x128xf32, #tpu.memory_space<vmem_shared>>) target(%dma_start3A_51 : memref<624x128xf32, #tpu.memory_space<hbm>>) target_semaphore(%run_scoped3A : memref<!tpu.dma_semaphore, #tpu.memory_space<semaphore_mem>>)
        %dma_wait3A = arith.constant 0 : i32
        %dma_wait3A_54 = tpu.memref_slice %arg3[%multiple_of3A_41, %dma_wait3A] : memref<20000x128xf32, #tpu.memory_space<hbm>> -> memref<624x128xf32, #tpu.memory_space<hbm>>
        %dma_wait3A_55 = arith.constant 0 : i32
        %dma_wait3A_56 = tpu.memref_slice %arg4[%multiple_of3A, %dma_wait3A_55] : memref<10008x128xf32, #tpu.memory_space<vmem_shared>> -> memref<624x128xf32, #tpu.memory_space<vmem_shared>>
        tpu.wait_dma2 semaphore(%run_scoped3A : memref<!tpu.dma_semaphore, #tpu.memory_space<semaphore_mem>>) src(%dma_wait3A_56 : memref<624x128xf32, #tpu.memory_space<vmem_shared>>) dst(%dma_wait3A_54 : memref<624x128xf32, #tpu.memory_space<hbm>>)
        tpu.yield
      }) : () -> ()
    } else {
    }
    %eq3A_46 = arith.constant 15 : i32
    %eq3A_47 = arith.cmpi eq, %arg1, %eq3A_46 : i32
    %convert_element_type3A_48 = arith.extui %eq3A_47 : i1 to i32
    %cond3A_49 = arith.constant 0 : i32
    %cond3A_50 = arith.cmpi ne, %convert_element_type3A_48, %cond3A_49 : i32
    scf.if %cond3A_50 {
      "tpu.region"() ({
        %run_scoped3A = tpu.sem_alloc : memref<!tpu.dma_semaphore, #tpu.memory_space<semaphore_mem>>
        %dma_start3A = arith.constant 0 : i32
        %dma_start3A_51 = tpu.memref_slice %arg3[%multiple_of3A_41, %dma_start3A] : memref<20000x128xf32, #tpu.memory_space<hbm>> -> memref<640x128xf32, #tpu.memory_space<hbm>>
        %dma_start3A_52 = arith.constant 0 : i32
        %dma_start3A_53 = tpu.memref_slice %arg4[%multiple_of3A, %dma_start3A_52] : memref<10008x128xf32, #tpu.memory_space<vmem_shared>> -> memref<640x128xf32, #tpu.memory_space<vmem_shared>>
        tpu.enqueue_dma source(%dma_start3A_53 : memref<640x128xf32, #tpu.memory_space<vmem_shared>>) target(%dma_start3A_51 : memref<640x128xf32, #tpu.memory_space<hbm>>) target_semaphore(%run_scoped3A : memref<!tpu.dma_semaphore, #tpu.memory_space<semaphore_mem>>)
        %dma_wait3A = arith.constant 0 : i32
        %dma_wait3A_54 = tpu.memref_slice %arg3[%multiple_of3A_41, %dma_wait3A] : memref<20000x128xf32, #tpu.memory_space<hbm>> -> memref<640x128xf32, #tpu.memory_space<hbm>>
        %dma_wait3A_55 = arith.constant 0 : i32
        %dma_wait3A_56 = tpu.memref_slice %arg4[%multiple_of3A, %dma_wait3A_55] : memref<10008x128xf32, #tpu.memory_space<vmem_shared>> -> memref<640x128xf32, #tpu.memory_space<vmem_shared>>
        tpu.wait_dma2 semaphore(%run_scoped3A : memref<!tpu.dma_semaphore, #tpu.memory_space<semaphore_mem>>) src(%dma_wait3A_56 : memref<640x128xf32, #tpu.memory_space<vmem_shared>>) dst(%dma_wait3A_54 : memref<640x128xf32, #tpu.memory_space<hbm>>)
        tpu.yield
      }) : () -> ()
    } else {
    }
    return
  }
}

#map = affine_map<(d0, d1) -> (0, 0)>
module attributes {stable_mosaic.version = 14 : i64} {
  func.func @_agg_body(%arg0: i32, %arg1: i32, %arg2: memref<10000x128xf32, #tpu.memory_space<hbm>>, %arg3: memref<10000x128xf32, #tpu.memory_space<hbm>>, %arg4: memref<1280x128xi32, #tpu.memory_space<hbm>>, %arg5: memref<1280x128xi32, #tpu.memory_space<hbm>>, %arg6: memref<20000x128xf32, #tpu.memory_space<hbm>>, %arg7: memref<10008x128xf32, #tpu.memory_space<vmem_shared>>, %arg8: memref<40x128xi32, #tpu.memory_space<vmem>>, %arg9: memref<40x128xi32, #tpu.memory_space<vmem>>, %arg10: memref<128x128xf32, #tpu.memory_space<vmem>>, %arg11: memref<128x128xf32, #tpu.memory_space<vmem>>, %arg12: memref<!tpu.dma_semaphore, #tpu.memory_space<semaphore_mem>>, %arg13: memref<!tpu.dma_semaphore, #tpu.memory_space<semaphore_mem>>) attributes {dimension_semantics = [#tpu.dimension_semantics<core_parallel>, #tpu.dimension_semantics<subcore_parallel>], iteration_bounds = array<i64: 2, 16>, scalar_prefetch = 0 : i64, scratch_operands = 7 : i64, tpu.core_type = #tpu.core_type<sc_vector_subcore>, window_params = [{transform_indices = #map}, {transform_indices = #map}, {transform_indices = #map}, {transform_indices = #map}, {transform_indices = #map}]} {
    %mul3A = arith.constant 624 : i32
    %mul3A_0 = arith.muli %arg1, %mul3A : i32
    %multiple_of3A = tpu.assume_multiple %mul3A_0, 8 : i32
    %broadcast_in_dim3A = arith.constant 0.000000e+00 : f32
    %broadcast_in_dim3A_1 = vector.broadcast %broadcast_in_dim3A : f32 to vector<16xf32>
    %scan3A = arith.constant 0 : i32
    %scan3A_2 = arith.constant 0 : i32
    %scan3A_3 = arith.constant 128 : i32
    %scan3A_4 = arith.addi %scan3A_2, %scan3A_3 : i32
    %scan3A_5 = arith.constant 1 : i32
    %scan3A_6 = scf.for %scan3A_43 = %scan3A_2 to %scan3A_4 step %scan3A_5 iter_args(%scan3A_44 = %scan3A) -> (i32)  : i32 {
      %scan3A_45 = arith.constant 0 : i32
      %scan3A_46 = arith.constant 0 : i32
      %scan3A_47 = arith.constant 8 : i32
      %scan3A_48 = arith.addi %scan3A_46, %scan3A_47 : i32
      %scan3A_49 = arith.constant 1 : i32
      %scan3A_50 = scf.for %scan3A_53 = %scan3A_46 to %scan3A_48 step %scan3A_49 iter_args(%scan3A_54 = %scan3A_45) -> (i32)  : i32 {
        %mul3A_55 = arith.constant 16 : i32
        %mul3A_56 = arith.muli %scan3A_53, %mul3A_55 : i32
        %swap3A = arith.index_cast %scan3A_43 : i32 to index
        %swap3A_57 = arith.index_cast %mul3A_56 : i32 to index
        %swap3A_58 = tpu.vector_load %arg10[%swap3A, %swap3A_57] {strides = array<i32>} : memref<128x128xf32, #tpu.memory_space<vmem>>, vector<1x16xf32>,
        %swap3A_59 = vector.shape_cast %swap3A_58 : vector<1x16xf32> to vector<16xf32>
        %swap3A_60 = vector.shape_cast %broadcast_in_dim3A_1 : vector<16xf32> to vector<1x16xf32>
        tpu.vector_store %arg10[%swap3A, %swap3A_57], %swap3A_60 {strides = array<i32>} : memref<128x128xf32, #tpu.memory_space<vmem>>, vector<1x16xf32>,
        %scan3A_61 = arith.constant 0 : i32
        scf.yield %scan3A_61 : i32
      }
      %scan3A_51 = arith.constant 8 : i32
      %scan3A_52 = arith.constant 0 : i32
      scf.yield %scan3A_52 : i32
    }
    %scan3A_7 = arith.constant 128 : i32
    %add3A = arith.constant 0 : i32
    %add3A_8 = arith.addi %multiple_of3A, %add3A : i32
    "tpu.region"() ({
      %run_scoped3A = tpu.sem_alloc : memref<!tpu.dma_semaphore, #tpu.memory_space<semaphore_mem>>
      %dma_start3A = arith.constant 0 : i32
      %dma_start3A_43 = tpu.memref_slice %arg7[%add3A_8, %dma_start3A] : memref<10008x128xf32, #tpu.memory_space<vmem_shared>> -> memref<128x128xf32, #tpu.memory_space<vmem_shared>>
      %dma_start3A_44 = arith.constant 0 : i32
      %dma_start3A_45 = tpu.memref_slice %arg7[%add3A_8, %dma_start3A_44] : memref<10008x128xf32, #tpu.memory_space<vmem_shared>> -> memref<128x128xf32, #tpu.memory_space<vmem_shared>>
      tpu.enqueue_dma source(%arg10 : memref<128x128xf32, #tpu.memory_space<vmem>>) target(%dma_start3A_45 : memref<128x128xf32, #tpu.memory_space<vmem_shared>>) target_semaphore(%run_scoped3A : memref<!tpu.dma_semaphore, #tpu.memory_space<semaphore_mem>>)
      %dma_wait3A = arith.constant 0 : i32
      %dma_wait3A_46 = tpu.memref_slice %arg7[%add3A_8, %dma_wait3A] : memref<10008x128xf32, #tpu.memory_space<vmem_shared>> -> memref<128x128xf32, #tpu.memory_space<vmem_shared>>
      %dma_wait3A_47 = arith.constant 0 : i32
      %dma_wait3A_48 = tpu.memref_slice %arg7[%add3A_8, %dma_wait3A_47] : memref<10008x128xf32, #tpu.memory_space<vmem_shared>> -> memref<128x128xf32, #tpu.memory_space<vmem_shared>>
      tpu.wait_dma2 semaphore(%run_scoped3A : memref<!tpu.dma_semaphore, #tpu.memory_space<semaphore_mem>>) src(%arg10 : memref<128x128xf32, #tpu.memory_space<vmem>>) dst(%dma_wait3A_48 : memref<128x128xf32, #tpu.memory_space<vmem_shared>>)
      tpu.yield
    }) : () -> ()
    %add3A_9 = arith.constant 128 : i32
    %add3A_10 = arith.addi %multiple_of3A, %add3A_9 : i32
    "tpu.region"() ({
      %run_scoped3A = tpu.sem_alloc : memref<!tpu.dma_semaphore, #tpu.memory_space<semaphore_mem>>
      %dma_start3A = arith.constant 0 : i32
      %dma_start3A_43 = tpu.memref_slice %arg7[%add3A_10, %dma_start3A] : memref<10008x128xf32, #tpu.memory_space<vmem_shared>> -> memref<128x128xf32, #tpu.memory_space<vmem_shared>>
      %dma_start3A_44 = arith.constant 0 : i32
      %dma_start3A_45 = tpu.memref_slice %arg7[%add3A_10, %dma_start3A_44] : memref<10008x128xf32, #tpu.memory_space<vmem_shared>> -> memref<128x128xf32, #tpu.memory_space<vmem_shared>>
      tpu.enqueue_dma source(%arg10 : memref<128x128xf32, #tpu.memory_space<vmem>>) target(%dma_start3A_45 : memref<128x128xf32, #tpu.memory_space<vmem_shared>>) target_semaphore(%run_scoped3A : memref<!tpu.dma_semaphore, #tpu.memory_space<semaphore_mem>>)
      %dma_wait3A = arith.constant 0 : i32
      %dma_wait3A_46 = tpu.memref_slice %arg7[%add3A_10, %dma_wait3A] : memref<10008x128xf32, #tpu.memory_space<vmem_shared>> -> memref<128x128xf32, #tpu.memory_space<vmem_shared>>
      %dma_wait3A_47 = arith.constant 0 : i32
      %dma_wait3A_48 = tpu.memref_slice %arg7[%add3A_10, %dma_wait3A_47] : memref<10008x128xf32, #tpu.memory_space<vmem_shared>> -> memref<128x128xf32, #tpu.memory_space<vmem_shared>>
      tpu.wait_dma2 semaphore(%run_scoped3A : memref<!tpu.dma_semaphore, #tpu.memory_space<semaphore_mem>>) src(%arg10 : memref<128x128xf32, #tpu.memory_space<vmem>>) dst(%dma_wait3A_48 : memref<128x128xf32, #tpu.memory_space<vmem_shared>>)
      tpu.yield
    }) : () -> ()
    %add3A_11 = arith.constant 256 : i32
    %add3A_12 = arith.addi %multiple_of3A, %add3A_11 : i32
    "tpu.region"() ({
      %run_scoped3A = tpu.sem_alloc : memref<!tpu.dma_semaphore, #tpu.memory_space<semaphore_mem>>
      %dma_start3A = arith.constant 0 : i32
      %dma_start3A_43 = tpu.memref_slice %arg7[%add3A_12, %dma_start3A] : memref<10008x128xf32, #tpu.memory_space<vmem_shared>> -> memref<128x128xf32, #tpu.memory_space<vmem_shared>>
      %dma_start3A_44 = arith.constant 0 : i32
      %dma_start3A_45 = tpu.memref_slice %arg7[%add3A_12, %dma_start3A_44] : memref<10008x128xf32, #tpu.memory_space<vmem_shared>> -> memref<128x128xf32, #tpu.memory_space<vmem_shared>>
      tpu.enqueue_dma source(%arg10 : memref<128x128xf32, #tpu.memory_space<vmem>>) target(%dma_start3A_45 : memref<128x128xf32, #tpu.memory_space<vmem_shared>>) target_semaphore(%run_scoped3A : memref<!tpu.dma_semaphore, #tpu.memory_space<semaphore_mem>>)
      %dma_wait3A = arith.constant 0 : i32
      %dma_wait3A_46 = tpu.memref_slice %arg7[%add3A_12, %dma_wait3A] : memref<10008x128xf32, #tpu.memory_space<vmem_shared>> -> memref<128x128xf32, #tpu.memory_space<vmem_shared>>
      %dma_wait3A_47 = arith.constant 0 : i32
      %dma_wait3A_48 = tpu.memref_slice %arg7[%add3A_12, %dma_wait3A_47] : memref<10008x128xf32, #tpu.memory_space<vmem_shared>> -> memref<128x128xf32, #tpu.memory_space<vmem_shared>>
      tpu.wait_dma2 semaphore(%run_scoped3A : memref<!tpu.dma_semaphore, #tpu.memory_space<semaphore_mem>>) src(%arg10 : memref<128x128xf32, #tpu.memory_space<vmem>>) dst(%dma_wait3A_48 : memref<128x128xf32, #tpu.memory_space<vmem_shared>>)
      tpu.yield
    }) : () -> ()
    %add3A_13 = arith.constant 384 : i32
    %add3A_14 = arith.addi %multiple_of3A, %add3A_13 : i32
    "tpu.region"() ({
      %run_scoped3A = tpu.sem_alloc : memref<!tpu.dma_semaphore, #tpu.memory_space<semaphore_mem>>
      %dma_start3A = arith.constant 0 : i32
      %dma_start3A_43 = tpu.memref_slice %arg7[%add3A_14, %dma_start3A] : memref<10008x128xf32, #tpu.memory_space<vmem_shared>> -> memref<128x128xf32, #tpu.memory_space<vmem_shared>>
      %dma_start3A_44 = arith.constant 0 : i32
      %dma_start3A_45 = tpu.memref_slice %arg7[%add3A_14, %dma_start3A_44] : memref<10008x128xf32, #tpu.memory_space<vmem_shared>> -> memref<128x128xf32, #tpu.memory_space<vmem_shared>>
      tpu.enqueue_dma source(%arg10 : memref<128x128xf32, #tpu.memory_space<vmem>>) target(%dma_start3A_45 : memref<128x128xf32, #tpu.memory_space<vmem_shared>>) target_semaphore(%run_scoped3A : memref<!tpu.dma_semaphore, #tpu.memory_space<semaphore_mem>>)
      %dma_wait3A = arith.constant 0 : i32
      %dma_wait3A_46 = tpu.memref_slice %arg7[%add3A_14, %dma_wait3A] : memref<10008x128xf32, #tpu.memory_space<vmem_shared>> -> memref<128x128xf32, #tpu.memory_space<vmem_shared>>
      %dma_wait3A_47 = arith.constant 0 : i32
      %dma_wait3A_48 = tpu.memref_slice %arg7[%add3A_14, %dma_wait3A_47] : memref<10008x128xf32, #tpu.memory_space<vmem_shared>> -> memref<128x128xf32, #tpu.memory_space<vmem_shared>>
      tpu.wait_dma2 semaphore(%run_scoped3A : memref<!tpu.dma_semaphore, #tpu.memory_space<semaphore_mem>>) src(%arg10 : memref<128x128xf32, #tpu.memory_space<vmem>>) dst(%dma_wait3A_48 : memref<128x128xf32, #tpu.memory_space<vmem_shared>>)
      tpu.yield
    }) : () -> ()
    %add3A_15 = arith.constant 512 : i32
    %add3A_16 = arith.addi %multiple_of3A, %add3A_15 : i32
    "tpu.region"() ({
      %run_scoped3A = tpu.sem_alloc : memref<!tpu.dma_semaphore, #tpu.memory_space<semaphore_mem>>
      %dma_start3A = arith.constant 0 : i32
      %dma_start3A_43 = arith.constant 0 : i32
      %dma_start3A_44 = tpu.memref_slice %arg10[%dma_start3A, %dma_start3A_43] : memref<128x128xf32, #tpu.memory_space<vmem>> -> memref<112x128xf32, #tpu.memory_space<vmem>>
      %dma_start3A_45 = arith.constant 0 : i32
      %dma_start3A_46 = tpu.memref_slice %arg7[%add3A_16, %dma_start3A_45] : memref<10008x128xf32, #tpu.memory_space<vmem_shared>> -> memref<112x128xf32, #tpu.memory_space<vmem_shared>>
      %dma_start3A_47 = arith.constant 0 : i32
      %dma_start3A_48 = tpu.memref_slice %arg7[%add3A_16, %dma_start3A_47] : memref<10008x128xf32, #tpu.memory_space<vmem_shared>> -> memref<112x128xf32, #tpu.memory_space<vmem_shared>>
      %dma_start3A_49 = arith.constant 0 : i32
      %dma_start3A_50 = arith.constant 0 : i32
      %dma_start3A_51 = tpu.memref_slice %arg10[%dma_start3A_49, %dma_start3A_50] : memref<128x128xf32, #tpu.memory_space<vmem>> -> memref<112x128xf32, #tpu.memory_space<vmem>>
      tpu.enqueue_dma source(%dma_start3A_51 : memref<112x128xf32, #tpu.memory_space<vmem>>) target(%dma_start3A_48 : memref<112x128xf32, #tpu.memory_space<vmem_shared>>) target_semaphore(%run_scoped3A : memref<!tpu.dma_semaphore, #tpu.memory_space<semaphore_mem>>)
      %dma_wait3A = arith.constant 0 : i32
      %dma_wait3A_52 = arith.constant 0 : i32
      %dma_wait3A_53 = tpu.memref_slice %arg10[%dma_wait3A, %dma_wait3A_52] : memref<128x128xf32, #tpu.memory_space<vmem>> -> memref<112x128xf32, #tpu.memory_space<vmem>>
      %dma_wait3A_54 = arith.constant 0 : i32
      %dma_wait3A_55 = tpu.memref_slice %arg7[%add3A_16, %dma_wait3A_54] : memref<10008x128xf32, #tpu.memory_space<vmem_shared>> -> memref<112x128xf32, #tpu.memory_space<vmem_shared>>
      %dma_wait3A_56 = arith.constant 0 : i32
      %dma_wait3A_57 = tpu.memref_slice %arg7[%add3A_16, %dma_wait3A_56] : memref<10008x128xf32, #tpu.memory_space<vmem_shared>> -> memref<112x128xf32, #tpu.memory_space<vmem_shared>>
      %dma_wait3A_58 = arith.constant 0 : i32
      %dma_wait3A_59 = arith.constant 0 : i32
      %dma_wait3A_60 = tpu.memref_slice %arg10[%dma_wait3A_58, %dma_wait3A_59] : memref<128x128xf32, #tpu.memory_space<vmem>> -> memref<112x128xf32, #tpu.memory_space<vmem>>
      tpu.wait_dma2 semaphore(%run_scoped3A : memref<!tpu.dma_semaphore, #tpu.memory_space<semaphore_mem>>) src(%dma_wait3A_60 : memref<112x128xf32, #tpu.memory_space<vmem>>) dst(%dma_wait3A_57 : memref<112x128xf32, #tpu.memory_space<vmem_shared>>)
      tpu.yield
    }) : () -> ()
    %eq3A = arith.constant 15 : i32
    %eq3A_17 = arith.cmpi eq, %arg1, %eq3A : i32
    %convert_element_type3A = arith.extui %eq3A_17 : i1 to i32
    %cond3A = arith.constant 0 : i32
    %cond3A_18 = arith.cmpi ne, %convert_element_type3A, %cond3A : i32
    scf.if %cond3A_18 {
      "tpu.region"() ({
        %run_scoped3A = tpu.sem_alloc : memref<!tpu.dma_semaphore, #tpu.memory_space<semaphore_mem>>
        %dma_start3A = arith.constant 0 : i32
        %dma_start3A_43 = arith.constant 0 : i32
        %dma_start3A_44 = tpu.memref_slice %arg10[%dma_start3A, %dma_start3A_43] : memref<128x128xf32, #tpu.memory_space<vmem>> -> memref<24x128xf32, #tpu.memory_space<vmem>>
        %dma_start3A_45 = arith.constant 9984 : i32
        %dma_start3A_46 = arith.constant 0 : i32
        %dma_start3A_47 = tpu.memref_slice %arg7[%dma_start3A_45, %dma_start3A_46] : memref<10008x128xf32, #tpu.memory_space<vmem_shared>> -> memref<24x128xf32, #tpu.memory_space<vmem_shared>>
        %dma_start3A_48 = arith.constant 9984 : i32
        %dma_start3A_49 = arith.constant 0 : i32
        %dma_start3A_50 = tpu.memref_slice %arg7[%dma_start3A_48, %dma_start3A_49] : memref<10008x128xf32, #tpu.memory_space<vmem_shared>> -> memref<24x128xf32, #tpu.memory_space<vmem_shared>>
        %dma_start3A_51 = arith.constant 0 : i32
        %dma_start3A_52 = arith.constant 0 : i32
        %dma_start3A_53 = tpu.memref_slice %arg10[%dma_start3A_51, %dma_start3A_52] : memref<128x128xf32, #tpu.memory_space<vmem>> -> memref<24x128xf32, #tpu.memory_space<vmem>>
        tpu.enqueue_dma source(%dma_start3A_53 : memref<24x128xf32, #tpu.memory_space<vmem>>) target(%dma_start3A_50 : memref<24x128xf32, #tpu.memory_space<vmem_shared>>) target_semaphore(%run_scoped3A : memref<!tpu.dma_semaphore, #tpu.memory_space<semaphore_mem>>)
        %dma_wait3A = arith.constant 0 : i32
        %dma_wait3A_54 = arith.constant 0 : i32
        %dma_wait3A_55 = tpu.memref_slice %arg10[%dma_wait3A, %dma_wait3A_54] : memref<128x128xf32, #tpu.memory_space<vmem>> -> memref<24x128xf32, #tpu.memory_space<vmem>>
        %dma_wait3A_56 = arith.constant 9984 : i32
        %dma_wait3A_57 = arith.constant 0 : i32
        %dma_wait3A_58 = tpu.memref_slice %arg7[%dma_wait3A_56, %dma_wait3A_57] : memref<10008x128xf32, #tpu.memory_space<vmem_shared>> -> memref<24x128xf32, #tpu.memory_space<vmem_shared>>
        %dma_wait3A_59 = arith.constant 9984 : i32
        %dma_wait3A_60 = arith.constant 0 : i32
        %dma_wait3A_61 = tpu.memref_slice %arg7[%dma_wait3A_59, %dma_wait3A_60] : memref<10008x128xf32, #tpu.memory_space<vmem_shared>> -> memref<24x128xf32, #tpu.memory_space<vmem_shared>>
        %dma_wait3A_62 = arith.constant 0 : i32
        %dma_wait3A_63 = arith.constant 0 : i32
        %dma_wait3A_64 = tpu.memref_slice %arg10[%dma_wait3A_62, %dma_wait3A_63] : memref<128x128xf32, #tpu.memory_space<vmem>> -> memref<24x128xf32, #tpu.memory_space<vmem>>
        tpu.wait_dma2 semaphore(%run_scoped3A : memref<!tpu.dma_semaphore, #tpu.memory_space<semaphore_mem>>) src(%dma_wait3A_64 : memref<24x128xf32, #tpu.memory_space<vmem>>) dst(%dma_wait3A_61 : memref<24x128xf32, #tpu.memory_space<vmem_shared>>)
        tpu.yield
      }) : () -> ()
    } else {
    }
    %barrier3A = arith.constant 0 : index
    tpu.barrier barrier_id(%barrier3A)
    %eq3A_19 = arith.constant 0 : i32
    %eq3A_20 = arith.cmpi eq, %arg0, %eq3A_19 : i32
    %convert_element_type3A_21 = arith.extui %eq3A_20 : i1 to i32
    %cond3A_22 = arith.constant 0 : i32
    %cond3A_23 = arith.cmpi ne, %convert_element_type3A_21, %cond3A_22 : i32
    scf.if %cond3A_23 {
      %mul3A_43 = arith.constant 80 : i32
      %mul3A_44 = arith.muli %arg1, %mul3A_43 : i32
      %add3A_45 = arith.constant 0 : i32
      %add3A_46 = arith.addi %mul3A_44, %add3A_45 : i32
      %multiple_of3A_47 = tpu.assume_multiple %add3A_46, 8 : i32
      "tpu.region"() ({
        %run_scoped3A = tpu.sem_alloc : memref<!tpu.dma_semaphore, #tpu.memory_space<semaphore_mem>>
        %dma_start3A_80 = arith.constant 0 : i32
        %dma_start3A_81 = tpu.memref_slice %arg4[%multiple_of3A_47, %dma_start3A_80] : memref<1280x128xi32, #tpu.memory_space<hbm>> -> memref<40x128xi32, #tpu.memory_space<hbm>>
        %dma_start3A_82 = arith.constant 0 : i32
        %dma_start3A_83 = tpu.memref_slice %arg4[%multiple_of3A_47, %dma_start3A_82] : memref<1280x128xi32, #tpu.memory_space<hbm>> -> memref<40x128xi32, #tpu.memory_space<hbm>>
        tpu.enqueue_dma source(%dma_start3A_83 : memref<40x128xi32, #tpu.memory_space<hbm>>) target(%arg8 : memref<40x128xi32, #tpu.memory_space<vmem>>) target_semaphore(%run_scoped3A : memref<!tpu.dma_semaphore, #tpu.memory_space<semaphore_mem>>)
        %dma_wait3A = arith.constant 0 : i32
        %dma_wait3A_84 = tpu.memref_slice %arg4[%multiple_of3A_47, %dma_wait3A] : memref<1280x128xi32, #tpu.memory_space<hbm>> -> memref<40x128xi32, #tpu.memory_space<hbm>>
        %dma_wait3A_85 = arith.constant 0 : i32
        %dma_wait3A_86 = tpu.memref_slice %arg4[%multiple_of3A_47, %dma_wait3A_85] : memref<1280x128xi32, #tpu.memory_space<hbm>> -> memref<40x128xi32, #tpu.memory_space<hbm>>
        tpu.wait_dma2 semaphore(%run_scoped3A : memref<!tpu.dma_semaphore, #tpu.memory_space<semaphore_mem>>) src(%dma_wait3A_86 : memref<40x128xi32, #tpu.memory_space<hbm>>) dst(%arg8 : memref<40x128xi32, #tpu.memory_space<vmem>>)
        tpu.yield
      }) : () -> ()
      "tpu.region"() ({
        %run_scoped3A = tpu.sem_alloc : memref<!tpu.dma_semaphore, #tpu.memory_space<semaphore_mem>>
        %dma_start3A_80 = arith.constant 0 : i32
        %dma_start3A_81 = tpu.memref_slice %arg5[%multiple_of3A_47, %dma_start3A_80] : memref<1280x128xi32, #tpu.memory_space<hbm>> -> memref<40x128xi32, #tpu.memory_space<hbm>>
        %dma_start3A_82 = arith.constant 0 : i32
        %dma_start3A_83 = tpu.memref_slice %arg5[%multiple_of3A_47, %dma_start3A_82] : memref<1280x128xi32, #tpu.memory_space<hbm>> -> memref<40x128xi32, #tpu.memory_space<hbm>>
        tpu.enqueue_dma source(%dma_start3A_83 : memref<40x128xi32, #tpu.memory_space<hbm>>) target(%arg9 : memref<40x128xi32, #tpu.memory_space<vmem>>) target_semaphore(%run_scoped3A : memref<!tpu.dma_semaphore, #tpu.memory_space<semaphore_mem>>)
        %dma_wait3A = arith.constant 0 : i32
        %dma_wait3A_84 = tpu.memref_slice %arg5[%multiple_of3A_47, %dma_wait3A] : memref<1280x128xi32, #tpu.memory_space<hbm>> -> memref<40x128xi32, #tpu.memory_space<hbm>>
        %dma_wait3A_85 = arith.constant 0 : i32
        %dma_wait3A_86 = tpu.memref_slice %arg5[%multiple_of3A_47, %dma_wait3A_85] : memref<1280x128xi32, #tpu.memory_space<hbm>> -> memref<40x128xi32, #tpu.memory_space<hbm>>
        tpu.wait_dma2 semaphore(%run_scoped3A : memref<!tpu.dma_semaphore, #tpu.memory_space<semaphore_mem>>) src(%dma_wait3A_86 : memref<40x128xi32, #tpu.memory_space<hbm>>) dst(%arg9 : memref<40x128xi32, #tpu.memory_space<vmem>>)
        tpu.yield
      }) : () -> ()
      %dma_start3A = arith.constant 0 : i32
      %dma_start3A_48 = arith.constant 0 : i32
      %dma_start3A_49 = tpu.memref_slice %arg8[%dma_start3A, %dma_start3A_48] : memref<40x128xi32, #tpu.memory_space<vmem>> -> memref<1x128xi32, #tpu.memory_space<vmem>>
      %dma_start3A_50 = tpu.memref_squeeze %dma_start3A_49 : memref<1x128xi32, #tpu.memory_space<vmem>> -> memref<128xi32, #tpu.memory_space<vmem>>
      %dma_start3A_51 = arith.constant 0 : i32
      %dma_start3A_52 = arith.constant 0 : i32
      %dma_start3A_53 = tpu.memref_slice %arg2[%dma_start3A_51, %dma_start3A_52] : memref<10000x128xf32, #tpu.memory_space<hbm>> -> memref<10000x128xf32, #tpu.memory_space<hbm>>
      tpu.enqueue_indirect_dma source(%dma_start3A_53 : memref<10000x128xf32, #tpu.memory_space<hbm>>) target(%arg10 : memref<128x128xf32, #tpu.memory_space<vmem>>) offsets(%dma_start3A_50 : memref<128xi32, #tpu.memory_space<vmem>>) semaphore(%arg12 : memref<!tpu.dma_semaphore, #tpu.memory_space<semaphore_mem>>)
      %scan3A_54 = arith.constant 0 : i32
      %scan3A_55 = arith.constant 0 : i32
      %scan3A_56 = arith.constant 20 : i32
      %scan3A_57 = arith.addi %scan3A_55, %scan3A_56 : i32
      %scan3A_58 = arith.constant 1 : i32
      %scan3A_59 = scf.for %scan3A_80 = %scan3A_55 to %scan3A_57 step %scan3A_58 iter_args(%scan3A_81 = %scan3A_54) -> (i32)  : i32 {
        %mul3A_82 = arith.constant 2 : i32
        %mul3A_83 = arith.muli %mul3A_82, %scan3A_80 : i32
        %add3A_84 = arith.constant 1 : i32
        %add3A_85 = arith.addi %mul3A_83, %add3A_84 : i32
        %dma_start3A_86 = arith.constant 0 : i32
        %dma_start3A_87 = tpu.memref_slice %arg8[%add3A_85, %dma_start3A_86] : memref<40x128xi32, #tpu.memory_space<vmem>> -> memref<1x128xi32, #tpu.memory_space<vmem>>
        %dma_start3A_88 = tpu.memref_squeeze %dma_start3A_87 : memref<1x128xi32, #tpu.memory_space<vmem>> -> memref<128xi32, #tpu.memory_space<vmem>>
        %dma_start3A_89 = arith.constant 0 : i32
        %dma_start3A_90 = arith.constant 0 : i32
        %dma_start3A_91 = tpu.memref_slice %arg2[%dma_start3A_89, %dma_start3A_90] : memref<10000x128xf32, #tpu.memory_space<hbm>> -> memref<10000x128xf32, #tpu.memory_space<hbm>>
        tpu.enqueue_indirect_dma source(%dma_start3A_91 : memref<10000x128xf32, #tpu.memory_space<hbm>>) target(%arg11 : memref<128x128xf32, #tpu.memory_space<vmem>>) offsets(%dma_start3A_88 : memref<128xi32, #tpu.memory_space<vmem>>) semaphore(%arg13 : memref<!tpu.dma_semaphore, #tpu.memory_space<semaphore_mem>>)
        %dma_wait3A = arith.constant 0 : i32
        %dma_wait3A_92 = arith.constant 0 : i32
        %dma_wait3A_93 = tpu.memref_slice %arg8[%dma_wait3A, %dma_wait3A_92] : memref<40x128xi32, #tpu.memory_space<vmem>> -> memref<1x128xi32, #tpu.memory_space<vmem>>
        %dma_wait3A_94 = tpu.memref_squeeze %dma_wait3A_93 : memref<1x128xi32, #tpu.memory_space<vmem>> -> memref<128xi32, #tpu.memory_space<vmem>>
        %dma_wait3A_95 = arith.constant 0 : i32
        %dma_wait3A_96 = arith.constant 0 : i32
        %dma_wait3A_97 = tpu.memref_slice %arg2[%dma_wait3A_95, %dma_wait3A_96] : memref<10000x128xf32, #tpu.memory_space<hbm>> -> memref<10000x128xf32, #tpu.memory_space<hbm>>
        tpu.wait_indirect_dma semaphore(%arg12 : memref<!tpu.dma_semaphore, #tpu.memory_space<semaphore_mem>>) src(%dma_wait3A_97 : memref<10000x128xf32, #tpu.memory_space<hbm>>) dst(%arg10 : memref<128x128xf32, #tpu.memory_space<vmem>>)
        "tpu.region"() ({
          %run_scoped3A = tpu.sem_alloc : memref<!tpu.dma_semaphore, #tpu.memory_space<semaphore_mem>>
          %dma_start3A_115 = arith.constant 0 : i32
          %dma_start3A_116 = tpu.memref_slice %arg9[%mul3A_83, %dma_start3A_115] : memref<40x128xi32, #tpu.memory_space<vmem>> -> memref<1x128xi32, #tpu.memory_space<vmem>>
          %dma_start3A_117 = tpu.memref_squeeze %dma_start3A_116 : memref<1x128xi32, #tpu.memory_space<vmem>> -> memref<128xi32, #tpu.memory_space<vmem>>
          %dma_start3A_118 = arith.constant 0 : i32
          %dma_start3A_119 = arith.constant 0 : i32
          %dma_start3A_120 = tpu.memref_slice %arg7[%dma_start3A_118, %dma_start3A_119] : memref<10008x128xf32, #tpu.memory_space<vmem_shared>> -> memref<10008x128xf32, #tpu.memory_space<vmem_shared>>
          tpu.enqueue_indirect_dma source(%arg10 : memref<128x128xf32, #tpu.memory_space<vmem>>) target(%dma_start3A_120 : memref<10008x128xf32, #tpu.memory_space<vmem_shared>>) offsets(%dma_start3A_117 : memref<128xi32, #tpu.memory_space<vmem>>) semaphore(%run_scoped3A : memref<!tpu.dma_semaphore, #tpu.memory_space<semaphore_mem>>) {add = true}
          %dma_wait3A_121 = arith.constant 0 : i32
          %dma_wait3A_122 = tpu.memref_slice %arg9[%mul3A_83, %dma_wait3A_121] : memref<40x128xi32, #tpu.memory_space<vmem>> -> memref<1x128xi32, #tpu.memory_space<vmem>>
          %dma_wait3A_123 = tpu.memref_squeeze %dma_wait3A_122 : memref<1x128xi32, #tpu.memory_space<vmem>> -> memref<128xi32, #tpu.memory_space<vmem>>
          %dma_wait3A_124 = arith.constant 0 : i32
          %dma_wait3A_125 = arith.constant 0 : i32
          %dma_wait3A_126 = tpu.memref_slice %arg7[%dma_wait3A_124, %dma_wait3A_125] : memref<10008x128xf32, #tpu.memory_space<vmem_shared>> -> memref<10008x128xf32, #tpu.memory_space<vmem_shared>>
          tpu.wait_indirect_dma semaphore(%run_scoped3A : memref<!tpu.dma_semaphore, #tpu.memory_space<semaphore_mem>>) src(%arg10 : memref<128x128xf32, #tpu.memory_space<vmem>>) dst(%dma_wait3A_126 : memref<10008x128xf32, #tpu.memory_space<vmem_shared>>)
          tpu.yield
        }) : () -> ()
        %add3A_98 = arith.constant 2 : i32
        %add3A_99 = arith.addi %mul3A_83, %add3A_98 : i32
        %lt3A_100 = arith.constant 40 : i32
        %lt3A_101 = arith.cmpi slt, %add3A_99, %lt3A_100 : i32
        %convert_element_type3A_102 = arith.extui %lt3A_101 : i1 to i32
        %cond3A_103 = arith.constant 0 : i32
        %cond3A_104 = arith.cmpi ne, %convert_element_type3A_102, %cond3A_103 : i32
        scf.if %cond3A_104 {
          %add3A_115 = arith.constant 2 : i32
          %add3A_116 = arith.addi %mul3A_83, %add3A_115 : i32
          %dma_start3A_117 = arith.constant 0 : i32
          %dma_start3A_118 = tpu.memref_slice %arg8[%add3A_116, %dma_start3A_117] : memref<40x128xi32, #tpu.memory_space<vmem>> -> memref<1x128xi32, #tpu.memory_space<vmem>>
          %dma_start3A_119 = tpu.memref_squeeze %dma_start3A_118 : memref<1x128xi32, #tpu.memory_space<vmem>> -> memref<128xi32, #tpu.memory_space<vmem>>
          %dma_start3A_120 = arith.constant 0 : i32
          %dma_start3A_121 = arith.constant 0 : i32
          %dma_start3A_122 = tpu.memref_slice %arg2[%dma_start3A_120, %dma_start3A_121] : memref<10000x128xf32, #tpu.memory_space<hbm>> -> memref<10000x128xf32, #tpu.memory_space<hbm>>
          tpu.enqueue_indirect_dma source(%dma_start3A_122 : memref<10000x128xf32, #tpu.memory_space<hbm>>) target(%arg10 : memref<128x128xf32, #tpu.memory_space<vmem>>) offsets(%dma_start3A_119 : memref<128xi32, #tpu.memory_space<vmem>>) semaphore(%arg12 : memref<!tpu.dma_semaphore, #tpu.memory_space<semaphore_mem>>)
        } else {
        }
        %dma_wait3A_105 = arith.constant 0 : i32
        %dma_wait3A_106 = arith.constant 0 : i32
        %dma_wait3A_107 = tpu.memref_slice %arg8[%dma_wait3A_105, %dma_wait3A_106] : memref<40x128xi32, #tpu.memory_space<vmem>> -> memref<1x128xi32, #tpu.memory_space<vmem>>
        %dma_wait3A_108 = tpu.memref_squeeze %dma_wait3A_107 : memref<1x128xi32, #tpu.memory_space<vmem>> -> memref<128xi32, #tpu.memory_space<vmem>>
        %dma_wait3A_109 = arith.constant 0 : i32
        %dma_wait3A_110 = arith.constant 0 : i32
        %dma_wait3A_111 = tpu.memref_slice %arg2[%dma_wait3A_109, %dma_wait3A_110] : memref<10000x128xf32, #tpu.memory_space<hbm>> -> memref<10000x128xf32, #tpu.memory_space<hbm>>
        tpu.wait_indirect_dma semaphore(%arg13 : memref<!tpu.dma_semaphore, #tpu.memory_space<semaphore_mem>>) src(%dma_wait3A_111 : memref<10000x128xf32, #tpu.memory_space<hbm>>) dst(%arg11 : memref<128x128xf32, #tpu.memory_space<vmem>>)
        %add3A_112 = arith.constant 1 : i32
        %add3A_113 = arith.addi %mul3A_83, %add3A_112 : i32
        "tpu.region"() ({
          %run_scoped3A = tpu.sem_alloc : memref<!tpu.dma_semaphore, #tpu.memory_space<semaphore_mem>>
          %dma_start3A_115 = arith.constant 0 : i32
          %dma_start3A_116 = tpu.memref_slice %arg9[%add3A_113, %dma_start3A_115] : memref<40x128xi32, #tpu.memory_space<vmem>> -> memref<1x128xi32, #tpu.memory_space<vmem>>
          %dma_start3A_117 = tpu.memref_squeeze %dma_start3A_116 : memref<1x128xi32, #tpu.memory_space<vmem>> -> memref<128xi32, #tpu.memory_space<vmem>>
          %dma_start3A_118 = arith.constant 0 : i32
          %dma_start3A_119 = arith.constant 0 : i32
          %dma_start3A_120 = tpu.memref_slice %arg7[%dma_start3A_118, %dma_start3A_119] : memref<10008x128xf32, #tpu.memory_space<vmem_shared>> -> memref<10008x128xf32, #tpu.memory_space<vmem_shared>>
          tpu.enqueue_indirect_dma source(%arg11 : memref<128x128xf32, #tpu.memory_space<vmem>>) target(%dma_start3A_120 : memref<10008x128xf32, #tpu.memory_space<vmem_shared>>) offsets(%dma_start3A_117 : memref<128xi32, #tpu.memory_space<vmem>>) semaphore(%run_scoped3A : memref<!tpu.dma_semaphore, #tpu.memory_space<semaphore_mem>>) {add = true}
          %dma_wait3A_121 = arith.constant 0 : i32
          %dma_wait3A_122 = tpu.memref_slice %arg9[%add3A_113, %dma_wait3A_121] : memref<40x128xi32, #tpu.memory_space<vmem>> -> memref<1x128xi32, #tpu.memory_space<vmem>>
          %dma_wait3A_123 = tpu.memref_squeeze %dma_wait3A_122 : memref<1x128xi32, #tpu.memory_space<vmem>> -> memref<128xi32, #tpu.memory_space<vmem>>
          %dma_wait3A_124 = arith.constant 0 : i32
          %dma_wait3A_125 = arith.constant 0 : i32
          %dma_wait3A_126 = tpu.memref_slice %arg7[%dma_wait3A_124, %dma_wait3A_125] : memref<10008x128xf32, #tpu.memory_space<vmem_shared>> -> memref<10008x128xf32, #tpu.memory_space<vmem_shared>>
          tpu.wait_indirect_dma semaphore(%run_scoped3A : memref<!tpu.dma_semaphore, #tpu.memory_space<semaphore_mem>>) src(%arg11 : memref<128x128xf32, #tpu.memory_space<vmem>>) dst(%dma_wait3A_126 : memref<10008x128xf32, #tpu.memory_space<vmem_shared>>)
          tpu.yield
        }) : () -> ()
        %scan3A_114 = arith.constant 0 : i32
        scf.yield %scan3A_114 : i32
      }
      %scan3A_60 = arith.constant 20 : i32
      %mul3A_61 = arith.constant 80 : i32
      %mul3A_62 = arith.muli %arg1, %mul3A_61 : i32
      %add3A_63 = arith.constant 40 : i32
      %add3A_64 = arith.addi %mul3A_62, %add3A_63 : i32
      %multiple_of3A_65 = tpu.assume_multiple %add3A_64, 8 : i32
      "tpu.region"() ({
        %run_scoped3A = tpu.sem_alloc : memref<!tpu.dma_semaphore, #tpu.memory_space<semaphore_mem>>
        %dma_start3A_80 = arith.constant 0 : i32
        %dma_start3A_81 = tpu.memref_slice %arg4[%multiple_of3A_65, %dma_start3A_80] : memref<1280x128xi32, #tpu.memory_space<hbm>> -> memref<40x128xi32, #tpu.memory_space<hbm>>
        %dma_start3A_82 = arith.constant 0 : i32
        %dma_start3A_83 = tpu.memref_slice %arg4[%multiple_of3A_65, %dma_start3A_82] : memref<1280x128xi32, #tpu.memory_space<hbm>> -> memref<40x128xi32, #tpu.memory_space<hbm>>
        tpu.enqueue_dma source(%dma_start3A_83 : memref<40x128xi32, #tpu.memory_space<hbm>>) target(%arg8 : memref<40x128xi32, #tpu.memory_space<vmem>>) target_semaphore(%run_scoped3A : memref<!tpu.dma_semaphore, #tpu.memory_space<semaphore_mem>>)
        %dma_wait3A = arith.constant 0 : i32
        %dma_wait3A_84 = tpu.memref_slice %arg4[%multiple_of3A_65, %dma_wait3A] : memref<1280x128xi32, #tpu.memory_space<hbm>> -> memref<40x128xi32, #tpu.memory_space<hbm>>
        %dma_wait3A_85 = arith.constant 0 : i32
        %dma_wait3A_86 = tpu.memref_slice %arg4[%multiple_of3A_65, %dma_wait3A_85] : memref<1280x128xi32, #tpu.memory_space<hbm>> -> memref<40x128xi32, #tpu.memory_space<hbm>>
        tpu.wait_dma2 semaphore(%run_scoped3A : memref<!tpu.dma_semaphore, #tpu.memory_space<semaphore_mem>>) src(%dma_wait3A_86 : memref<40x128xi32, #tpu.memory_space<hbm>>) dst(%arg8 : memref<40x128xi32, #tpu.memory_space<vmem>>)
        tpu.yield
      }) : () -> ()
      "tpu.region"() ({
        %run_scoped3A = tpu.sem_alloc : memref<!tpu.dma_semaphore, #tpu.memory_space<semaphore_mem>>
        %dma_start3A_80 = arith.constant 0 : i32
        %dma_start3A_81 = tpu.memref_slice %arg5[%multiple_of3A_65, %dma_start3A_80] : memref<1280x128xi32, #tpu.memory_space<hbm>> -> memref<40x128xi32, #tpu.memory_space<hbm>>
        %dma_start3A_82 = arith.constant 0 : i32
        %dma_start3A_83 = tpu.memref_slice %arg5[%multiple_of3A_65, %dma_start3A_82] : memref<1280x128xi32, #tpu.memory_space<hbm>> -> memref<40x128xi32, #tpu.memory_space<hbm>>
        tpu.enqueue_dma source(%dma_start3A_83 : memref<40x128xi32, #tpu.memory_space<hbm>>) target(%arg9 : memref<40x128xi32, #tpu.memory_space<vmem>>) target_semaphore(%run_scoped3A : memref<!tpu.dma_semaphore, #tpu.memory_space<semaphore_mem>>)
        %dma_wait3A = arith.constant 0 : i32
        %dma_wait3A_84 = tpu.memref_slice %arg5[%multiple_of3A_65, %dma_wait3A] : memref<1280x128xi32, #tpu.memory_space<hbm>> -> memref<40x128xi32, #tpu.memory_space<hbm>>
        %dma_wait3A_85 = arith.constant 0 : i32
        %dma_wait3A_86 = tpu.memref_slice %arg5[%multiple_of3A_65, %dma_wait3A_85] : memref<1280x128xi32, #tpu.memory_space<hbm>> -> memref<40x128xi32, #tpu.memory_space<hbm>>
        tpu.wait_dma2 semaphore(%run_scoped3A : memref<!tpu.dma_semaphore, #tpu.memory_space<semaphore_mem>>) src(%dma_wait3A_86 : memref<40x128xi32, #tpu.memory_space<hbm>>) dst(%arg9 : memref<40x128xi32, #tpu.memory_space<vmem>>)
        tpu.yield
      }) : () -> ()
      %dma_start3A_66 = arith.constant 0 : i32
      %dma_start3A_67 = arith.constant 0 : i32
      %dma_start3A_68 = tpu.memref_slice %arg8[%dma_start3A_66, %dma_start3A_67] : memref<40x128xi32, #tpu.memory_space<vmem>> -> memref<1x128xi32, #tpu.memory_space<vmem>>
      %dma_start3A_69 = tpu.memref_squeeze %dma_start3A_68 : memref<1x128xi32, #tpu.memory_space<vmem>> -> memref<128xi32, #tpu.memory_space<vmem>>
      %dma_start3A_70 = arith.constant 0 : i32
      %dma_start3A_71 = arith.constant 0 : i32
      %dma_start3A_72 = tpu.memref_slice %arg2[%dma_start3A_70, %dma_start3A_71] : memref<10000x128xf32, #tpu.memory_space<hbm>> -> memref<10000x128xf32, #tpu.memory_space<hbm>>
      tpu.enqueue_indirect_dma source(%dma_start3A_72 : memref<10000x128xf32, #tpu.memory_space<hbm>>) target(%arg10 : memref<128x128xf32, #tpu.memory_space<vmem>>) offsets(%dma_start3A_69 : memref<128xi32, #tpu.memory_space<vmem>>) semaphore(%arg12 : memref<!tpu.dma_semaphore, #tpu.memory_space<semaphore_mem>>)
      %scan3A_73 = arith.constant 0 : i32
      %scan3A_74 = arith.constant 0 : i32
      %scan3A_75 = arith.constant 20 : i32
      %scan3A_76 = arith.addi %scan3A_74, %scan3A_75 : i32
      %scan3A_77 = arith.constant 1 : i32
      %scan3A_78 = scf.for %scan3A_80 = %scan3A_74 to %scan3A_76 step %scan3A_77 iter_args(%scan3A_81 = %scan3A_73) -> (i32)  : i32 {
        %mul3A_82 = arith.constant 2 : i32
        %mul3A_83 = arith.muli %mul3A_82, %scan3A_80 : i32
        %add3A_84 = arith.constant 1 : i32
        %add3A_85 = arith.addi %mul3A_83, %add3A_84 : i32
        %dma_start3A_86 = arith.constant 0 : i32
        %dma_start3A_87 = tpu.memref_slice %arg8[%add3A_85, %dma_start3A_86] : memref<40x128xi32, #tpu.memory_space<vmem>> -> memref<1x128xi32, #tpu.memory_space<vmem>>
        %dma_start3A_88 = tpu.memref_squeeze %dma_start3A_87 : memref<1x128xi32, #tpu.memory_space<vmem>> -> memref<128xi32, #tpu.memory_space<vmem>>
        %dma_start3A_89 = arith.constant 0 : i32
        %dma_start3A_90 = arith.constant 0 : i32
        %dma_start3A_91 = tpu.memref_slice %arg2[%dma_start3A_89, %dma_start3A_90] : memref<10000x128xf32, #tpu.memory_space<hbm>> -> memref<10000x128xf32, #tpu.memory_space<hbm>>
        tpu.enqueue_indirect_dma source(%dma_start3A_91 : memref<10000x128xf32, #tpu.memory_space<hbm>>) target(%arg11 : memref<128x128xf32, #tpu.memory_space<vmem>>) offsets(%dma_start3A_88 : memref<128xi32, #tpu.memory_space<vmem>>) semaphore(%arg13 : memref<!tpu.dma_semaphore, #tpu.memory_space<semaphore_mem>>)
        %dma_wait3A = arith.constant 0 : i32
        %dma_wait3A_92 = arith.constant 0 : i32
        %dma_wait3A_93 = tpu.memref_slice %arg8[%dma_wait3A, %dma_wait3A_92] : memref<40x128xi32, #tpu.memory_space<vmem>> -> memref<1x128xi32, #tpu.memory_space<vmem>>
        %dma_wait3A_94 = tpu.memref_squeeze %dma_wait3A_93 : memref<1x128xi32, #tpu.memory_space<vmem>> -> memref<128xi32, #tpu.memory_space<vmem>>
        %dma_wait3A_95 = arith.constant 0 : i32
        %dma_wait3A_96 = arith.constant 0 : i32
        %dma_wait3A_97 = tpu.memref_slice %arg2[%dma_wait3A_95, %dma_wait3A_96] : memref<10000x128xf32, #tpu.memory_space<hbm>> -> memref<10000x128xf32, #tpu.memory_space<hbm>>
        tpu.wait_indirect_dma semaphore(%arg12 : memref<!tpu.dma_semaphore, #tpu.memory_space<semaphore_mem>>) src(%dma_wait3A_97 : memref<10000x128xf32, #tpu.memory_space<hbm>>) dst(%arg10 : memref<128x128xf32, #tpu.memory_space<vmem>>)
        "tpu.region"() ({
          %run_scoped3A = tpu.sem_alloc : memref<!tpu.dma_semaphore, #tpu.memory_space<semaphore_mem>>
          %dma_start3A_115 = arith.constant 0 : i32
          %dma_start3A_116 = tpu.memref_slice %arg9[%mul3A_83, %dma_start3A_115] : memref<40x128xi32, #tpu.memory_space<vmem>> -> memref<1x128xi32, #tpu.memory_space<vmem>>
          %dma_start3A_117 = tpu.memref_squeeze %dma_start3A_116 : memref<1x128xi32, #tpu.memory_space<vmem>> -> memref<128xi32, #tpu.memory_space<vmem>>
          %dma_start3A_118 = arith.constant 0 : i32
          %dma_start3A_119 = arith.constant 0 : i32
          %dma_start3A_120 = tpu.memref_slice %arg7[%dma_start3A_118, %dma_start3A_119] : memref<10008x128xf32, #tpu.memory_space<vmem_shared>> -> memref<10008x128xf32, #tpu.memory_space<vmem_shared>>
          tpu.enqueue_indirect_dma source(%arg10 : memref<128x128xf32, #tpu.memory_space<vmem>>) target(%dma_start3A_120 : memref<10008x128xf32, #tpu.memory_space<vmem_shared>>) offsets(%dma_start3A_117 : memref<128xi32, #tpu.memory_space<vmem>>) semaphore(%run_scoped3A : memref<!tpu.dma_semaphore, #tpu.memory_space<semaphore_mem>>) {add = true}
          %dma_wait3A_121 = arith.constant 0 : i32
          %dma_wait3A_122 = tpu.memref_slice %arg9[%mul3A_83, %dma_wait3A_121] : memref<40x128xi32, #tpu.memory_space<vmem>> -> memref<1x128xi32, #tpu.memory_space<vmem>>
          %dma_wait3A_123 = tpu.memref_squeeze %dma_wait3A_122 : memref<1x128xi32, #tpu.memory_space<vmem>> -> memref<128xi32, #tpu.memory_space<vmem>>
          %dma_wait3A_124 = arith.constant 0 : i32
          %dma_wait3A_125 = arith.constant 0 : i32
          %dma_wait3A_126 = tpu.memref_slice %arg7[%dma_wait3A_124, %dma_wait3A_125] : memref<10008x128xf32, #tpu.memory_space<vmem_shared>> -> memref<10008x128xf32, #tpu.memory_space<vmem_shared>>
          tpu.wait_indirect_dma semaphore(%run_scoped3A : memref<!tpu.dma_semaphore, #tpu.memory_space<semaphore_mem>>) src(%arg10 : memref<128x128xf32, #tpu.memory_space<vmem>>) dst(%dma_wait3A_126 : memref<10008x128xf32, #tpu.memory_space<vmem_shared>>)
          tpu.yield
        }) : () -> ()
        %add3A_98 = arith.constant 2 : i32
        %add3A_99 = arith.addi %mul3A_83, %add3A_98 : i32
        %lt3A_100 = arith.constant 40 : i32
        %lt3A_101 = arith.cmpi slt, %add3A_99, %lt3A_100 : i32
        %convert_element_type3A_102 = arith.extui %lt3A_101 : i1 to i32
        %cond3A_103 = arith.constant 0 : i32
        %cond3A_104 = arith.cmpi ne, %convert_element_type3A_102, %cond3A_103 : i32
        scf.if %cond3A_104 {
          %add3A_115 = arith.constant 2 : i32
          %add3A_116 = arith.addi %mul3A_83, %add3A_115 : i32
          %dma_start3A_117 = arith.constant 0 : i32
          %dma_start3A_118 = tpu.memref_slice %arg8[%add3A_116, %dma_start3A_117] : memref<40x128xi32, #tpu.memory_space<vmem>> -> memref<1x128xi32, #tpu.memory_space<vmem>>
          %dma_start3A_119 = tpu.memref_squeeze %dma_start3A_118 : memref<1x128xi32, #tpu.memory_space<vmem>> -> memref<128xi32, #tpu.memory_space<vmem>>
          %dma_start3A_120 = arith.constant 0 : i32
          %dma_start3A_121 = arith.constant 0 : i32
          %dma_start3A_122 = tpu.memref_slice %arg2[%dma_start3A_120, %dma_start3A_121] : memref<10000x128xf32, #tpu.memory_space<hbm>> -> memref<10000x128xf32, #tpu.memory_space<hbm>>
          tpu.enqueue_indirect_dma source(%dma_start3A_122 : memref<10000x128xf32, #tpu.memory_space<hbm>>) target(%arg10 : memref<128x128xf32, #tpu.memory_space<vmem>>) offsets(%dma_start3A_119 : memref<128xi32, #tpu.memory_space<vmem>>) semaphore(%arg12 : memref<!tpu.dma_semaphore, #tpu.memory_space<semaphore_mem>>)
        } else {
        }
        %dma_wait3A_105 = arith.constant 0 : i32
        %dma_wait3A_106 = arith.constant 0 : i32
        %dma_wait3A_107 = tpu.memref_slice %arg8[%dma_wait3A_105, %dma_wait3A_106] : memref<40x128xi32, #tpu.memory_space<vmem>> -> memref<1x128xi32, #tpu.memory_space<vmem>>
        %dma_wait3A_108 = tpu.memref_squeeze %dma_wait3A_107 : memref<1x128xi32, #tpu.memory_space<vmem>> -> memref<128xi32, #tpu.memory_space<vmem>>
        %dma_wait3A_109 = arith.constant 0 : i32
        %dma_wait3A_110 = arith.constant 0 : i32
        %dma_wait3A_111 = tpu.memref_slice %arg2[%dma_wait3A_109, %dma_wait3A_110] : memref<10000x128xf32, #tpu.memory_space<hbm>> -> memref<10000x128xf32, #tpu.memory_space<hbm>>
        tpu.wait_indirect_dma semaphore(%arg13 : memref<!tpu.dma_semaphore, #tpu.memory_space<semaphore_mem>>) src(%dma_wait3A_111 : memref<10000x128xf32, #tpu.memory_space<hbm>>) dst(%arg11 : memref<128x128xf32, #tpu.memory_space<vmem>>)
        %add3A_112 = arith.constant 1 : i32
        %add3A_113 = arith.addi %mul3A_83, %add3A_112 : i32
        "tpu.region"() ({
          %run_scoped3A = tpu.sem_alloc : memref<!tpu.dma_semaphore, #tpu.memory_space<semaphore_mem>>
          %dma_start3A_115 = arith.constant 0 : i32
          %dma_start3A_116 = tpu.memref_slice %arg9[%add3A_113, %dma_start3A_115] : memref<40x128xi32, #tpu.memory_space<vmem>> -> memref<1x128xi32, #tpu.memory_space<vmem>>
          %dma_start3A_117 = tpu.memref_squeeze %dma_start3A_116 : memref<1x128xi32, #tpu.memory_space<vmem>> -> memref<128xi32, #tpu.memory_space<vmem>>
          %dma_start3A_118 = arith.constant 0 : i32
          %dma_start3A_119 = arith.constant 0 : i32
          %dma_start3A_120 = tpu.memref_slice %arg7[%dma_start3A_118, %dma_start3A_119] : memref<10008x128xf32, #tpu.memory_space<vmem_shared>> -> memref<10008x128xf32, #tpu.memory_space<vmem_shared>>
          tpu.enqueue_indirect_dma source(%arg11 : memref<128x128xf32, #tpu.memory_space<vmem>>) target(%dma_start3A_120 : memref<10008x128xf32, #tpu.memory_space<vmem_shared>>) offsets(%dma_start3A_117 : memref<128xi32, #tpu.memory_space<vmem>>) semaphore(%run_scoped3A : memref<!tpu.dma_semaphore, #tpu.memory_space<semaphore_mem>>) {add = true}
          %dma_wait3A_121 = arith.constant 0 : i32
          %dma_wait3A_122 = tpu.memref_slice %arg9[%add3A_113, %dma_wait3A_121] : memref<40x128xi32, #tpu.memory_space<vmem>> -> memref<1x128xi32, #tpu.memory_space<vmem>>
          %dma_wait3A_123 = tpu.memref_squeeze %dma_wait3A_122 : memref<1x128xi32, #tpu.memory_space<vmem>> -> memref<128xi32, #tpu.memory_space<vmem>>
          %dma_wait3A_124 = arith.constant 0 : i32
          %dma_wait3A_125 = arith.constant 0 : i32
          %dma_wait3A_126 = tpu.memref_slice %arg7[%dma_wait3A_124, %dma_wait3A_125] : memref<10008x128xf32, #tpu.memory_space<vmem_shared>> -> memref<10008x128xf32, #tpu.memory_space<vmem_shared>>
          tpu.wait_indirect_dma semaphore(%run_scoped3A : memref<!tpu.dma_semaphore, #tpu.memory_space<semaphore_mem>>) src(%arg11 : memref<128x128xf32, #tpu.memory_space<vmem>>) dst(%dma_wait3A_126 : memref<10008x128xf32, #tpu.memory_space<vmem_shared>>)
          tpu.yield
        }) : () -> ()
        %scan3A_114 = arith.constant 0 : i32
        scf.yield %scan3A_114 : i32
      }
      %scan3A_79 = arith.constant 20 : i32
    } else {
    }
    %eq3A_24 = arith.constant 1 : i32
    %eq3A_25 = arith.cmpi eq, %arg0, %eq3A_24 : i32
    %convert_element_type3A_26 = arith.extui %eq3A_25 : i1 to i32
    %cond3A_27 = arith.constant 0 : i32
    %cond3A_28 = arith.cmpi ne, %convert_element_type3A_26, %cond3A_27 : i32
    scf.if %cond3A_28 {
      %mul3A_43 = arith.constant 80 : i32
      %mul3A_44 = arith.muli %arg1, %mul3A_43 : i32
      %add3A_45 = arith.constant 0 : i32
      %add3A_46 = arith.addi %mul3A_44, %add3A_45 : i32
      %multiple_of3A_47 = tpu.assume_multiple %add3A_46, 8 : i32
      "tpu.region"() ({
        %run_scoped3A = tpu.sem_alloc : memref<!tpu.dma_semaphore, #tpu.memory_space<semaphore_mem>>
        %dma_start3A_80 = arith.constant 0 : i32
        %dma_start3A_81 = tpu.memref_slice %arg4[%multiple_of3A_47, %dma_start3A_80] : memref<1280x128xi32, #tpu.memory_space<hbm>> -> memref<40x128xi32, #tpu.memory_space<hbm>>
        %dma_start3A_82 = arith.constant 0 : i32
        %dma_start3A_83 = tpu.memref_slice %arg4[%multiple_of3A_47, %dma_start3A_82] : memref<1280x128xi32, #tpu.memory_space<hbm>> -> memref<40x128xi32, #tpu.memory_space<hbm>>
        tpu.enqueue_dma source(%dma_start3A_83 : memref<40x128xi32, #tpu.memory_space<hbm>>) target(%arg8 : memref<40x128xi32, #tpu.memory_space<vmem>>) target_semaphore(%run_scoped3A : memref<!tpu.dma_semaphore, #tpu.memory_space<semaphore_mem>>)
        %dma_wait3A = arith.constant 0 : i32
        %dma_wait3A_84 = tpu.memref_slice %arg4[%multiple_of3A_47, %dma_wait3A] : memref<1280x128xi32, #tpu.memory_space<hbm>> -> memref<40x128xi32, #tpu.memory_space<hbm>>
        %dma_wait3A_85 = arith.constant 0 : i32
        %dma_wait3A_86 = tpu.memref_slice %arg4[%multiple_of3A_47, %dma_wait3A_85] : memref<1280x128xi32, #tpu.memory_space<hbm>> -> memref<40x128xi32, #tpu.memory_space<hbm>>
        tpu.wait_dma2 semaphore(%run_scoped3A : memref<!tpu.dma_semaphore, #tpu.memory_space<semaphore_mem>>) src(%dma_wait3A_86 : memref<40x128xi32, #tpu.memory_space<hbm>>) dst(%arg8 : memref<40x128xi32, #tpu.memory_space<vmem>>)
        tpu.yield
      }) : () -> ()
      "tpu.region"() ({
        %run_scoped3A = tpu.sem_alloc : memref<!tpu.dma_semaphore, #tpu.memory_space<semaphore_mem>>
        %dma_start3A_80 = arith.constant 0 : i32
        %dma_start3A_81 = tpu.memref_slice %arg5[%multiple_of3A_47, %dma_start3A_80] : memref<1280x128xi32, #tpu.memory_space<hbm>> -> memref<40x128xi32, #tpu.memory_space<hbm>>
        %dma_start3A_82 = arith.constant 0 : i32
        %dma_start3A_83 = tpu.memref_slice %arg5[%multiple_of3A_47, %dma_start3A_82] : memref<1280x128xi32, #tpu.memory_space<hbm>> -> memref<40x128xi32, #tpu.memory_space<hbm>>
        tpu.enqueue_dma source(%dma_start3A_83 : memref<40x128xi32, #tpu.memory_space<hbm>>) target(%arg9 : memref<40x128xi32, #tpu.memory_space<vmem>>) target_semaphore(%run_scoped3A : memref<!tpu.dma_semaphore, #tpu.memory_space<semaphore_mem>>)
        %dma_wait3A = arith.constant 0 : i32
        %dma_wait3A_84 = tpu.memref_slice %arg5[%multiple_of3A_47, %dma_wait3A] : memref<1280x128xi32, #tpu.memory_space<hbm>> -> memref<40x128xi32, #tpu.memory_space<hbm>>
        %dma_wait3A_85 = arith.constant 0 : i32
        %dma_wait3A_86 = tpu.memref_slice %arg5[%multiple_of3A_47, %dma_wait3A_85] : memref<1280x128xi32, #tpu.memory_space<hbm>> -> memref<40x128xi32, #tpu.memory_space<hbm>>
        tpu.wait_dma2 semaphore(%run_scoped3A : memref<!tpu.dma_semaphore, #tpu.memory_space<semaphore_mem>>) src(%dma_wait3A_86 : memref<40x128xi32, #tpu.memory_space<hbm>>) dst(%arg9 : memref<40x128xi32, #tpu.memory_space<vmem>>)
        tpu.yield
      }) : () -> ()
      %dma_start3A = arith.constant 0 : i32
      %dma_start3A_48 = arith.constant 0 : i32
      %dma_start3A_49 = tpu.memref_slice %arg8[%dma_start3A, %dma_start3A_48] : memref<40x128xi32, #tpu.memory_space<vmem>> -> memref<1x128xi32, #tpu.memory_space<vmem>>
      %dma_start3A_50 = tpu.memref_squeeze %dma_start3A_49 : memref<1x128xi32, #tpu.memory_space<vmem>> -> memref<128xi32, #tpu.memory_space<vmem>>
      %dma_start3A_51 = arith.constant 0 : i32
      %dma_start3A_52 = arith.constant 0 : i32
      %dma_start3A_53 = tpu.memref_slice %arg3[%dma_start3A_51, %dma_start3A_52] : memref<10000x128xf32, #tpu.memory_space<hbm>> -> memref<10000x128xf32, #tpu.memory_space<hbm>>
      tpu.enqueue_indirect_dma source(%dma_start3A_53 : memref<10000x128xf32, #tpu.memory_space<hbm>>) target(%arg10 : memref<128x128xf32, #tpu.memory_space<vmem>>) offsets(%dma_start3A_50 : memref<128xi32, #tpu.memory_space<vmem>>) semaphore(%arg12 : memref<!tpu.dma_semaphore, #tpu.memory_space<semaphore_mem>>)
      %scan3A_54 = arith.constant 0 : i32
      %scan3A_55 = arith.constant 0 : i32
      %scan3A_56 = arith.constant 20 : i32
      %scan3A_57 = arith.addi %scan3A_55, %scan3A_56 : i32
      %scan3A_58 = arith.constant 1 : i32
      %scan3A_59 = scf.for %scan3A_80 = %scan3A_55 to %scan3A_57 step %scan3A_58 iter_args(%scan3A_81 = %scan3A_54) -> (i32)  : i32 {
        %mul3A_82 = arith.constant 2 : i32
        %mul3A_83 = arith.muli %mul3A_82, %scan3A_80 : i32
        %add3A_84 = arith.constant 1 : i32
        %add3A_85 = arith.addi %mul3A_83, %add3A_84 : i32
        %dma_start3A_86 = arith.constant 0 : i32
        %dma_start3A_87 = tpu.memref_slice %arg8[%add3A_85, %dma_start3A_86] : memref<40x128xi32, #tpu.memory_space<vmem>> -> memref<1x128xi32, #tpu.memory_space<vmem>>
        %dma_start3A_88 = tpu.memref_squeeze %dma_start3A_87 : memref<1x128xi32, #tpu.memory_space<vmem>> -> memref<128xi32, #tpu.memory_space<vmem>>
        %dma_start3A_89 = arith.constant 0 : i32
        %dma_start3A_90 = arith.constant 0 : i32
        %dma_start3A_91 = tpu.memref_slice %arg3[%dma_start3A_89, %dma_start3A_90] : memref<10000x128xf32, #tpu.memory_space<hbm>> -> memref<10000x128xf32, #tpu.memory_space<hbm>>
        tpu.enqueue_indirect_dma source(%dma_start3A_91 : memref<10000x128xf32, #tpu.memory_space<hbm>>) target(%arg11 : memref<128x128xf32, #tpu.memory_space<vmem>>) offsets(%dma_start3A_88 : memref<128xi32, #tpu.memory_space<vmem>>) semaphore(%arg13 : memref<!tpu.dma_semaphore, #tpu.memory_space<semaphore_mem>>)
        %dma_wait3A = arith.constant 0 : i32
        %dma_wait3A_92 = arith.constant 0 : i32
        %dma_wait3A_93 = tpu.memref_slice %arg8[%dma_wait3A, %dma_wait3A_92] : memref<40x128xi32, #tpu.memory_space<vmem>> -> memref<1x128xi32, #tpu.memory_space<vmem>>
        %dma_wait3A_94 = tpu.memref_squeeze %dma_wait3A_93 : memref<1x128xi32, #tpu.memory_space<vmem>> -> memref<128xi32, #tpu.memory_space<vmem>>
        %dma_wait3A_95 = arith.constant 0 : i32
        %dma_wait3A_96 = arith.constant 0 : i32
        %dma_wait3A_97 = tpu.memref_slice %arg3[%dma_wait3A_95, %dma_wait3A_96] : memref<10000x128xf32, #tpu.memory_space<hbm>> -> memref<10000x128xf32, #tpu.memory_space<hbm>>
        tpu.wait_indirect_dma semaphore(%arg12 : memref<!tpu.dma_semaphore, #tpu.memory_space<semaphore_mem>>) src(%dma_wait3A_97 : memref<10000x128xf32, #tpu.memory_space<hbm>>) dst(%arg10 : memref<128x128xf32, #tpu.memory_space<vmem>>)
        "tpu.region"() ({
          %run_scoped3A = tpu.sem_alloc : memref<!tpu.dma_semaphore, #tpu.memory_space<semaphore_mem>>
          %dma_start3A_115 = arith.constant 0 : i32
          %dma_start3A_116 = tpu.memref_slice %arg9[%mul3A_83, %dma_start3A_115] : memref<40x128xi32, #tpu.memory_space<vmem>> -> memref<1x128xi32, #tpu.memory_space<vmem>>
          %dma_start3A_117 = tpu.memref_squeeze %dma_start3A_116 : memref<1x128xi32, #tpu.memory_space<vmem>> -> memref<128xi32, #tpu.memory_space<vmem>>
          %dma_start3A_118 = arith.constant 0 : i32
          %dma_start3A_119 = arith.constant 0 : i32
          %dma_start3A_120 = tpu.memref_slice %arg7[%dma_start3A_118, %dma_start3A_119] : memref<10008x128xf32, #tpu.memory_space<vmem_shared>> -> memref<10008x128xf32, #tpu.memory_space<vmem_shared>>
          tpu.enqueue_indirect_dma source(%arg10 : memref<128x128xf32, #tpu.memory_space<vmem>>) target(%dma_start3A_120 : memref<10008x128xf32, #tpu.memory_space<vmem_shared>>) offsets(%dma_start3A_117 : memref<128xi32, #tpu.memory_space<vmem>>) semaphore(%run_scoped3A : memref<!tpu.dma_semaphore, #tpu.memory_space<semaphore_mem>>) {add = true}
          %dma_wait3A_121 = arith.constant 0 : i32
          %dma_wait3A_122 = tpu.memref_slice %arg9[%mul3A_83, %dma_wait3A_121] : memref<40x128xi32, #tpu.memory_space<vmem>> -> memref<1x128xi32, #tpu.memory_space<vmem>>
          %dma_wait3A_123 = tpu.memref_squeeze %dma_wait3A_122 : memref<1x128xi32, #tpu.memory_space<vmem>> -> memref<128xi32, #tpu.memory_space<vmem>>
          %dma_wait3A_124 = arith.constant 0 : i32
          %dma_wait3A_125 = arith.constant 0 : i32
          %dma_wait3A_126 = tpu.memref_slice %arg7[%dma_wait3A_124, %dma_wait3A_125] : memref<10008x128xf32, #tpu.memory_space<vmem_shared>> -> memref<10008x128xf32, #tpu.memory_space<vmem_shared>>
          tpu.wait_indirect_dma semaphore(%run_scoped3A : memref<!tpu.dma_semaphore, #tpu.memory_space<semaphore_mem>>) src(%arg10 : memref<128x128xf32, #tpu.memory_space<vmem>>) dst(%dma_wait3A_126 : memref<10008x128xf32, #tpu.memory_space<vmem_shared>>)
          tpu.yield
        }) : () -> ()
        %add3A_98 = arith.constant 2 : i32
        %add3A_99 = arith.addi %mul3A_83, %add3A_98 : i32
        %lt3A_100 = arith.constant 40 : i32
        %lt3A_101 = arith.cmpi slt, %add3A_99, %lt3A_100 : i32
        %convert_element_type3A_102 = arith.extui %lt3A_101 : i1 to i32
        %cond3A_103 = arith.constant 0 : i32
        %cond3A_104 = arith.cmpi ne, %convert_element_type3A_102, %cond3A_103 : i32
        scf.if %cond3A_104 {
          %add3A_115 = arith.constant 2 : i32
          %add3A_116 = arith.addi %mul3A_83, %add3A_115 : i32
          %dma_start3A_117 = arith.constant 0 : i32
          %dma_start3A_118 = tpu.memref_slice %arg8[%add3A_116, %dma_start3A_117] : memref<40x128xi32, #tpu.memory_space<vmem>> -> memref<1x128xi32, #tpu.memory_space<vmem>>
          %dma_start3A_119 = tpu.memref_squeeze %dma_start3A_118 : memref<1x128xi32, #tpu.memory_space<vmem>> -> memref<128xi32, #tpu.memory_space<vmem>>
          %dma_start3A_120 = arith.constant 0 : i32
          %dma_start3A_121 = arith.constant 0 : i32
          %dma_start3A_122 = tpu.memref_slice %arg3[%dma_start3A_120, %dma_start3A_121] : memref<10000x128xf32, #tpu.memory_space<hbm>> -> memref<10000x128xf32, #tpu.memory_space<hbm>>
          tpu.enqueue_indirect_dma source(%dma_start3A_122 : memref<10000x128xf32, #tpu.memory_space<hbm>>) target(%arg10 : memref<128x128xf32, #tpu.memory_space<vmem>>) offsets(%dma_start3A_119 : memref<128xi32, #tpu.memory_space<vmem>>) semaphore(%arg12 : memref<!tpu.dma_semaphore, #tpu.memory_space<semaphore_mem>>)
        } else {
        }
        %dma_wait3A_105 = arith.constant 0 : i32
        %dma_wait3A_106 = arith.constant 0 : i32
        %dma_wait3A_107 = tpu.memref_slice %arg8[%dma_wait3A_105, %dma_wait3A_106] : memref<40x128xi32, #tpu.memory_space<vmem>> -> memref<1x128xi32, #tpu.memory_space<vmem>>
        %dma_wait3A_108 = tpu.memref_squeeze %dma_wait3A_107 : memref<1x128xi32, #tpu.memory_space<vmem>> -> memref<128xi32, #tpu.memory_space<vmem>>
        %dma_wait3A_109 = arith.constant 0 : i32
        %dma_wait3A_110 = arith.constant 0 : i32
        %dma_wait3A_111 = tpu.memref_slice %arg3[%dma_wait3A_109, %dma_wait3A_110] : memref<10000x128xf32, #tpu.memory_space<hbm>> -> memref<10000x128xf32, #tpu.memory_space<hbm>>
        tpu.wait_indirect_dma semaphore(%arg13 : memref<!tpu.dma_semaphore, #tpu.memory_space<semaphore_mem>>) src(%dma_wait3A_111 : memref<10000x128xf32, #tpu.memory_space<hbm>>) dst(%arg11 : memref<128x128xf32, #tpu.memory_space<vmem>>)
        %add3A_112 = arith.constant 1 : i32
        %add3A_113 = arith.addi %mul3A_83, %add3A_112 : i32
        "tpu.region"() ({
          %run_scoped3A = tpu.sem_alloc : memref<!tpu.dma_semaphore, #tpu.memory_space<semaphore_mem>>
          %dma_start3A_115 = arith.constant 0 : i32
          %dma_start3A_116 = tpu.memref_slice %arg9[%add3A_113, %dma_start3A_115] : memref<40x128xi32, #tpu.memory_space<vmem>> -> memref<1x128xi32, #tpu.memory_space<vmem>>
          %dma_start3A_117 = tpu.memref_squeeze %dma_start3A_116 : memref<1x128xi32, #tpu.memory_space<vmem>> -> memref<128xi32, #tpu.memory_space<vmem>>
          %dma_start3A_118 = arith.constant 0 : i32
          %dma_start3A_119 = arith.constant 0 : i32
          %dma_start3A_120 = tpu.memref_slice %arg7[%dma_start3A_118, %dma_start3A_119] : memref<10008x128xf32, #tpu.memory_space<vmem_shared>> -> memref<10008x128xf32, #tpu.memory_space<vmem_shared>>
          tpu.enqueue_indirect_dma source(%arg11 : memref<128x128xf32, #tpu.memory_space<vmem>>) target(%dma_start3A_120 : memref<10008x128xf32, #tpu.memory_space<vmem_shared>>) offsets(%dma_start3A_117 : memref<128xi32, #tpu.memory_space<vmem>>) semaphore(%run_scoped3A : memref<!tpu.dma_semaphore, #tpu.memory_space<semaphore_mem>>) {add = true}
          %dma_wait3A_121 = arith.constant 0 : i32
          %dma_wait3A_122 = tpu.memref_slice %arg9[%add3A_113, %dma_wait3A_121] : memref<40x128xi32, #tpu.memory_space<vmem>> -> memref<1x128xi32, #tpu.memory_space<vmem>>
          %dma_wait3A_123 = tpu.memref_squeeze %dma_wait3A_122 : memref<1x128xi32, #tpu.memory_space<vmem>> -> memref<128xi32, #tpu.memory_space<vmem>>
          %dma_wait3A_124 = arith.constant 0 : i32
          %dma_wait3A_125 = arith.constant 0 : i32
          %dma_wait3A_126 = tpu.memref_slice %arg7[%dma_wait3A_124, %dma_wait3A_125] : memref<10008x128xf32, #tpu.memory_space<vmem_shared>> -> memref<10008x128xf32, #tpu.memory_space<vmem_shared>>
          tpu.wait_indirect_dma semaphore(%run_scoped3A : memref<!tpu.dma_semaphore, #tpu.memory_space<semaphore_mem>>) src(%arg11 : memref<128x128xf32, #tpu.memory_space<vmem>>) dst(%dma_wait3A_126 : memref<10008x128xf32, #tpu.memory_space<vmem_shared>>)
          tpu.yield
        }) : () -> ()
        %scan3A_114 = arith.constant 0 : i32
        scf.yield %scan3A_114 : i32
      }
      %scan3A_60 = arith.constant 20 : i32
      %mul3A_61 = arith.constant 80 : i32
      %mul3A_62 = arith.muli %arg1, %mul3A_61 : i32
      %add3A_63 = arith.constant 40 : i32
      %add3A_64 = arith.addi %mul3A_62, %add3A_63 : i32
      %multiple_of3A_65 = tpu.assume_multiple %add3A_64, 8 : i32
      "tpu.region"() ({
        %run_scoped3A = tpu.sem_alloc : memref<!tpu.dma_semaphore, #tpu.memory_space<semaphore_mem>>
        %dma_start3A_80 = arith.constant 0 : i32
        %dma_start3A_81 = tpu.memref_slice %arg4[%multiple_of3A_65, %dma_start3A_80] : memref<1280x128xi32, #tpu.memory_space<hbm>> -> memref<40x128xi32, #tpu.memory_space<hbm>>
        %dma_start3A_82 = arith.constant 0 : i32
        %dma_start3A_83 = tpu.memref_slice %arg4[%multiple_of3A_65, %dma_start3A_82] : memref<1280x128xi32, #tpu.memory_space<hbm>> -> memref<40x128xi32, #tpu.memory_space<hbm>>
        tpu.enqueue_dma source(%dma_start3A_83 : memref<40x128xi32, #tpu.memory_space<hbm>>) target(%arg8 : memref<40x128xi32, #tpu.memory_space<vmem>>) target_semaphore(%run_scoped3A : memref<!tpu.dma_semaphore, #tpu.memory_space<semaphore_mem>>)
        %dma_wait3A = arith.constant 0 : i32
        %dma_wait3A_84 = tpu.memref_slice %arg4[%multiple_of3A_65, %dma_wait3A] : memref<1280x128xi32, #tpu.memory_space<hbm>> -> memref<40x128xi32, #tpu.memory_space<hbm>>
        %dma_wait3A_85 = arith.constant 0 : i32
        %dma_wait3A_86 = tpu.memref_slice %arg4[%multiple_of3A_65, %dma_wait3A_85] : memref<1280x128xi32, #tpu.memory_space<hbm>> -> memref<40x128xi32, #tpu.memory_space<hbm>>
        tpu.wait_dma2 semaphore(%run_scoped3A : memref<!tpu.dma_semaphore, #tpu.memory_space<semaphore_mem>>) src(%dma_wait3A_86 : memref<40x128xi32, #tpu.memory_space<hbm>>) dst(%arg8 : memref<40x128xi32, #tpu.memory_space<vmem>>)
        tpu.yield
      }) : () -> ()
      "tpu.region"() ({
        %run_scoped3A = tpu.sem_alloc : memref<!tpu.dma_semaphore, #tpu.memory_space<semaphore_mem>>
        %dma_start3A_80 = arith.constant 0 : i32
        %dma_start3A_81 = tpu.memref_slice %arg5[%multiple_of3A_65, %dma_start3A_80] : memref<1280x128xi32, #tpu.memory_space<hbm>> -> memref<40x128xi32, #tpu.memory_space<hbm>>
        %dma_start3A_82 = arith.constant 0 : i32
        %dma_start3A_83 = tpu.memref_slice %arg5[%multiple_of3A_65, %dma_start3A_82] : memref<1280x128xi32, #tpu.memory_space<hbm>> -> memref<40x128xi32, #tpu.memory_space<hbm>>
        tpu.enqueue_dma source(%dma_start3A_83 : memref<40x128xi32, #tpu.memory_space<hbm>>) target(%arg9 : memref<40x128xi32, #tpu.memory_space<vmem>>) target_semaphore(%run_scoped3A : memref<!tpu.dma_semaphore, #tpu.memory_space<semaphore_mem>>)
        %dma_wait3A = arith.constant 0 : i32
        %dma_wait3A_84 = tpu.memref_slice %arg5[%multiple_of3A_65, %dma_wait3A] : memref<1280x128xi32, #tpu.memory_space<hbm>> -> memref<40x128xi32, #tpu.memory_space<hbm>>
        %dma_wait3A_85 = arith.constant 0 : i32
        %dma_wait3A_86 = tpu.memref_slice %arg5[%multiple_of3A_65, %dma_wait3A_85] : memref<1280x128xi32, #tpu.memory_space<hbm>> -> memref<40x128xi32, #tpu.memory_space<hbm>>
        tpu.wait_dma2 semaphore(%run_scoped3A : memref<!tpu.dma_semaphore, #tpu.memory_space<semaphore_mem>>) src(%dma_wait3A_86 : memref<40x128xi32, #tpu.memory_space<hbm>>) dst(%arg9 : memref<40x128xi32, #tpu.memory_space<vmem>>)
        tpu.yield
      }) : () -> ()
      %dma_start3A_66 = arith.constant 0 : i32
      %dma_start3A_67 = arith.constant 0 : i32
      %dma_start3A_68 = tpu.memref_slice %arg8[%dma_start3A_66, %dma_start3A_67] : memref<40x128xi32, #tpu.memory_space<vmem>> -> memref<1x128xi32, #tpu.memory_space<vmem>>
      %dma_start3A_69 = tpu.memref_squeeze %dma_start3A_68 : memref<1x128xi32, #tpu.memory_space<vmem>> -> memref<128xi32, #tpu.memory_space<vmem>>
      %dma_start3A_70 = arith.constant 0 : i32
      %dma_start3A_71 = arith.constant 0 : i32
      %dma_start3A_72 = tpu.memref_slice %arg3[%dma_start3A_70, %dma_start3A_71] : memref<10000x128xf32, #tpu.memory_space<hbm>> -> memref<10000x128xf32, #tpu.memory_space<hbm>>
      tpu.enqueue_indirect_dma source(%dma_start3A_72 : memref<10000x128xf32, #tpu.memory_space<hbm>>) target(%arg10 : memref<128x128xf32, #tpu.memory_space<vmem>>) offsets(%dma_start3A_69 : memref<128xi32, #tpu.memory_space<vmem>>) semaphore(%arg12 : memref<!tpu.dma_semaphore, #tpu.memory_space<semaphore_mem>>)
      %scan3A_73 = arith.constant 0 : i32
      %scan3A_74 = arith.constant 0 : i32
      %scan3A_75 = arith.constant 20 : i32
      %scan3A_76 = arith.addi %scan3A_74, %scan3A_75 : i32
      %scan3A_77 = arith.constant 1 : i32
      %scan3A_78 = scf.for %scan3A_80 = %scan3A_74 to %scan3A_76 step %scan3A_77 iter_args(%scan3A_81 = %scan3A_73) -> (i32)  : i32 {
        %mul3A_82 = arith.constant 2 : i32
        %mul3A_83 = arith.muli %mul3A_82, %scan3A_80 : i32
        %add3A_84 = arith.constant 1 : i32
        %add3A_85 = arith.addi %mul3A_83, %add3A_84 : i32
        %dma_start3A_86 = arith.constant 0 : i32
        %dma_start3A_87 = tpu.memref_slice %arg8[%add3A_85, %dma_start3A_86] : memref<40x128xi32, #tpu.memory_space<vmem>> -> memref<1x128xi32, #tpu.memory_space<vmem>>
        %dma_start3A_88 = tpu.memref_squeeze %dma_start3A_87 : memref<1x128xi32, #tpu.memory_space<vmem>> -> memref<128xi32, #tpu.memory_space<vmem>>
        %dma_start3A_89 = arith.constant 0 : i32
        %dma_start3A_90 = arith.constant 0 : i32
        %dma_start3A_91 = tpu.memref_slice %arg3[%dma_start3A_89, %dma_start3A_90] : memref<10000x128xf32, #tpu.memory_space<hbm>> -> memref<10000x128xf32, #tpu.memory_space<hbm>>
        tpu.enqueue_indirect_dma source(%dma_start3A_91 : memref<10000x128xf32, #tpu.memory_space<hbm>>) target(%arg11 : memref<128x128xf32, #tpu.memory_space<vmem>>) offsets(%dma_start3A_88 : memref<128xi32, #tpu.memory_space<vmem>>) semaphore(%arg13 : memref<!tpu.dma_semaphore, #tpu.memory_space<semaphore_mem>>)
        %dma_wait3A = arith.constant 0 : i32
        %dma_wait3A_92 = arith.constant 0 : i32
        %dma_wait3A_93 = tpu.memref_slice %arg8[%dma_wait3A, %dma_wait3A_92] : memref<40x128xi32, #tpu.memory_space<vmem>> -> memref<1x128xi32, #tpu.memory_space<vmem>>
        %dma_wait3A_94 = tpu.memref_squeeze %dma_wait3A_93 : memref<1x128xi32, #tpu.memory_space<vmem>> -> memref<128xi32, #tpu.memory_space<vmem>>
        %dma_wait3A_95 = arith.constant 0 : i32
        %dma_wait3A_96 = arith.constant 0 : i32
        %dma_wait3A_97 = tpu.memref_slice %arg3[%dma_wait3A_95, %dma_wait3A_96] : memref<10000x128xf32, #tpu.memory_space<hbm>> -> memref<10000x128xf32, #tpu.memory_space<hbm>>
        tpu.wait_indirect_dma semaphore(%arg12 : memref<!tpu.dma_semaphore, #tpu.memory_space<semaphore_mem>>) src(%dma_wait3A_97 : memref<10000x128xf32, #tpu.memory_space<hbm>>) dst(%arg10 : memref<128x128xf32, #tpu.memory_space<vmem>>)
        "tpu.region"() ({
          %run_scoped3A = tpu.sem_alloc : memref<!tpu.dma_semaphore, #tpu.memory_space<semaphore_mem>>
          %dma_start3A_115 = arith.constant 0 : i32
          %dma_start3A_116 = tpu.memref_slice %arg9[%mul3A_83, %dma_start3A_115] : memref<40x128xi32, #tpu.memory_space<vmem>> -> memref<1x128xi32, #tpu.memory_space<vmem>>
          %dma_start3A_117 = tpu.memref_squeeze %dma_start3A_116 : memref<1x128xi32, #tpu.memory_space<vmem>> -> memref<128xi32, #tpu.memory_space<vmem>>
          %dma_start3A_118 = arith.constant 0 : i32
          %dma_start3A_119 = arith.constant 0 : i32
          %dma_start3A_120 = tpu.memref_slice %arg7[%dma_start3A_118, %dma_start3A_119] : memref<10008x128xf32, #tpu.memory_space<vmem_shared>> -> memref<10008x128xf32, #tpu.memory_space<vmem_shared>>
          tpu.enqueue_indirect_dma source(%arg10 : memref<128x128xf32, #tpu.memory_space<vmem>>) target(%dma_start3A_120 : memref<10008x128xf32, #tpu.memory_space<vmem_shared>>) offsets(%dma_start3A_117 : memref<128xi32, #tpu.memory_space<vmem>>) semaphore(%run_scoped3A : memref<!tpu.dma_semaphore, #tpu.memory_space<semaphore_mem>>) {add = true}
          %dma_wait3A_121 = arith.constant 0 : i32
          %dma_wait3A_122 = tpu.memref_slice %arg9[%mul3A_83, %dma_wait3A_121] : memref<40x128xi32, #tpu.memory_space<vmem>> -> memref<1x128xi32, #tpu.memory_space<vmem>>
          %dma_wait3A_123 = tpu.memref_squeeze %dma_wait3A_122 : memref<1x128xi32, #tpu.memory_space<vmem>> -> memref<128xi32, #tpu.memory_space<vmem>>
          %dma_wait3A_124 = arith.constant 0 : i32
          %dma_wait3A_125 = arith.constant 0 : i32
          %dma_wait3A_126 = tpu.memref_slice %arg7[%dma_wait3A_124, %dma_wait3A_125] : memref<10008x128xf32, #tpu.memory_space<vmem_shared>> -> memref<10008x128xf32, #tpu.memory_space<vmem_shared>>
          tpu.wait_indirect_dma semaphore(%run_scoped3A : memref<!tpu.dma_semaphore, #tpu.memory_space<semaphore_mem>>) src(%arg10 : memref<128x128xf32, #tpu.memory_space<vmem>>) dst(%dma_wait3A_126 : memref<10008x128xf32, #tpu.memory_space<vmem_shared>>)
          tpu.yield
        }) : () -> ()
        %add3A_98 = arith.constant 2 : i32
        %add3A_99 = arith.addi %mul3A_83, %add3A_98 : i32
        %lt3A_100 = arith.constant 40 : i32
        %lt3A_101 = arith.cmpi slt, %add3A_99, %lt3A_100 : i32
        %convert_element_type3A_102 = arith.extui %lt3A_101 : i1 to i32
        %cond3A_103 = arith.constant 0 : i32
        %cond3A_104 = arith.cmpi ne, %convert_element_type3A_102, %cond3A_103 : i32
        scf.if %cond3A_104 {
          %add3A_115 = arith.constant 2 : i32
          %add3A_116 = arith.addi %mul3A_83, %add3A_115 : i32
          %dma_start3A_117 = arith.constant 0 : i32
          %dma_start3A_118 = tpu.memref_slice %arg8[%add3A_116, %dma_start3A_117] : memref<40x128xi32, #tpu.memory_space<vmem>> -> memref<1x128xi32, #tpu.memory_space<vmem>>
          %dma_start3A_119 = tpu.memref_squeeze %dma_start3A_118 : memref<1x128xi32, #tpu.memory_space<vmem>> -> memref<128xi32, #tpu.memory_space<vmem>>
          %dma_start3A_120 = arith.constant 0 : i32
          %dma_start3A_121 = arith.constant 0 : i32
          %dma_start3A_122 = tpu.memref_slice %arg3[%dma_start3A_120, %dma_start3A_121] : memref<10000x128xf32, #tpu.memory_space<hbm>> -> memref<10000x128xf32, #tpu.memory_space<hbm>>
          tpu.enqueue_indirect_dma source(%dma_start3A_122 : memref<10000x128xf32, #tpu.memory_space<hbm>>) target(%arg10 : memref<128x128xf32, #tpu.memory_space<vmem>>) offsets(%dma_start3A_119 : memref<128xi32, #tpu.memory_space<vmem>>) semaphore(%arg12 : memref<!tpu.dma_semaphore, #tpu.memory_space<semaphore_mem>>)
        } else {
        }
        %dma_wait3A_105 = arith.constant 0 : i32
        %dma_wait3A_106 = arith.constant 0 : i32
        %dma_wait3A_107 = tpu.memref_slice %arg8[%dma_wait3A_105, %dma_wait3A_106] : memref<40x128xi32, #tpu.memory_space<vmem>> -> memref<1x128xi32, #tpu.memory_space<vmem>>
        %dma_wait3A_108 = tpu.memref_squeeze %dma_wait3A_107 : memref<1x128xi32, #tpu.memory_space<vmem>> -> memref<128xi32, #tpu.memory_space<vmem>>
        %dma_wait3A_109 = arith.constant 0 : i32
        %dma_wait3A_110 = arith.constant 0 : i32
        %dma_wait3A_111 = tpu.memref_slice %arg3[%dma_wait3A_109, %dma_wait3A_110] : memref<10000x128xf32, #tpu.memory_space<hbm>> -> memref<10000x128xf32, #tpu.memory_space<hbm>>
        tpu.wait_indirect_dma semaphore(%arg13 : memref<!tpu.dma_semaphore, #tpu.memory_space<semaphore_mem>>) src(%dma_wait3A_111 : memref<10000x128xf32, #tpu.memory_space<hbm>>) dst(%arg11 : memref<128x128xf32, #tpu.memory_space<vmem>>)
        %add3A_112 = arith.constant 1 : i32
        %add3A_113 = arith.addi %mul3A_83, %add3A_112 : i32
        "tpu.region"() ({
          %run_scoped3A = tpu.sem_alloc : memref<!tpu.dma_semaphore, #tpu.memory_space<semaphore_mem>>
          %dma_start3A_115 = arith.constant 0 : i32
          %dma_start3A_116 = tpu.memref_slice %arg9[%add3A_113, %dma_start3A_115] : memref<40x128xi32, #tpu.memory_space<vmem>> -> memref<1x128xi32, #tpu.memory_space<vmem>>
          %dma_start3A_117 = tpu.memref_squeeze %dma_start3A_116 : memref<1x128xi32, #tpu.memory_space<vmem>> -> memref<128xi32, #tpu.memory_space<vmem>>
          %dma_start3A_118 = arith.constant 0 : i32
          %dma_start3A_119 = arith.constant 0 : i32
          %dma_start3A_120 = tpu.memref_slice %arg7[%dma_start3A_118, %dma_start3A_119] : memref<10008x128xf32, #tpu.memory_space<vmem_shared>> -> memref<10008x128xf32, #tpu.memory_space<vmem_shared>>
          tpu.enqueue_indirect_dma source(%arg11 : memref<128x128xf32, #tpu.memory_space<vmem>>) target(%dma_start3A_120 : memref<10008x128xf32, #tpu.memory_space<vmem_shared>>) offsets(%dma_start3A_117 : memref<128xi32, #tpu.memory_space<vmem>>) semaphore(%run_scoped3A : memref<!tpu.dma_semaphore, #tpu.memory_space<semaphore_mem>>) {add = true}
          %dma_wait3A_121 = arith.constant 0 : i32
          %dma_wait3A_122 = tpu.memref_slice %arg9[%add3A_113, %dma_wait3A_121] : memref<40x128xi32, #tpu.memory_space<vmem>> -> memref<1x128xi32, #tpu.memory_space<vmem>>
          %dma_wait3A_123 = tpu.memref_squeeze %dma_wait3A_122 : memref<1x128xi32, #tpu.memory_space<vmem>> -> memref<128xi32, #tpu.memory_space<vmem>>
          %dma_wait3A_124 = arith.constant 0 : i32
          %dma_wait3A_125 = arith.constant 0 : i32
          %dma_wait3A_126 = tpu.memref_slice %arg7[%dma_wait3A_124, %dma_wait3A_125] : memref<10008x128xf32, #tpu.memory_space<vmem_shared>> -> memref<10008x128xf32, #tpu.memory_space<vmem_shared>>
          tpu.wait_indirect_dma semaphore(%run_scoped3A : memref<!tpu.dma_semaphore, #tpu.memory_space<semaphore_mem>>) src(%arg11 : memref<128x128xf32, #tpu.memory_space<vmem>>) dst(%dma_wait3A_126 : memref<10008x128xf32, #tpu.memory_space<vmem_shared>>)
          tpu.yield
        }) : () -> ()
        %scan3A_114 = arith.constant 0 : i32
        scf.yield %scan3A_114 : i32
      }
      %scan3A_79 = arith.constant 20 : i32
    } else {
    }
    %barrier3A_29 = arith.constant 0 : index
    tpu.barrier barrier_id(%barrier3A_29)
    %mul3A_30 = arith.constant 10000 : i32
    %mul3A_31 = arith.muli %arg0, %mul3A_30 : i32
    %add3A_32 = arith.addi %mul3A_31, %multiple_of3A : i32
    %multiple_of3A_33 = tpu.assume_multiple %add3A_32, 8 : i32
    %lt3A = arith.constant 15 : i32
    %lt3A_34 = arith.cmpi slt, %arg1, %lt3A : i32
    %convert_element_type3A_35 = arith.extui %lt3A_34 : i1 to i32
    %cond3A_36 = arith.constant 0 : i32
    %cond3A_37 = arith.cmpi ne, %convert_element_type3A_35, %cond3A_36 : i32
    scf.if %cond3A_37 {
      "tpu.region"() ({
        %run_scoped3A = tpu.sem_alloc : memref<!tpu.dma_semaphore, #tpu.memory_space<semaphore_mem>>
        %dma_start3A = arith.constant 0 : i32
        %dma_start3A_43 = tpu.memref_slice %arg6[%multiple_of3A_33, %dma_start3A] : memref<20000x128xf32, #tpu.memory_space<hbm>> -> memref<624x128xf32, #tpu.memory_space<hbm>>
        %dma_start3A_44 = arith.constant 0 : i32
        %dma_start3A_45 = tpu.memref_slice %arg7[%multiple_of3A, %dma_start3A_44] : memref<10008x128xf32, #tpu.memory_space<vmem_shared>> -> memref<624x128xf32, #tpu.memory_space<vmem_shared>>
        tpu.enqueue_dma source(%dma_start3A_45 : memref<624x128xf32, #tpu.memory_space<vmem_shared>>) target(%dma_start3A_43 : memref<624x128xf32, #tpu.memory_space<hbm>>) target_semaphore(%run_scoped3A : memref<!tpu.dma_semaphore, #tpu.memory_space<semaphore_mem>>)
        %dma_wait3A = arith.constant 0 : i32
        %dma_wait3A_46 = tpu.memref_slice %arg6[%multiple_of3A_33, %dma_wait3A] : memref<20000x128xf32, #tpu.memory_space<hbm>> -> memref<624x128xf32, #tpu.memory_space<hbm>>
        %dma_wait3A_47 = arith.constant 0 : i32
        %dma_wait3A_48 = tpu.memref_slice %arg7[%multiple_of3A, %dma_wait3A_47] : memref<10008x128xf32, #tpu.memory_space<vmem_shared>> -> memref<624x128xf32, #tpu.memory_space<vmem_shared>>
        tpu.wait_dma2 semaphore(%run_scoped3A : memref<!tpu.dma_semaphore, #tpu.memory_space<semaphore_mem>>) src(%dma_wait3A_48 : memref<624x128xf32, #tpu.memory_space<vmem_shared>>) dst(%dma_wait3A_46 : memref<624x128xf32, #tpu.memory_space<hbm>>)
        tpu.yield
      }) : () -> ()
    } else {
    }
    %eq3A_38 = arith.constant 15 : i32
    %eq3A_39 = arith.cmpi eq, %arg1, %eq3A_38 : i32
    %convert_element_type3A_40 = arith.extui %eq3A_39 : i1 to i32
    %cond3A_41 = arith.constant 0 : i32
    %cond3A_42 = arith.cmpi ne, %convert_element_type3A_40, %cond3A_41 : i32
    scf.if %cond3A_42 {
      "tpu.region"() ({
        %run_scoped3A = tpu.sem_alloc : memref<!tpu.dma_semaphore, #tpu.memory_space<semaphore_mem>>
        %dma_start3A = arith.constant 0 : i32
        %dma_start3A_43 = tpu.memref_slice %arg6[%multiple_of3A_33, %dma_start3A] : memref<20000x128xf32, #tpu.memory_space<hbm>> -> memref<640x128xf32, #tpu.memory_space<hbm>>
        %dma_start3A_44 = arith.constant 0 : i32
        %dma_start3A_45 = tpu.memref_slice %arg7[%multiple_of3A, %dma_start3A_44] : memref<10008x128xf32, #tpu.memory_space<vmem_shared>> -> memref<640x128xf32, #tpu.memory_space<vmem_shared>>
        tpu.enqueue_dma source(%dma_start3A_45 : memref<640x128xf32, #tpu.memory_space<vmem_shared>>) target(%dma_start3A_43 : memref<640x128xf32, #tpu.memory_space<hbm>>) target_semaphore(%run_scoped3A : memref<!tpu.dma_semaphore, #tpu.memory_space<semaphore_mem>>)
        %dma_wait3A = arith.constant 0 : i32
        %dma_wait3A_46 = tpu.memref_slice %arg6[%multiple_of3A_33, %dma_wait3A] : memref<20000x128xf32, #tpu.memory_space<hbm>> -> memref<640x128xf32, #tpu.memory_space<hbm>>
        %dma_wait3A_47 = arith.constant 0 : i32
        %dma_wait3A_48 = tpu.memref_slice %arg7[%multiple_of3A, %dma_wait3A_47] : memref<10008x128xf32, #tpu.memory_space<vmem_shared>> -> memref<640x128xf32, #tpu.memory_space<vmem_shared>>
        tpu.wait_dma2 semaphore(%run_scoped3A : memref<!tpu.dma_semaphore, #tpu.memory_space<semaphore_mem>>) src(%dma_wait3A_48 : memref<640x128xf32, #tpu.memory_space<vmem_shared>>) dst(%dma_wait3A_46 : memref<640x128xf32, #tpu.memory_space<hbm>>)
        tpu.yield
      }) : () -> ()
    } else {
    }
    return
  }
}

module attributes {stable_mosaic.version = 14 : i64} {
  func.func @_tcr_body(%arg0: i32, %arg1: memref<2000x256xf32, #tpu.memory_space<vmem>>, %arg2: memref<256x256xf32, #tpu.memory_space<vmem>>, %arg3: memref<1x256xf32, #tpu.memory_space<vmem>>, %arg4: memref<2000x256xf32, #tpu.memory_space<vmem>>) attributes {dimension_semantics = [#tpu.dimension_semantics<arbitrary>], iteration_bounds = array<i64: 5>, scalar_prefetch = 0 : i64, scratch_operands = 0 : i64, tpu.core_type = #tpu.core_type<tc>, window_params = [{transform_indices = @transform_0, window_bounds = array<i64: 2000, 256>}, {pipeline_mode = #tpu.pipeline_mode<synchronous>, transform_indices = @transform_1, window_bounds = array<i64: 256, 256>}, {pipeline_mode = #tpu.pipeline_mode<synchronous>, transform_indices = @transform_2, window_bounds = array<i64: 1, 256>}, {transform_indices = @transform_3, window_bounds = array<i64: 2000, 256>}]} {
    %get3A = arith.constant 0 : index
    %get3A_0 = arith.constant 0 : index
    %get3A_1 = vector.load %arg1[%get3A, %get3A_0] : memref<2000x256xf32, #tpu.memory_space<vmem>>, vector<2000x256xf32>
    %get3A_2 = arith.constant 0 : index
    %get3A_3 = arith.constant 0 : index
    %get3A_4 = vector.load %arg2[%get3A_2, %get3A_3] : memref<256x256xf32, #tpu.memory_space<vmem>>, vector<256x256xf32>
    %dot_general3A = arith.constant dense<0.000000e+00> : vector<2000x256xf32>
    %dot_general3A_5 = tpu.matmul %get3A_1, %get3A_4, %dot_general3A {dimension_numbers = #tpu.dot_dimension_numbers<[1], [0], [0], [1], [0, 0, 1, 1], [], []>, transpose_lhs_hint = false} : vector<2000x256xf32>, vector<256x256xf32>, vector<2000x256xf32> -> vector<2000x256xf32>
    %get3A_6 = arith.constant 0 : index
    %get3A_7 = arith.constant 0 : index
    %get3A_8 = vector.load %arg3[%get3A_6, %get3A_7] : memref<1x256xf32, #tpu.memory_space<vmem>>, vector<1x256xf32>
    %add3A = vector.broadcast %get3A_8 : vector<1x256xf32> to vector<2000x256xf32>
    %add3A_9 = arith.addf %dot_general3A_5, %add3A : vector<2000x256xf32>
    %swap3A = arith.constant 0 : index
    %swap3A_10 = arith.constant 0 : index
    %swap3A_11 = vector.load %arg4[%swap3A, %swap3A_10] : memref<2000x256xf32, #tpu.memory_space<vmem>>, vector<2000x256xf32>
    tpu.vector_store %arg4[%swap3A, %swap3A_10], %add3A_9 {strides = array<i32>} : memref<2000x256xf32, #tpu.memory_space<vmem>>, vector<2000x256xf32>,
    return
  }
  func.func @transform_0(%arg0: i32) -> (i32, i32) {
    %c0_i32 = arith.constant 0 : i32
    %c0_i32_0 = arith.constant 0 : i32
    return %arg0, %c0_i32 : i32, i32
  }
  func.func @transform_1(%arg0: i32) -> (i32, i32) {
    %c0_i32 = arith.constant 0 : i32
    %c0_i32_0 = arith.constant 0 : i32
    %c0_i32_1 = arith.constant 0 : i32
    return %c0_i32, %c0_i32_0 : i32, i32
  }
  func.func @transform_2(%arg0: i32) -> (i32, i32) {
    %c0_i32 = arith.constant 0 : i32
    %c0_i32_0 = arith.constant 0 : i32
    %c0_i32_1 = arith.constant 0 : i32
    return %c0_i32, %c0_i32_0 : i32, i32
  }
  func.func @transform_3(%arg0: i32) -> (i32, i32) {
    %c0_i32 = arith.constant 0 : i32
    %c0_i32_0 = arith.constant 0 : i32
    return %arg0, %c0_i32 : i32, i32
  }
}

module attributes {stable_mosaic.version = 14 : i64} {
  func.func @_tc_body(%arg0: i32, %arg1: i32, %arg2: memref<2000x256xf32, #tpu.memory_space<vmem>>, %arg3: memref<2000x128xf32, #tpu.memory_space<vmem>>, %arg4: memref<2000x128xf32, #tpu.memory_space<vmem>>, %arg5: memref<2000x128xf32, #tpu.memory_space<vmem>>, %arg6: memref<2000x128xf32, #tpu.memory_space<vmem>>, %arg7: memref<256x256xf32, #tpu.memory_space<vmem>>, %arg8: memref<1x256xf32, #tpu.memory_space<vmem>>, %arg9: memref<1x256xf32, #tpu.memory_space<vmem>>, %arg10: memref<2000x256xf32, #tpu.memory_space<vmem>>, %arg11: memref<10000x256xf32, #tpu.memory_space<vmem>>, %arg12: memref<1x256xf32, #tpu.memory_space<vmem>>, %arg13: memref<1x256xf32, #tpu.memory_space<vmem>>) attributes {dimension_semantics = [#tpu.dimension_semantics<arbitrary>, #tpu.dimension_semantics<arbitrary>], iteration_bounds = array<i64: 2, 5>, scalar_prefetch = 0 : i64, scratch_operands = 3 : i64, tpu.core_type = #tpu.core_type<tc>, window_params = [{transform_indices = @transform_0, window_bounds = array<i64: 2000, 256>}, {transform_indices = @transform_1, window_bounds = array<i64: 2000, 128>}, {transform_indices = @transform_2, window_bounds = array<i64: 2000, 128>}, {transform_indices = @transform_3, window_bounds = array<i64: 2000, 128>}, {transform_indices = @transform_4, window_bounds = array<i64: 2000, 128>}, {pipeline_mode = #tpu.pipeline_mode<synchronous>, transform_indices = @transform_5, window_bounds = array<i64: 256, 256>}, {pipeline_mode = #tpu.pipeline_mode<synchronous>, transform_indices = @transform_6, window_bounds = array<i64: 1, 256>}, {pipeline_mode = #tpu.pipeline_mode<synchronous>, transform_indices = @transform_7, window_bounds = array<i64: 1, 256>}, {transform_indices = @transform_8, window_bounds = array<i64: 2000, 256>}]} {
    %eq3A = arith.constant 0 : i32
    %eq3A_0 = arith.cmpi eq, %arg0, %eq3A : i32
    %convert_element_type3A = arith.extui %eq3A_0 : i1 to i32
    %cond3A = arith.constant 0 : i32
    %cond3A_1 = arith.cmpi ne, %convert_element_type3A, %cond3A : i32
    scf.if %cond3A_1 {
      %get3A = arith.constant 0 : index
      %get3A_7 = arith.constant 0 : index
      %get3A_8 = vector.load %arg5[%get3A, %get3A_7] : memref<2000x128xf32, #tpu.memory_space<vmem>>, vector<2000x1xf32>
      %get3A_9 = arith.constant 0 : index
      %get3A_10 = arith.constant 0 : index
      %get3A_11 = vector.load %arg6[%get3A_9, %get3A_10] : memref<2000x128xf32, #tpu.memory_space<vmem>>, vector<2000x1xf32>
      %add3A = arith.addf %get3A_8, %get3A_11 : vector<2000x1xf32>
      %max3A = arith.constant 1.000000e+00 : f32
      %max3A_12 = vector.broadcast %max3A : f32 to vector<2000x1xf32>
      %max3A_13 = arith.maximumf %add3A, %max3A_12 : vector<2000x1xf32>
      %div3A = arith.constant 1.000000e+00 : f32
      %div3A_14 = vector.broadcast %div3A : f32 to vector<2000x1xf32>
      %div3A_15 = arith.divf %div3A_14, %max3A_13 : vector<2000x1xf32>
      %get3A_16 = arith.constant 0 : index
      %get3A_17 = arith.constant 0 : index
      %get3A_18 = vector.load %arg3[%get3A_16, %get3A_17] : memref<2000x128xf32, #tpu.memory_space<vmem>>, vector<2000x128xf32>
      %get3A_19 = arith.constant 0 : index
      %get3A_20 = arith.constant 0 : index
      %get3A_21 = vector.load %arg7[%get3A_19, %get3A_20] : memref<256x256xf32, #tpu.memory_space<vmem>>, vector<128x256xf32>
      %dot_general3A = arith.constant dense<0.000000e+00> : vector<2000x256xf32>
      %dot_general3A_22 = tpu.matmul %get3A_18, %get3A_21, %dot_general3A {dimension_numbers = #tpu.dot_dimension_numbers<[1], [0], [0], [1], [0, 0, 1, 1], [], []>, transpose_lhs_hint = false} : vector<2000x128xf32>, vector<128x256xf32>, vector<2000x256xf32> -> vector<2000x256xf32>
      %get3A_23 = arith.constant 0 : index
      %get3A_24 = arith.constant 0 : index
      %get3A_25 = vector.load %arg4[%get3A_23, %get3A_24] : memref<2000x128xf32, #tpu.memory_space<vmem>>, vector<2000x128xf32>
      %get3A_26 = arith.constant 128 : index
      %get3A_27 = arith.constant 0 : index
      %get3A_28 = vector.load %arg7[%get3A_26, %get3A_27] : memref<256x256xf32, #tpu.memory_space<vmem>>, vector<128x256xf32>
      %dot_general3A_29 = arith.constant dense<0.000000e+00> : vector<2000x256xf32>
      %dot_general3A_30 = tpu.matmul %get3A_25, %get3A_28, %dot_general3A_29 {dimension_numbers = #tpu.dot_dimension_numbers<[1], [0], [0], [1], [0, 0, 1, 1], [], []>, transpose_lhs_hint = false} : vector<2000x128xf32>, vector<128x256xf32>, vector<2000x256xf32> -> vector<2000x256xf32>
      %add3A_31 = arith.addf %dot_general3A_22, %dot_general3A_30 : vector<2000x256xf32>
      %mul3A = vector.broadcast %div3A_15 : vector<2000x1xf32> to vector<2000x256xf32>
      %mul3A_32 = arith.mulf %add3A_31, %mul3A : vector<2000x256xf32>
      %get3A_33 = arith.constant 0 : index
      %get3A_34 = arith.constant 0 : index
      %get3A_35 = vector.load %arg2[%get3A_33, %get3A_34] : memref<2000x256xf32, #tpu.memory_space<vmem>>, vector<2000x256xf32>
      %add3A_36 = arith.addf %mul3A_32, %get3A_35 : vector<2000x256xf32>
      %mul3A_37 = arith.constant 2000 : i32
      %mul3A_38 = arith.muli %arg1, %mul3A_37 : i32
      %swap3A = arith.index_cast %mul3A_38 : i32 to index
      %swap3A_39 = arith.constant 0 : index
      %swap3A_40 = vector.load %arg11[%swap3A, %swap3A_39] : memref<10000x256xf32, #tpu.memory_space<vmem>>, vector<2000x256xf32>
      tpu.vector_store %arg11[%swap3A, %swap3A_39], %add3A_36 {strides = array<i32>} : memref<10000x256xf32, #tpu.memory_space<vmem>>, vector<2000x256xf32>,
      %reduce_sum3A = arith.constant dense<0.000000e+00> : vector<256xf32>
      %reduce_sum3A_41 = vector.multi_reduction <add>, %add3A_36, %reduce_sum3A [0] : vector<2000x256xf32> to vector<256xf32>
      %broadcast_in_dim3A = vector.shape_cast %reduce_sum3A_41 : vector<256xf32> to vector<1x256xf32>
      %mul3A_42 = arith.mulf %add3A_36, %add3A_36 : vector<2000x256xf32>
      %reduce_sum3A_43 = arith.constant dense<0.000000e+00> : vector<256xf32>
      %reduce_sum3A_44 = vector.multi_reduction <add>, %mul3A_42, %reduce_sum3A_43 [0] : vector<2000x256xf32> to vector<256xf32>
      %broadcast_in_dim3A_45 = vector.shape_cast %reduce_sum3A_44 : vector<256xf32> to vector<1x256xf32>
      %eq3A_46 = arith.constant 0 : i32
      %eq3A_47 = arith.cmpi eq, %arg1, %eq3A_46 : i32
      %convert_element_type3A_48 = arith.extui %eq3A_47 : i1 to i32
      %cond3A_49 = arith.constant 0 : i32
      %cond3A_50 = arith.cmpi ne, %convert_element_type3A_48, %cond3A_49 : i32
      scf.if %cond3A_50 {
        %swap3A_55 = arith.constant 0 : index
        %swap3A_56 = arith.constant 0 : index
        %swap3A_57 = vector.load %arg12[%swap3A_55, %swap3A_56] : memref<1x256xf32, #tpu.memory_space<vmem>>, vector<1x256xf32>
        tpu.vector_store %arg12[%swap3A_55, %swap3A_56], %broadcast_in_dim3A {strides = array<i32>} : memref<1x256xf32, #tpu.memory_space<vmem>>, vector<1x256xf32>,
        %swap3A_58 = arith.constant 0 : index
        %swap3A_59 = arith.constant 0 : index
        %swap3A_60 = vector.load %arg13[%swap3A_58, %swap3A_59] : memref<1x256xf32, #tpu.memory_space<vmem>>, vector<1x256xf32>
        tpu.vector_store %arg13[%swap3A_58, %swap3A_59], %broadcast_in_dim3A_45 {strides = array<i32>} : memref<1x256xf32, #tpu.memory_space<vmem>>, vector<1x256xf32>,
      } else {
      }
      %gt3A = arith.constant 0 : i32
      %gt3A_51 = arith.cmpi sgt, %arg1, %gt3A : i32
      %convert_element_type3A_52 = arith.extui %gt3A_51 : i1 to i32
      %cond3A_53 = arith.constant 0 : i32
      %cond3A_54 = arith.cmpi ne, %convert_element_type3A_52, %cond3A_53 : i32
      scf.if %cond3A_54 {
        %get3A_55 = arith.constant 0 : index
        %get3A_56 = arith.constant 0 : index
        %get3A_57 = vector.load %arg12[%get3A_55, %get3A_56] : memref<1x256xf32, #tpu.memory_space<vmem>>, vector<1x256xf32>
        %add3A_58 = arith.addf %get3A_57, %broadcast_in_dim3A : vector<1x256xf32>
        %swap3A_59 = arith.constant 0 : index
        %swap3A_60 = arith.constant 0 : index
        %swap3A_61 = vector.load %arg12[%swap3A_59, %swap3A_60] : memref<1x256xf32, #tpu.memory_space<vmem>>, vector<1x256xf32>
        tpu.vector_store %arg12[%swap3A_59, %swap3A_60], %add3A_58 {strides = array<i32>} : memref<1x256xf32, #tpu.memory_space<vmem>>, vector<1x256xf32>,
        %get3A_62 = arith.constant 0 : index
        %get3A_63 = arith.constant 0 : index
        %get3A_64 = vector.load %arg13[%get3A_62, %get3A_63] : memref<1x256xf32, #tpu.memory_space<vmem>>, vector<1x256xf32>
        %add3A_65 = arith.addf %get3A_64, %broadcast_in_dim3A_45 : vector<1x256xf32>
        %swap3A_66 = arith.constant 0 : index
        %swap3A_67 = arith.constant 0 : index
        %swap3A_68 = vector.load %arg13[%swap3A_66, %swap3A_67] : memref<1x256xf32, #tpu.memory_space<vmem>>, vector<1x256xf32>
        tpu.vector_store %arg13[%swap3A_66, %swap3A_67], %add3A_65 {strides = array<i32>} : memref<1x256xf32, #tpu.memory_space<vmem>>, vector<1x256xf32>,
      } else {
      }
    } else {
    }
    %eq3A_2 = arith.constant 1 : i32
    %eq3A_3 = arith.cmpi eq, %arg0, %eq3A_2 : i32
    %convert_element_type3A_4 = arith.extui %eq3A_3 : i1 to i32
    %cond3A_5 = arith.constant 0 : i32
    %cond3A_6 = arith.cmpi ne, %convert_element_type3A_4, %cond3A_5 : i32
    scf.if %cond3A_6 {
      %get3A = arith.constant 0 : index
      %get3A_7 = arith.constant 0 : index
      %get3A_8 = vector.load %arg12[%get3A, %get3A_7] : memref<1x256xf32, #tpu.memory_space<vmem>>, vector<1x256xf32>
      %mul3A = arith.constant 9.99999974E-5 : f32
      %mul3A_9 = vector.broadcast %mul3A : f32 to vector<1x256xf32>
      %mul3A_10 = arith.mulf %get3A_8, %mul3A_9 : vector<1x256xf32>
      %get3A_11 = arith.constant 0 : index
      %get3A_12 = arith.constant 0 : index
      %get3A_13 = vector.load %arg13[%get3A_11, %get3A_12] : memref<1x256xf32, #tpu.memory_space<vmem>>, vector<1x256xf32>
      %mul3A_14 = arith.constant 9.99999974E-5 : f32
      %mul3A_15 = vector.broadcast %mul3A_14 : f32 to vector<1x256xf32>
      %mul3A_16 = arith.mulf %get3A_13, %mul3A_15 : vector<1x256xf32>
      %mul3A_17 = arith.mulf %mul3A_10, %mul3A_10 : vector<1x256xf32>
      %sub3A = arith.subf %mul3A_16, %mul3A_17 : vector<1x256xf32>
      %add3A = arith.constant 9.99999974E-6 : f32
      %add3A_18 = vector.broadcast %add3A : f32 to vector<1x256xf32>
      %add3A_19 = arith.addf %sub3A, %add3A_18 : vector<1x256xf32>
      %rsqrt3A = math.rsqrt %add3A_19 : vector<1x256xf32>
      %get3A_20 = arith.constant 0 : index
      %get3A_21 = arith.constant 0 : index
      %get3A_22 = vector.load %arg8[%get3A_20, %get3A_21] : memref<1x256xf32, #tpu.memory_space<vmem>>, vector<1x256xf32>
      %mul3A_23 = arith.mulf %rsqrt3A, %get3A_22 : vector<1x256xf32>
      %mul3A_24 = arith.constant 2000 : i32
      %mul3A_25 = arith.muli %arg1, %mul3A_24 : i32
      %get3A_26 = arith.index_cast %mul3A_25 : i32 to index
      %get3A_27 = arith.constant 0 : index
      %get3A_28 = vector.load %arg11[%get3A_26, %get3A_27] : memref<10000x256xf32, #tpu.memory_space<vmem>>, vector<2000x256xf32>
      %sub3A_29 = vector.broadcast %mul3A_10 : vector<1x256xf32> to vector<2000x256xf32>
      %sub3A_30 = arith.subf %get3A_28, %sub3A_29 : vector<2000x256xf32>
      %mul3A_31 = vector.broadcast %mul3A_23 : vector<1x256xf32> to vector<2000x256xf32>
      %mul3A_32 = arith.mulf %sub3A_30, %mul3A_31 : vector<2000x256xf32>
      %get3A_33 = arith.constant 0 : index
      %get3A_34 = arith.constant 0 : index
      %get3A_35 = vector.load %arg9[%get3A_33, %get3A_34] : memref<1x256xf32, #tpu.memory_space<vmem>>, vector<1x256xf32>
      %add3A_36 = vector.broadcast %get3A_35 : vector<1x256xf32> to vector<2000x256xf32>
      %add3A_37 = arith.addf %mul3A_32, %add3A_36 : vector<2000x256xf32>
      %max3A = arith.constant 0.000000e+00 : f32
      %max3A_38 = vector.broadcast %max3A : f32 to vector<2000x256xf32>
      %max3A_39 = arith.maximumf %add3A_37, %max3A_38 : vector<2000x256xf32>
      %swap3A = arith.constant 0 : index
      %swap3A_40 = arith.constant 0 : index
      %swap3A_41 = vector.load %arg10[%swap3A, %swap3A_40] : memref<2000x256xf32, #tpu.memory_space<vmem>>, vector<2000x256xf32>
      tpu.vector_store %arg10[%swap3A, %swap3A_40], %max3A_39 {strides = array<i32>} : memref<2000x256xf32, #tpu.memory_space<vmem>>, vector<2000x256xf32>,
    } else {
    }
    return
  }
  func.func @transform_0(%arg0: i32, %arg1: i32) -> (i32, i32) {
    %c0_i32 = arith.constant 0 : i32
    %c0_i32_0 = arith.constant 0 : i32
    return %arg1, %c0_i32 : i32, i32
  }
  func.func @transform_1(%arg0: i32, %arg1: i32) -> (i32, i32) {
    %c0_i32 = arith.constant 0 : i32
    %c0_i32_0 = arith.constant 0 : i32
    return %arg1, %c0_i32 : i32, i32
  }
  func.func @transform_2(%arg0: i32, %arg1: i32) -> (i32, i32) {
    %add3A = arith.constant 5 : i32
    %add3A_0 = arith.addi %add3A, %arg1 : i32
    %c0_i32 = arith.constant 0 : i32
    %c0_i32_1 = arith.constant 0 : i32
    return %add3A_0, %c0_i32 : i32, i32
  }
  func.func @transform_3(%arg0: i32, %arg1: i32) -> (i32, i32) {
    %c0_i32 = arith.constant 0 : i32
    %c0_i32_0 = arith.constant 0 : i32
    return %arg1, %c0_i32 : i32, i32
  }
  func.func @transform_4(%arg0: i32, %arg1: i32) -> (i32, i32) {
    %add3A = arith.constant 5 : i32
    %add3A_0 = arith.addi %add3A, %arg1 : i32
    %c0_i32 = arith.constant 0 : i32
    %c0_i32_1 = arith.constant 0 : i32
    return %add3A_0, %c0_i32 : i32, i32
  }
  func.func @transform_5(%arg0: i32, %arg1: i32) -> (i32, i32) {
    %c0_i32 = arith.constant 0 : i32
    %c0_i32_0 = arith.constant 0 : i32
    %c0_i32_1 = arith.constant 0 : i32
    return %c0_i32, %c0_i32_0 : i32, i32
  }
  func.func @transform_6(%arg0: i32, %arg1: i32) -> (i32, i32) {
    %c0_i32 = arith.constant 0 : i32
    %c0_i32_0 = arith.constant 0 : i32
    %c0_i32_1 = arith.constant 0 : i32
    return %c0_i32, %c0_i32_0 : i32, i32
  }
  func.func @transform_7(%arg0: i32, %arg1: i32) -> (i32, i32) {
    %c0_i32 = arith.constant 0 : i32
    %c0_i32_0 = arith.constant 0 : i32
    %c0_i32_1 = arith.constant 0 : i32
    return %c0_i32, %c0_i32_0 : i32, i32
  }
  func.func @transform_8(%arg0: i32, %arg1: i32) -> (i32, i32) {
    %c0_i32 = arith.constant 0 : i32
    %c0_i32_0 = arith.constant 0 : i32
    return %arg1, %c0_i32 : i32, i32
  }
}

</mosaic_0001>

<sc_bundles>
// kernel: kernel.6.cloned.1.call-start
scs
__scs_entry_jumppad:
0x0: {  	(pc) =	sbr.rel $0x88, $3  }
0x1: {  	(tag) =	ssettag $0x0;
	lr =	simm.s32 $0x1  }
0x2: {  	[smem:$0x3F9A] =	sst lr;
	_ =	strace $0xD0000000  }
0x3: {  	_ = 	snop  }
0x4: {  	_ = 	snop  }
0x5: {  	_ = 	snop  }
0x6: {  	_ = 	snop  }
0x7: {  	_ = 	snop  }
__scs_overlays_trampoline_lowered:
0x8: {  	[smem:$0x3FA9] =	sst s0  }
0x9: {  	[smem:$0x3FAA] =	sst s1  }
0xa: {  	[smem:$0x3FAB] =	sst s2  }
0xb: {  	[smem:$0x3FAC] =	sst s3  }
0xc: {  	[smem:$0x3FAD] =	sst s4  }
0xd: {  	[smem:$0x3FAE] =	sst s5  }
0xe: {  	[smem:$0x3FAF] =	sst s6  }
0xf: {  	[smem:$0x3FB0] =	sst s7  }
0x10: {  	[smem:$0x3FB1] =	sst s8  }
0x11: {  	[smem:$0x3FB2] =	sst s9;
	s0 =	simm.s32 @!p0 $0x0  }
0x12: {  	s1 =	sld [smem:$0x3F98];
	s0 =	simm.s32 @p0 $0x1  }
0x13: {  	[smem:$0x3FB3] =	sst s0;
	s0 =	simm.s32 @!p1 $0x0  }
0x14: {  	s2 =	sld [smem:$0x3F97];
	s0 =	simm.s32 @p1 $0x1  }
0x15: {  	[smem:$0x3FB4] =	sst s0;
	s0 =	simm.s32 @!p2 $0x0  }
0x16: {  	s3 =	sld [smem:$0x3FDB];
	s0 =	simm.s32 @p2 $0x1  }
0x17: {  	s4 =	simm.s32 $0x1BF5;
	[smem:$0x3FB6] =	sst s0  }
0x18: {  	s0 =	sld [smem:$0x3F99];
	_ =	swait.ge [sflag:s4], $0x0  }
0x19: {  	s7 =	sld [smem:$0x3F9A]  }
0x1a: {  	s8 =	sadd.s32 $0xFFFFE003, lr  }
0x1b: {  	s9 =	sadd.s32 $0xFFFFFEF7, lr;
	s5 =	simm.s32 $0xFFFFFFFF;
	p2 =	slt.u32 s8, $0xFFFFF086  }
0x1c: {  	p1 =	slt.u32 s9, $0xF7A;
	s5 =	simm.s32 @!p2 $0x0  }
0x1d: {  	s5 =	simm.s32 @p1 $0x1;
	p0 =	seq.s32 s7, s2  }
0x1e: {  	s7 =	smul.u32 @!p0 $0xF7A, s2;
	p2 =	seq.s32 @!p0 s5, $0x0  }
0x1f: {  	s9 =	smul.u32 $0xF7A, s1;
	s8 =	simm.s32 @!p0 $0x1BF5;
	p2 =	por !p2, p0  }
0x20: {  	[sflag:s8] =	ssyncset.s32 @!p0 $0xFFFFF086;
	s6 =	sadd.s32 @!p0 s3, s7;
	s7 =	simm.s32 @!p0 $0x108  }
0x21: {  	s3 =	sadd.s32 s3, s9;
	s6 =	sadd.s32 @!p0 $0x88, s6;
	s7 =	simm.s32 @p2 $0x1082  }
0x22: {  	[simem:s7], [sflag:s8] =	dma.local @!p0 [hbm:s6], $0xF7A  }
0x23: {  	s9 =	sor.u32 $0xD0000000, s2;
	s6 =	simm.s32 $0x108;
	_ =	swait.ge @!p0 [sflag:s8], $0x0  }
0x24: {  	s3 =	sadd.s32 $0x88, s3;
	s6 =	simm.s32 @!p1 $0x1082;
	[sflag:s4] =	ssyncset.s32 $0xFFFFF086  }
0x25: {  	[simem:s6], [sflag:s4] =	dma.local [hbm:s3], $0xF7A  }
0x26: {  	[smem:$0x3F9A] =	sst s1;
	(tag) =	ssettag s2;
	_ =	strace s9  }
0x27: {  	s1 =	sld [smem:$0x3FAA]  }
0x28: {  	s2 =	sld [smem:$0x3FAB]  }
0x29: {  	s4 =	sld [smem:$0x3FAD]  }
0x2a: {  	p0 =	seq.s32 s5, $0x0;
	s5 =	sld [smem:$0x3FAE]  }
0x2b: {  	s6 =	sld [smem:$0x3FAF]  }
0x2c: {  	s7 =	sld [smem:$0x3FB0]  }
0x2d: {  	s3 =	simm.s32 $0x108;
	s8 =	sld [smem:$0x3FB1]  }
0x2e: {  	s3 =	simm.s32 @!p0 $0x1082;
	s9 =	sld [smem:$0x3FB2]  }
0x2f: {  	lr =	sadd.s32 s0, s3;
	s0 =	sld [smem:$0x3FA9]  }
0x30: {  	s3 =	sld [smem:$0x3FAC]  }
0x31: {  	[smem:$0x3FB5] =	sst s10  }
0x32: {  	s10 =	sld [smem:$0x3FB3];
	_ =	sdelay $0x3  }
0x33: {  	p0 =	seq.s32 s10, $0x1;
	s10 =	sld [smem:$0x3FB5];
	_ =	sdelay $0x3  }
0x34: {  	[smem:$0x3FB5] =	sst s10  }
0x35: {  	s10 =	sld [smem:$0x3FB4];
	_ =	sdelay $0x3  }
0x36: {  	p1 =	seq.s32 s10, $0x1;
	s10 =	sld [smem:$0x3FB5];
	_ =	sdelay $0x3  }
0x37: {  	[smem:$0x3FB5] =	sst s10  }
0x38: {  	s10 =	sld [smem:$0x3FB6]  }
0x39: {  	_ = 	snop;
	(pc) =	sbr.ind lr, $3  }
0x3a: {  	_ = 	snop  }
0x3b: {  	_ = 	snop  }
0x3c: {  	p2 =	seq.s32 s10, $0x1;
	s10 =	sld [smem:$0x3FB5]  }
0x3d: {  	_ =	shalt  }
0x3e: {  	_ =	shalt  }
0x3f: {  	_ =	shalt  }
0x40: {  	_ =	shalt  }
0x41: {  	_ =	shalt  }
0x42: {  	_ =	shalt  }
0x43: {  	_ =	shalt  }
0x44: {  	_ =	shalt  }
0x45: {  	_ =	shalt  }
0x46: {  	_ =	shalt  }
0x47: {  	_ =	shalt  }
0x48: {  	_ =	shalt  }
0x49: {  	_ =	shalt  }
0x4a: {  	_ =	shalt  }
0x4b: {  	_ =	shalt  }
0x4c: {  	_ =	shalt  }
0x4d: {  	_ =	shalt  }
0x4e: {  	_ =	shalt  }
0x4f: {  	_ =	shalt  }
0x50: {  	_ =	shalt  }
0x51: {  	_ =	shalt  }
0x52: {  	_ =	shalt  }
0x53: {  	_ =	shalt  }
0x54: {  	_ =	shalt  }
0x55: {  	_ =	shalt  }
0x56: {  	_ =	shalt  }
0x57: {  	_ =	shalt  }
0x58: {  	_ =	shalt  }
0x59: {  	_ =	shalt  }
0x5a: {  	_ =	shalt  }
0x5b: {  	_ =	shalt  }
0x5c: {  	_ =	shalt  }
0x5d: {  	_ =	shalt  }
0x5e: {  	_ =	shalt  }
0x5f: {  	_ =	shalt  }
0x60: {  	_ =	shalt  }
0x61: {  	_ =	shalt  }
0x62: {  	_ =	shalt  }
0x63: {  	_ =	shalt  }
0x64: {  	_ =	shalt  }
0x65: {  	_ =	shalt  }
0x66: {  	_ =	shalt  }
0x67: {  	_ =	shalt  }
0x68: {  	_ =	shalt  }
0x69: {  	_ =	shalt  }
0x6a: {  	_ =	shalt  }
0x6b: {  	_ =	shalt  }
0x6c: {  	_ =	shalt  }
0x6d: {  	_ =	shalt  }
0x6e: {  	_ =	shalt  }
0x6f: {  	_ =	shalt  }
0x70: {  	_ =	shalt  }
0x71: {  	_ =	shalt  }
0x72: {  	_ =	shalt  }
0x73: {  	_ =	shalt  }
0x74: {  	_ =	shalt  }
0x75: {  	_ =	shalt  }
0x76: {  	_ =	shalt  }
0x77: {  	_ =	shalt  }
0x78: {  	_ =	shalt  }
0x79: {  	_ =	shalt  }
0x7a: {  	_ =	shalt  }
0x7b: {  	_ =	shalt  }
0x7c: {  	_ =	shalt  }
0x7d: {  	_ =	shalt  }
0x7e: {  	_ =	shalt  }
0x7f: {  	_ =	shalt  }
0x80: {  	_ =	shalt  }
0x81: {  	_ =	shalt  }
0x82: {  	_ =	shalt  }
0x83: {  	_ =	shalt  }
0x84: {  	_ =	shalt  }
0x85: {  	_ =	shalt  }
0x86: {  	_ =	shalt  }
0x87: {  	_ =	shalt  }
.Lfunc_end0:
.L_simem_size_0:
called_computation_lowered:
.L_overlay_start_0:
0x88: {  	s2 =	sld [smem:$0x3FD9]  }
0x89: {  	s3 =	sld [smem:$0x3FFE];
	_ =	sdelay $0x1  }
0x8a: {  	s1 =	srdreg.scid  }
0x8b: {  	s0 =	sand.u32 $0x1, s1  }
0x8c: {  	s17 =	sshll.u32 s0, $0xA;
	s2 =	sadd.s32 s3, s2  }
0x8d: {  	s2 =	sadd.s32 s2, s17  }
0x8e: {  	[smem:$0x3FC1] =	sst s2  }
0x8f: {  	_ = 	snop  }
0x90: {  	(tm) =	ssettm $0x1  }
0x91: {  	s18 =	sld [smem:$0x3FFB];
	_ =	sdelay $0x3  }
0x92: {  	_ =	strace s18  }
0x93: {  	s2 =	sld [smem:$0x3FFC];
	_ =	sdelay $0x3  }
0x94: {  	_ =	strace s2  }
0x95: {  	s2 =	sld [smem:$0x3FFD];
	_ =	sdelay $0x3  }
0x96: {  	_ =	strace s2  }
0x97: {  	_ =	strace $0x8FFFFFFF  }
0x98: {  	s19 =	sld [smem:$0x3FDB];
	_ =	sdelay $0x1  }
0x99: {  	s20 =	simm.s32 $_scs_section_size  }
0x9a: {  	s4 =	simm.s32 $_size__tile_overlayer_lowered;
	s5 =	simm.s32 $_tile_overlayer_lowered  }
0x9b: {  	s6 =	simm.s32 $0x1BFF;
	s21 =	sshll.u32 s5, $0x1;
	s3 =	sadd.s32 s20, s19  }
0x9c: {  	s22 =	simm.s32 $0x0;
	s4 =	sshll.u32 s4, $0x1;
	s5 =	sadd.s32 s21, s3  }
0x9d: {  	[timem:s22], [sflag:s6] =	dma.local [hbm:s5], s4  }
0x9e: {  	_ =	swait.ge [sflag:s6], s4  }
0x9f: {  	s4 =	ssub.s32 $0x0, s4;
	[sflag:s6] =	ssyncset.done $0x0  }
0xa0: {  	[sflag:s6] =	ssyncadd.s32 s4;
	_ =	sdelay $0x1  }
0xa1: {  	s23 =	simm.s32 $0x1B8B  }
0xa2: {  	_ =	swait.ge [sflag:s23], $0x1  }
0xa3: {  	[sflag:s23] =	ssyncset.done $0x0  }
0xa4: {  	[sflag:s23] =	ssyncadd.s32 $0xFFFFFFFF  }
0xa5: {  	s4 =	sld [smem:$0x0]  }
0xa6: {  	s5 =	sand.u32 $0xFFFFFFFE, s1  }
0xa7: {  	p0 =	sne.s32 s1, s5  }
0xa8: {  	s5 =	sshll.u32 @p0 s5, $0xE  }
0xa9: {  	s5 =	sadd.s32 @p0 $0x11B8D, s5;
	s6 =	sshll.u32 @p0 s4, $0x11  }
0xaa: {  	s5 =	sor.u32 @p0 s6, s5  }
0xab: {  	[sflag:s5] =	ssyncadd.remote.s32 @p0 $0x1;
	_ =	sdelay $0x1  }
0xac: {  	s5 =	simm.s32 @p0 $0x1B8D  }
0xad: {  	_ =	swait.eq @p0 [sflag:s5], $0x1  }
0xae: {  	[sflag:s5] =	ssyncadd.s32 @p0 $0xFFFFFFFF  }
0xaf: {  	s6 =	sshll.u32 @!p0 s1, $0xE  }
0xb0: {  	s6 =	sor.u32 @!p0 $0x4000, s6;
	s5 =	simm.s32 @!p0 $0x1B8D  }
0xb1: {  	s4 =	sshll.u32 @!p0 s4, $0x11;
	s6 =	sadd.s32 @!p0 $0x11B8D, s6;
	_ =	swait.eq @!p0 [sflag:s5], $0x1  }
0xb2: {  	s4 =	sor.u32 @!p0 s4, s6;
	[sflag:s5] =	ssyncadd.s32 @!p0 $0xFFFFFFFF  }
0xb3: {  	s25 =	simm.s32 $0x1B8E;
	s24 =	sld [smem:$0x3FFE];
	[sflag:s4] =	ssyncadd.remote.s32 @!p0 $0x1  }
0xb4: {  	s26 =	simm.s32 $execute0_lowered;
	[smem:$0x3FD2] =	sst s25  }
0xb5: {  	s5 =	sshll.u32 s26, $0x1;
	_ =	strace $0x80000049;
	[dreg:$0x1] =	wrdreg $0xFFFFFFFF  }
0xb6: {  	s28 =	simm.s32 $_size_execute0_lowered;
	s3 =	sadd.s32 s3, s5;
	[dreg:$0x0] =	wrdreg $0x0  }
0xb7: {  	s5 =	sshll.u32 s28, $0x1;
	[dreg:$0x2] =	wrdreg s3  }
0xb8: {  	[dreg:$0x3] =	wrdreg s5  }
0xb9: {  	[dreg:$0x4] =	wrdreg $0xC0  }
0xba: {  	_ =	task [dreg:s22], $0x5FFFF  }
0xbb: {  	[dreg:$0x1] =	wrdreg $0xFFFFFFFF  }
0xbc: {  	[dreg:$0x0] =	wrdreg $0x60  }
0xbd: {  	[dreg:$0x2] =	wrdreg s24  }
0xbe: {  	[dreg:$0x3] =	wrdreg $0x0  }
0xbf: {  	[dreg:$0x4] =	wrdreg $0x9  }
0xc0: {  	_ =	task.clear_ibuf [dreg:s22], $0x5FFFF;
	_ =	strace $0x90000049  }
0xc1: {  	s29 =	simm.s32 $0x9;
	_ =	strace $0x8000004B  }
0xc2: {  	_ =	swait.ge [sflag:s29], $0x1  }
0xc3: {  	[sflag:s29] =	ssyncadd.s32 $0xFFFFFFFF  }
0xc4: {  	_ =	strace $0x9000004B  }
0xc5: {  	_ =	sfence  }
0xc6: {  	s30 =	sld [smem:$0x0];
	_ =	sdelay $0x2  }
0xc7: {  	s31 =	sshll.u32 s1, $0xD;
	s1 =	sshrl.u32 s1, $0x2  }
0xc8: {  	s4 =	sand.u32 $0x4000, s31;
	s1 =	sadd.s32 s1, s30  }
0xc9: {  	s0 =	sor.u32 s4, s0;
	s1 =	sshll.u32 s1, $0x11  }
0xca: {  	s0 =	sor.u32 s1, s0  }
0xcb: {  	s0 =	sadd.s32 $0x8F2B, s0  }
0xcc: {  	[sflag:s0] =	ssyncadd.remote.s32 $0x1  }
0xcd: {  	_ =	sfence.sel $0xFFFF  }
0xce: {  	[dreg:$0x0] =	wrdreg $0xFFFFFFFF;
	(pc) =	sbr.abs _section_cstart, $3  }
0xcf: {  	[dreg:$0x1] =	wrdreg $0xFFFFFFFF  }
0xd0: {  	_ =	task.clear_ibuf [dreg:s22], $0x2FFFF;
	_ =	strace $0x9FFFFFFF  }
0xd1: {  	(tm) =	ssettm $0x7FFFFFFF  }
tec
execute0_lowered:
.L_overlay_start_1:
0x0: {  	(tag) =	ssettag $0x1  }
0x1: {  	s0 =	rddreg [dreg:$0x0]  }
0x2: {  	s8 =	stileid.u32;
	s3 =	srdreg.scid  }
0x3: {  	s2 =	rddreg [dreg:$0x1];
	s1 =	smul.u32 $0x500, s8  }
0x4: {  	s6 =	simm.s32 $0x0;
	s31 =	simm.s32 $0x80;
	s4 =	smul.u32 $0x270, s8  }
0x5: {  	s3 =	sand.u32 $0x1, s3;
	[smem:$0x7FF] =	sst s6;
	s21 =	smul.u32 $0x4E000, s8  }
0x6: {  	s11 =	sadd.s32 $0x138000, s2;
	p0 =	sne.s32 s8, $0xF;
	p1 =	seq.s32 s8, $0xF  }
0x7: {  	s6 =	simm.s32 $0x0;
	s5 =	smul.u32 $0x2710, s3;
	_ =	strace $0x8000004A  }
0x8: {  	s7 =	ssub.s32 $0x2, s3;
	s12 =	sor.u32 $0x8, s3;
	s13 =	sor.u32 $0xA, s3  }
0x9: {  	s14 =	sor.u32 $0xC, s3;
	s15 =	sor.u32 $0xE, s3;
	s16 =	sor.u32 $0x10, s3  }
0xa: {  	s17 =	sor.u32 $0x12, s3;
	s18 =	sor.u32 $0x14, s3;
	s19 =	sor.u32 $0x16, s3  }
0xb: {  	s20 =	sor.u32 $0x18, s3;
	s28 =	sor.u32 $0x22, s3;
	s29 =	sor.u32 $0x24, s3  }
0xc: {  	s30 =	sor.u32 $0x26, s3;
	s1 =	sadd.s32 s1, s0;
	s22 =	sshrl.u32 s21, $0x2  }
0xd: {  	s23 =	sshrl.u32 s7, $0x1;
	s21 =	sor.u32 $0x1A, s3;
	s4 =	sadd.s32 s4, s5  }
0xe: {  	s5 =	sadd.s32 s22, s2;
	s1 =	sadd.s32 $0x55000, s1;
	s22 =	sor.u32 $0x1C, s3  }
0xf: {  	s4 =	sshll.u32 s4, $0x4;
	[dreg:$0x3] =	wrdreg s1;
	s24 =	sadd.s32 $0x4000, s5  }
0x10: {  	s25 =	sadd.s32 $0x8000, s5;
	s26 =	sadd.s32 $0xC000, s5;
	[dreg:$0x4] =	wrdreg s24  }
0x11: {  	s10 =	sadd.s32 $0x10000, s5;
	s1 =	simm.s32 $0x2;
	[dreg:$0x5] =	wrdreg s25  }
0x12: {  	s0 =	sadd.s32 s4, s0;
	s4 =	ssub.s32 s7, s23;
	[dreg:$0x6] =	wrdreg s26  }
0x13: {  	s23 =	sor.u32 $0x1E, s3;
	s26 =	sor.u32 $0x20, s3;
	s24 =	sadd.s32 $0x5A000, s0  }
0x14: {  	v0 =	vimm.f32 $0.0e+00;
	v1 =	vimm.f32 $1.000000000e+00;
	s25 =	smax.u32 s4, $0x1;
	s4 =	simm.s32 $0x160C0;
	s0 =	simm.s32 $0x1  }
.LBB2_1:
0x15: {  	s7 =	simm.s32 $0x0;
	s8 =	rddreg [dreg:$0x3];
	s9 =	simm.s32 $0x138C0  }
0x16: {  	[tilespmem:s9], [sflag:$0x2] =	stream.linear.gather [hbm4b:s8+s7], $0x2800, $0x38;
	[tilespmem:$0x1A0C0] =	vst v63  }
0x17: {  	_ =	swait.ge [sflag:s1], $0x2800  }
0x18: {  	[sflag:s1] =	ssyncset.done $0x0  }
0x19: {  	s7 =	simm.s32 $0x0;
	s8 =	simm.s32 $0x200;
	[sflag:s1] =	ssyncadd.s32 $0xFFFFD800  }
.LBB2_2:
0x1a: {  	p2 =	sne.s32 s8, $0xFE00;
	[tilespmem:s7+$0x16130] =	vst v0  }
0x1b: {  	[tilespmem:s7+$0x160C0] =	vst v0  }
0x1c: {  	[tilespmem:s7+$0x160D0] =	vst v0  }
.Ltmp0:
0x1d: {  	[tilespmem:s7+$0x160E0] =	vst v0;
	(pc) =	sbr.rel @p2 .LBB2_2-.Ltmp0, $4  }
0x1e: {  	[tilespmem:s7+$0x160F0] =	vst v0  }
0x1f: {  	[tilespmem:s7+$0x16100] =	vst v0  }
0x20: {  	[tilespmem:s7+$0x16110] =	vst v0  }
0x21: {  	[tilespmem:s7+$0x16120] =	vst v0;
	s7 =	sshra.s32 s8, $0x2;
	s8 =	sadd.s32 $0x200, s8  }
0x22: {  	[tilespmem:s7+$0x16130] =	vst v0  }
0x23: {  	[tilespmem:s7+$0x160C0] =	vst v0  }
0x24: {  	[tilespmem:s7+$0x160D0] =	vst v0  }
0x25: {  	[tilespmem:s7+$0x160E0] =	vst v0  }
0x26: {  	[tilespmem:s7+$0x160F0] =	vst v0  }
0x27: {  	[tilespmem:s7+$0x16100] =	vst v0  }
0x28: {  	[tilespmem:s7+$0x16110] =	vst v0  }
0x29: {  	[tilespmem:s7+$0x16120] =	vst v0  }
0x2a: {  	[spmem:s5] =	stream.linear.scatter [tilespmem:s4], [sflag:$0x2], $0x4000, $0x38;
	[tilespmem:$0x1A0C0] =	vst v63  }
0x2b: {  	_ =	swait.ge [sflag:s1], $0x4000  }
0x2c: {  	[sflag:s1] =	ssyncset.done $0x0  }
0x2d: {  	s9 =	rddreg [dreg:$0x4];
	[sflag:s1] =	ssyncadd.s32 $0xFFFFC000  }
0x2e: {  	[spmem:s9] =	stream.linear.scatter [tilespmem:s4], [sflag:$0x2], $0x4000, $0x38;
	[tilespmem:$0x1A0C0] =	vst v63  }
0x2f: {  	_ =	swait.ge [sflag:s1], $0x4000  }
0x30: {  	[sflag:s1] =	ssyncset.done $0x0  }
0x31: {  	s8 =	rddreg [dreg:$0x5];
	[sflag:s1] =	ssyncadd.s32 $0xFFFFC000  }
0x32: {  	[spmem:s8] =	stream.linear.scatter [tilespmem:s4], [sflag:$0x2], $0x4000, $0x38;
	[tilespmem:$0x1A0C0] =	vst v63  }
0x33: {  	_ =	swait.ge [sflag:s1], $0x4000  }
0x34: {  	[sflag:s1] =	ssyncset.done $0x0  }
0x35: {  	s9 =	rddreg [dreg:$0x6];
	[sflag:s1] =	ssyncadd.s32 $0xFFFFC000  }
0x36: {  	[spmem:s9] =	stream.linear.scatter [tilespmem:s4], [sflag:$0x2], $0x4000, $0x38;
	[tilespmem:$0x1A0C0] =	vst v63  }
0x37: {  	_ =	swait.ge [sflag:s1], $0x4000  }
0x38: {  	[sflag:s1] =	ssyncset.done $0x0  }
0x39: {  	[sflag:s1] =	ssyncadd.s32 $0xFFFFC000  }
0x3a: {  	[spmem:s10] =	stream.linear.scatter [tilespmem:s4], [sflag:$0x2], $0x3800, $0x38;
	[tilespmem:$0x1A0C0] =	vst v63  }
0x3b: {  	_ =	swait.ge [sflag:s1], $0x3800  }
0x3c: {  	[sflag:s1] =	ssyncset.done $0x0  }
0x3d: {  	s7 =	simm.s32 @!p0 $0x160C0;
	[sflag:s1] =	ssyncadd.s32 $0xFFFFC800  }
0x3e: {  	[spmem:s11] =	stream.linear.scatter @!p0 [tilespmem:s7], [sflag:$0x2], $0xC00, $0x38;
	[tilespmem:$0x1A0C0] =	vst v63  }
0x3f: {  	s7 =	simm.s32 @!p0 $0x2  }
0x40: {  	_ =	swait.ge @!p0 [sflag:s7], $0xC00  }
0x41: {  	[sflag:s7] =	ssyncset.done @!p0 $0x0  }
0x42: {  	s8 =	simm.s32 $0x200;
	[sflag:s7] =	ssyncadd.s32 @!p0 $0xFFFFF400;
	s7 =	simm.s32 $0x0  }
.LBB2_4:
0x43: {  	p2 =	sne.s32 s8, $0xFE00;
	[tilespmem:s7+$0x16130] =	vst v1  }
0x44: {  	[tilespmem:s7+$0x160C0] =	vst v1  }
0x45: {  	[tilespmem:s7+$0x160D0] =	vst v1  }
.Ltmp1:
0x46: {  	[tilespmem:s7+$0x160E0] =	vst v1;
	(pc) =	sbr.rel @p2 .LBB2_4-.Ltmp1, $4  }
0x47: {  	[tilespmem:s7+$0x160F0] =	vst v1  }
0x48: {  	[tilespmem:s7+$0x16100] =	vst v1  }
0x49: {  	[tilespmem:s7+$0x16110] =	vst v1  }
0x4a: {  	[tilespmem:s7+$0x16120] =	vst v1;
	s7 =	sshra.s32 s8, $0x2;
	s8 =	sadd.s32 $0x200, s8  }
0x4b: {  	[tilespmem:s7+$0x16130] =	vst v1  }
0x4c: {  	[tilespmem:s7+$0x160C0] =	vst v1  }
0x4d: {  	[tilespmem:s7+$0x160D0] =	vst v1  }
0x4e: {  	[tilespmem:s7+$0x160E0] =	vst v1  }
0x4f: {  	[tilespmem:s7+$0x160F0] =	vst v1  }
0x50: {  	[tilespmem:s7+$0x16100] =	vst v1  }
0x51: {  	[tilespmem:s7+$0x16110] =	vst v1  }
0x52: {  	[tilespmem:s7+$0x16120] =	vst v1  }
0x53: {  	s7 =	simm.s32 $0x0;
	p2 =	por $0x1, $0x1;
	[bflag:$0x0] =	sbarrier.arrive $0xFFFF  }
.LBB2_6:
0x54: {  	s8 =	sor.u32 s3, s7  }
0x55: {  	s8 =	sshll.u32 s8, $0x7  }
0x56: {  	s8 =	sand.u32 $0x3FFFFF80, s8  }
0x57: {  	s9 =	sadd.s32 $0x138C0, s8  }
0x58: {  	[spmem:s2] =	stream.indirect.scatter.add.f32 [tilespmem:s4], [sflag:$0x1], $0x80, s9, s31, $0xb8;
	[tilespmem:$0x1A0C0] =	vst v63  }
0x59: {  	s9 =	sadd.s32 $0x139C0, s8  }
0x5a: {  	[spmem:s2] =	stream.indirect.scatter.add.f32 [tilespmem:s4], [sflag:$0x1], $0x80, s9, s31, $0xb8;
	[tilespmem:$0x1A0C0] =	vst v63  }
0x5b: {  	s9 =	sadd.s32 $0x13AC0, s8  }
0x5c: {  	[spmem:s2] =	stream.indirect.scatter.add.f32 [tilespmem:s4], [sflag:$0x1], $0x80, s9, s31, $0xb8;
	[tilespmem:$0x1A0C0] =	vst v63  }
0x5d: {  	s8 =	sadd.s32 $0x13BC0, s8;
	s9 =	sadd.s32 s12, s7  }
0x5e: {  	[spmem:s2] =	stream.indirect.scatter.add.f32 [tilespmem:s4], [sflag:$0x1], $0x80, s8, s31, $0xb8;
	[tilespmem:$0x1A0C0] =	vst v63  }
0x5f: {  	s8 =	sshll.u32 s9, $0x7  }
0x60: {  	s8 =	sand.u32 $0x3FFFFF80, s8  }
0x61: {  	s9 =	sadd.s32 s13, s7;
	s8 =	sadd.s32 $0x138C0, s8  }
0x62: {  	[spmem:s2] =	stream.indirect.scatter.add.f32 [tilespmem:s4], [sflag:$0x1], $0x80, s8, s31, $0xb8;
	[tilespmem:$0x1A0C0] =	vst v63  }
0x63: {  	s8 =	sshll.u32 s9, $0x7  }
0x64: {  	s8 =	sand.u32 $0x3FFFFF80, s8  }
0x65: {  	s9 =	sadd.s32 s14, s7;
	s8 =	sadd.s32 $0x138C0, s8  }
0x66: {  	[spmem:s2] =	stream.indirect.scatter.add.f32 [tilespmem:s4], [sflag:$0x1], $0x80, s8, s31, $0xb8;
	[tilespmem:$0x1A0C0] =	vst v63  }
0x67: {  	s8 =	sshll.u32 s9, $0x7  }
0x68: {  	s8 =	sand.u32 $0x3FFFFF80, s8  }
0x69: {  	s9 =	sadd.s32 s15, s7;
	s8 =	sadd.s32 $0x138C0, s8  }
0x6a: {  	[spmem:s2] =	stream.indirect.scatter.add.f32 [tilespmem:s4], [sflag:$0x1], $0x80, s8, s31, $0xb8;
	[tilespmem:$0x1A0C0] =	vst v63  }
0x6b: {  	s8 =	sshll.u32 s9, $0x7  }
0x6c: {  	s8 =	sand.u32 $0x3FFFFF80, s8  }
0x6d: {  	s9 =	sor.u32 s16, s7;
	s8 =	sadd.s32 $0x138C0, s8  }
0x6e: {  	[spmem:s2] =	stream.indirect.scatter.add.f32 [tilespmem:s4], [sflag:$0x1], $0x80, s8, s31, $0xb8;
	[tilespmem:$0x1A0C0] =	vst v63  }
0x6f: {  	s8 =	sshll.u32 s9, $0x7  }
0x70: {  	s8 =	sand.u32 $0x3FFFFF80, s8  }
0x71: {  	s9 =	sor.u32 s17, s7;
	s8 =	sadd.s32 $0x138C0, s8  }
0x72: {  	[spmem:s2] =	stream.indirect.scatter.add.f32 [tilespmem:s4], [sflag:$0x1], $0x80, s8, s31, $0xb8;
	[tilespmem:$0x1A0C0] =	vst v63  }
0x73: {  	s8 =	sshll.u32 s9, $0x7  }
0x74: {  	s8 =	sand.u32 $0x3FFFFF80, s8  }
0x75: {  	s9 =	sor.u32 s18, s7;
	s8 =	sadd.s32 $0x138C0, s8  }
0x76: {  	[spmem:s2] =	stream.indirect.scatter.add.f32 [tilespmem:s4], [sflag:$0x1], $0x80, s8, s31, $0xb8;
	[tilespmem:$0x1A0C0] =	vst v63  }
0x77: {  	s8 =	sshll.u32 s9, $0x7  }
0x78: {  	s8 =	sand.u32 $0x3FFFFF80, s8  }
0x79: {  	s9 =	sor.u32 s19, s7;
	s8 =	sadd.s32 $0x138C0, s8  }
0x7a: {  	[spmem:s2] =	stream.indirect.scatter.add.f32 [tilespmem:s4], [sflag:$0x1], $0x80, s8, s31, $0xb8;
	[tilespmem:$0x1A0C0] =	vst v63  }
0x7b: {  	s8 =	sshll.u32 s9, $0x7  }
0x7c: {  	s8 =	sand.u32 $0x3FFFFF80, s8  }
0x7d: {  	s9 =	sadd.s32 s20, s7;
	s8 =	sadd.s32 $0x138C0, s8  }
0x7e: {  	[spmem:s2] =	stream.indirect.scatter.add.f32 [tilespmem:s4], [sflag:$0x1], $0x80, s8, s31, $0xb8;
	[tilespmem:$0x1A0C0] =	vst v63  }
0x7f: {  	s8 =	sshll.u32 s9, $0x7  }
0x80: {  	s8 =	sand.u32 $0x3FFFFF80, s8  }
0x81: {  	s9 =	sadd.s32 s21, s7;
	s8 =	sadd.s32 $0x138C0, s8  }
0x82: {  	[spmem:s2] =	stream.indirect.scatter.add.f32 [tilespmem:s4], [sflag:$0x1], $0x80, s8, s31, $0xb8;
	[tilespmem:$0x1A0C0] =	vst v63  }
0x83: {  	s8 =	sshll.u32 s9, $0x7  }
0x84: {  	s8 =	sand.u32 $0x3FFFFF80, s8  }
0x85: {  	s9 =	sadd.s32 s22, s7;
	s8 =	sadd.s32 $0x138C0, s8  }
0x86: {  	[spmem:s2] =	stream.indirect.scatter.add.f32 [tilespmem:s4], [sflag:$0x1], $0x80, s8, s31, $0xb8;
	[tilespmem:$0x1A0C0] =	vst v63  }
0x87: {  	s8 =	sshll.u32 s9, $0x7  }
0x88: {  	s8 =	sand.u32 $0x3FFFFF80, s8  }
0x89: {  	s9 =	sadd.s32 s23, s7;
	s8 =	sadd.s32 $0x138C0, s8  }
0x8a: {  	[spmem:s2] =	stream.indirect.scatter.add.f32 [tilespmem:s4], [sflag:$0x1], $0x80, s8, s31, $0xb8;
	[tilespmem:$0x1A0C0] =	vst v63  }
0x8b: {  	s8 =	sshll.u32 s9, $0x7  }
0x8c: {  	s8 =	sand.u32 $0x3FFFFF80, s8  }
0x8d: {  	s9 =	sadd.s32 s26, s7;
	s8 =	sadd.s32 $0x138C0, s8  }
0x8e: {  	[spmem:s2] =	stream.indirect.scatter.add.f32 [tilespmem:s4], [sflag:$0x1], $0x80, s8, s31, $0xb8;
	[tilespmem:$0x1A0C0] =	vst v63  }
0x8f: {  	s8 =	sshll.u32 s9, $0x7  }
0x90: {  	s8 =	sand.u32 $0x3FFFFF80, s8  }
0x91: {  	s9 =	sadd.s32 s28, s7;
	s8 =	sadd.s32 $0x138C0, s8  }
0x92: {  	[spmem:s2] =	stream.indirect.scatter.add.f32 [tilespmem:s4], [sflag:$0x1], $0x80, s8, s31, $0xb8;
	[tilespmem:$0x1A0C0] =	vst v63  }
0x93: {  	s8 =	sshll.u32 s9, $0x7  }
0x94: {  	s8 =	sand.u32 $0x3FFFFF80, s8  }
0x95: {  	s9 =	sadd.s32 s29, s7;
	s8 =	sadd.s32 $0x138C0, s8  }
0x96: {  	[spmem:s2] =	stream.indirect.scatter.add.f32 [tilespmem:s4], [sflag:$0x1], $0x80, s8, s31, $0xb8;
	[tilespmem:$0x1A0C0] =	vst v63  }
0x97: {  	s8 =	sshll.u32 s9, $0x7;
	s9 =	sadd.s32 s30, s7  }
0x98: {  	s8 =	sand.u32 $0x3FFFFF80, s8;
	s7 =	sshll.u32 s9, $0x7  }
0x99: {  	s8 =	sadd.s32 $0x138C0, s8;
	s7 =	sand.u32 $0x3FFFFF80, s7  }
0x9a: {  	[spmem:s2] =	stream.indirect.scatter.add.f32 [tilespmem:s4], [sflag:$0x1], $0x80, s8, s31, $0xb8;
	[tilespmem:$0x1A0C0] =	vst v63  }
0x9b: {  	s7 =	sadd.s32 $0x138C0, s7  }
0x9c: {  	[spmem:s2] =	stream.indirect.scatter.add.f32 [tilespmem:s4], [sflag:$0x1], $0x80, s7, s31, $0xb8;
	[tilespmem:$0x1A0C0] =	vst v63  }
0x9d: {  	_ =	swait.ge [sflag:s0], $0x4000  }
0x9e: {  	[sflag:s0] =	ssyncset.done $0x0  }
0x9f: {  	[sflag:s0] =	ssyncadd.s32 $0xFFFFC000  }
0xa0: {  	_ =	swait.ge [sflag:s0], $0x4000  }
0xa1: {  	[sflag:s0] =	ssyncset.done $0x0  }
0xa2: {  	[sflag:s0] =	ssyncadd.s32 $0xFFFFC000  }
0xa3: {  	_ =	swait.ge [sflag:s0], $0x4000  }
0xa4: {  	[sflag:s0] =	ssyncset.done $0x0  }
0xa5: {  	[sflag:s0] =	ssyncadd.s32 $0xFFFFC000  }
0xa6: {  	_ =	swait.ge [sflag:s0], $0x4000  }
0xa7: {  	[sflag:s0] =	ssyncset.done $0x0  }
0xa8: {  	[sflag:s0] =	ssyncadd.s32 $0xFFFFC000  }
0xa9: {  	_ =	swait.ge [sflag:s0], $0x4000  }
0xaa: {  	[sflag:s0] =	ssyncset.done $0x0  }
0xab: {  	[sflag:s0] =	ssyncadd.s32 $0xFFFFC000  }
0xac: {  	_ =	swait.ge [sflag:s0], $0x4000  }
0xad: {  	[sflag:s0] =	ssyncset.done $0x0  }
0xae: {  	[sflag:s0] =	ssyncadd.s32 $0xFFFFC000  }
0xaf: {  	_ =	swait.ge [sflag:s0], $0x4000  }
0xb0: {  	[sflag:s0] =	ssyncset.done $0x0  }
0xb1: {  	[sflag:s0] =	ssyncadd.s32 $0xFFFFC000  }
0xb2: {  	_ =	swait.ge [sflag:s0], $0x4000  }
0xb3: {  	[sflag:s0] =	ssyncset.done $0x0  }
0xb4: {  	[sflag:s0] =	ssyncadd.s32 $0xFFFFC000  }
0xb5: {  	_ =	swait.ge [sflag:s0], $0x4000  }
0xb6: {  	[sflag:s0] =	ssyncset.done $0x0  }
0xb7: {  	[sflag:s0] =	ssyncadd.s32 $0xFFFFC000  }
0xb8: {  	_ =	swait.ge [sflag:s0], $0x4000  }
0xb9: {  	[sflag:s0] =	ssyncset.done $0x0  }
0xba: {  	[sflag:s0] =	ssyncadd.s32 $0xFFFFC000  }
0xbb: {  	_ =	swait.ge [sflag:s0], $0x4000  }
0xbc: {  	[sflag:s0] =	ssyncset.done $0x0  }
0xbd: {  	[sflag:s0] =	ssyncadd.s32 $0xFFFFC000  }
0xbe: {  	_ =	swait.ge [sflag:s0], $0x4000  }
0xbf: {  	[sflag:s0] =	ssyncset.done $0x0  }
0xc0: {  	[sflag:s0] =	ssyncadd.s32 $0xFFFFC000  }
0xc1: {  	_ =	swait.ge [sflag:s0], $0x4000  }
0xc2: {  	[sflag:s0] =	ssyncset.done $0x0  }
0xc3: {  	[sflag:s0] =	ssyncadd.s32 $0xFFFFC000  }
0xc4: {  	_ =	swait.ge [sflag:s0], $0x4000  }
0xc5: {  	[sflag:s0] =	ssyncset.done $0x0  }
0xc6: {  	[sflag:s0] =	ssyncadd.s32 $0xFFFFC000  }
0xc7: {  	_ =	swait.ge [sflag:s0], $0x4000  }
0xc8: {  	[sflag:s0] =	ssyncset.done $0x0  }
0xc9: {  	[sflag:s0] =	ssyncadd.s32 $0xFFFFC000  }
0xca: {  	_ =	swait.ge [sflag:s0], $0x4000  }
0xcb: {  	[sflag:s0] =	ssyncset.done $0x0  }
0xcc: {  	[sflag:s0] =	ssyncadd.s32 $0xFFFFC000  }
0xcd: {  	_ =	swait.ge [sflag:s0], $0x4000  }
0xce: {  	[sflag:s0] =	ssyncset.done $0x0  }
0xcf: {  	[sflag:s0] =	ssyncadd.s32 $0xFFFFC000  }
0xd0: {  	_ =	swait.ge [sflag:s0], $0x4000  }
0xd1: {  	[sflag:s0] =	ssyncset.done $0x0  }
0xd2: {  	[sflag:s0] =	ssyncadd.s32 $0xFFFFC000  }
0xd3: {  	p3 =	por p2, p2;
	_ =	swait.ge [sflag:s0], $0x4000  }
.Ltmp2:
0xd4: {  	[sflag:s0] =	ssyncset.done $0x0;
	(pc) =	sbr.rel @p3 .LBB2_6-.Ltmp2, $4  }
0xd5: {  	[sflag:s0] =	ssyncadd.s32 $0xFFFFC000  }
0xd6: {  	_ =	swait.ge [sflag:s0], $0x4000  }
0xd7: {  	[sflag:s0] =	ssyncset.done $0x0  }
0xd8: {  	p2 =	por $0x0, $0x0;
	s7 =	simm.s32 $0x28;
	[sflag:s0] =	ssyncadd.s32 $0xFFFFC000  }
0xd9: {  	[bflag:$0x0] =	sbarrier.arrive $0xFFFF;
	s7 =	sshrl.u32 @p1 s5, $0x3;
	s8 =	simm.s32 @p1 $0x1FC2  }
0xda: {  	[hbm:s24], [sflag:s8] =	dma.local @p1 [spmem:s7], $0x2800  }
0xdb: {  	s7 =	simm.s32 @p1 $0x2  }
0xdc: {  	s6 =	sadd.s32 $0x1, s6;
	s8 =	stileid.u32;
	_ =	swait.ge @p1 [sflag:s7], $0x2800  }
0xdd: {  	p2 =	sne.s32 s6, s25;
	s8 =	sshll.u32 @!p1 s8, $0x6;
	[sflag:s7] =	ssyncset.done @p1 $0x0  }
0xde: {  	[sflag:s7] =	ssyncadd.s32 @p1 $0xFFFFD800;
	s7 =	sor.u32 @!p1 $0x1C02, s8;
	s8 =	sshrl.u32 @!p1 s5, $0x3  }
0xdf: {  	[hbm:s24], [sflag:s7] =	dma.local @!p1 [spmem:s8], $0x2700  }
.Ltmp3:
0xe0: {  	_ = 	snop;
	(pc) =	sbr.rel @p2 .LBB2_1-.Ltmp3, $4  }
0xe1: {  	s7 =	simm.s32 @!p1 $0x2  }
0xe2: {  	_ =	swait.ge @!p1 [sflag:s7], $0x2700  }
0xe3: {  	[sflag:s7] =	ssyncset.done @!p1 $0x0  }
0xe4: {  	[sflag:s7] =	ssyncadd.s32 @!p1 $0xFFFFD900  }
0xe5: {  	_ =	sfence.sel $0x180000  }
0xe6: {  	[bflag:$0x0] =	sbarrier.arrive $0xFFFF  }
0xe7: {  	_ =	strace $0x9000004A  }
0xe8: {  	s0 =	stileid.u32;
	[bflag:$0x2] =	sbarrier.arrive $0xFFFF  }
0xe9: {  	p0 =	sne.s32 s0, $0x0;
	s0 =	rddreg [dreg:$0x2]  }
0xea: {  	s0 =	sadd.s32 @!p0 $0x100000, s0  }
0xeb: {  	[sflag:s0] =	ssyncadd.tile.s32 @!p0 $0x1;
	_ =	shalt  }
.Lfunc_end2:
_tile_overlayer_lowered:
.L_overlay_start_2:
0xec: {  	(tag) =	ssettag $0x2  }
0xed: {  	s0 =	rddreg [dreg:$0x0];
	s2 =	stileid.u32  }
0xee: {  	s1 =	rddreg [dreg:$0x1];
	p0 =	sne.s32 s2, $0x0  }
0xef: {  	s3 =	rddreg [dreg:$0x2];
	[bflag:$0x3] =	sbarrier.arrive $0xFFFF;
	s2 =	simm.s32 @!p0 $0x1C02  }
0xf0: {  	[timem:s3], [sflag:s2] =	dma.local @!p0 [hbm:s0], s1  }
0xf1: {  	s0 =	simm.s32 @!p0 $0x2  }
0xf2: {  	_ =	swait.ge @!p0 [sflag:s0], s1  }
0xf3: {  	s1 =	ssub.s32 @!p0 $0x0, s1;
	[sflag:s0] =	ssyncset.done @!p0 $0x0  }
0xf4: {  	[sflag:s0] =	ssyncadd.s32 @!p0 s1  }
0xf5: {  	[bflag:$0x3] =	sbarrier.arrive $0xFFFF  }
0xf6: {  	_ =	shalt  }

// kernel: kernel.9.cloned.1.call-start
scs
__scs_entry_jumppad:
0x0: {  	(pc) =	sbr.rel $0x88, $3  }
0x1: {  	(tag) =	ssettag $0x0;
	lr =	simm.s32 $0x1  }
0x2: {  	[smem:$0x3F9A] =	sst lr;
	_ =	strace $0xD0000000  }
0x3: {  	_ = 	snop  }
0x4: {  	_ = 	snop  }
0x5: {  	_ = 	snop  }
0x6: {  	_ = 	snop  }
0x7: {  	_ = 	snop  }
__scs_overlays_trampoline_lowered:
0x8: {  	[smem:$0x3FA9] =	sst s0  }
0x9: {  	[smem:$0x3FAA] =	sst s1  }
0xa: {  	[smem:$0x3FAB] =	sst s2  }
0xb: {  	[smem:$0x3FAC] =	sst s3  }
0xc: {  	[smem:$0x3FAD] =	sst s4  }
0xd: {  	[smem:$0x3FAE] =	sst s5  }
0xe: {  	[smem:$0x3FAF] =	sst s6  }
0xf: {  	[smem:$0x3FB0] =	sst s7  }
0x10: {  	[smem:$0x3FB1] =	sst s8  }
0x11: {  	[smem:$0x3FB2] =	sst s9;
	s0 =	simm.s32 @!p0 $0x0  }
0x12: {  	s1 =	sld [smem:$0x3F98];
	s0 =	simm.s32 @p0 $0x1  }
0x13: {  	[smem:$0x3FB3] =	sst s0;
	s0 =	simm.s32 @!p1 $0x0  }
0x14: {  	s2 =	sld [smem:$0x3F97];
	s0 =	simm.s32 @p1 $0x1  }
0x15: {  	[smem:$0x3FB4] =	sst s0;
	s0 =	simm.s32 @!p2 $0x0  }
0x16: {  	s3 =	sld [smem:$0x3FDB];
	s0 =	simm.s32 @p2 $0x1  }
0x17: {  	s4 =	simm.s32 $0x1BF5;
	[smem:$0x3FB6] =	sst s0  }
0x18: {  	s0 =	sld [smem:$0x3F99];
	_ =	swait.ge [sflag:s4], $0x0  }
0x19: {  	s7 =	sld [smem:$0x3F9A]  }
0x1a: {  	s8 =	sadd.s32 $0xFFFFE003, lr  }
0x1b: {  	s9 =	sadd.s32 $0xFFFFFEF7, lr;
	s5 =	simm.s32 $0xFFFFFFFF;
	p2 =	slt.u32 s8, $0xFFFFF086  }
0x1c: {  	p1 =	slt.u32 s9, $0xF7A;
	s5 =	simm.s32 @!p2 $0x0  }
0x1d: {  	s5 =	simm.s32 @p1 $0x1;
	p0 =	seq.s32 s7, s2  }
0x1e: {  	s7 =	smul.u32 @!p0 $0xF7A, s2;
	p2 =	seq.s32 @!p0 s5, $0x0  }
0x1f: {  	s9 =	smul.u32 $0xF7A, s1;
	s8 =	simm.s32 @!p0 $0x1BF5;
	p2 =	por !p2, p0  }
0x20: {  	[sflag:s8] =	ssyncset.s32 @!p0 $0xFFFFF086;
	s6 =	sadd.s32 @!p0 s3, s7;
	s7 =	simm.s32 @!p0 $0x108  }
0x21: {  	s3 =	sadd.s32 s3, s9;
	s6 =	sadd.s32 @!p0 $0x88, s6;
	s7 =	simm.s32 @p2 $0x1082  }
0x22: {  	[simem:s7], [sflag:s8] =	dma.local @!p0 [hbm:s6], $0xF7A  }
0x23: {  	s9 =	sor.u32 $0xD0000000, s2;
	s6 =	simm.s32 $0x108;
	_ =	swait.ge @!p0 [sflag:s8], $0x0  }
0x24: {  	s3 =	sadd.s32 $0x88, s3;
	s6 =	simm.s32 @!p1 $0x1082;
	[sflag:s4] =	ssyncset.s32 $0xFFFFF086  }
0x25: {  	[simem:s6], [sflag:s4] =	dma.local [hbm:s3], $0xF7A  }
0x26: {  	[smem:$0x3F9A] =	sst s1;
	(tag) =	ssettag s2;
	_ =	strace s9  }
0x27: {  	s1 =	sld [smem:$0x3FAA]  }
0x28: {  	s2 =	sld [smem:$0x3FAB]  }
0x29: {  	s4 =	sld [smem:$0x3FAD]  }
0x2a: {  	p0 =	seq.s32 s5, $0x0;
	s5 =	sld [smem:$0x3FAE]  }
0x2b: {  	s6 =	sld [smem:$0x3FAF]  }
0x2c: {  	s7 =	sld [smem:$0x3FB0]  }
0x2d: {  	s3 =	simm.s32 $0x108;
	s8 =	sld [smem:$0x3FB1]  }
0x2e: {  	s3 =	simm.s32 @!p0 $0x1082;
	s9 =	sld [smem:$0x3FB2]  }
0x2f: {  	lr =	sadd.s32 s0, s3;
	s0 =	sld [smem:$0x3FA9]  }
0x30: {  	s3 =	sld [smem:$0x3FAC]  }
0x31: {  	[smem:$0x3FB5] =	sst s10  }
0x32: {  	s10 =	sld [smem:$0x3FB3];
	_ =	sdelay $0x3  }
0x33: {  	p0 =	seq.s32 s10, $0x1;
	s10 =	sld [smem:$0x3FB5];
	_ =	sdelay $0x3  }
0x34: {  	[smem:$0x3FB5] =	sst s10  }
0x35: {  	s10 =	sld [smem:$0x3FB4];
	_ =	sdelay $0x3  }
0x36: {  	p1 =	seq.s32 s10, $0x1;
	s10 =	sld [smem:$0x3FB5];
	_ =	sdelay $0x3  }
0x37: {  	[smem:$0x3FB5] =	sst s10  }
0x38: {  	s10 =	sld [smem:$0x3FB6]  }
0x39: {  	_ = 	snop;
	(pc) =	sbr.ind lr, $3  }
0x3a: {  	_ = 	snop  }
0x3b: {  	_ = 	snop  }
0x3c: {  	p2 =	seq.s32 s10, $0x1;
	s10 =	sld [smem:$0x3FB5]  }
0x3d: {  	_ =	shalt  }
0x3e: {  	_ =	shalt  }
0x3f: {  	_ =	shalt  }
0x40: {  	_ =	shalt  }
0x41: {  	_ =	shalt  }
0x42: {  	_ =	shalt  }
0x43: {  	_ =	shalt  }
0x44: {  	_ =	shalt  }
0x45: {  	_ =	shalt  }
0x46: {  	_ =	shalt  }
0x47: {  	_ =	shalt  }
0x48: {  	_ =	shalt  }
0x49: {  	_ =	shalt  }
0x4a: {  	_ =	shalt  }
0x4b: {  	_ =	shalt  }
0x4c: {  	_ =	shalt  }
0x4d: {  	_ =	shalt  }
0x4e: {  	_ =	shalt  }
0x4f: {  	_ =	shalt  }
0x50: {  	_ =	shalt  }
0x51: {  	_ =	shalt  }
0x52: {  	_ =	shalt  }
0x53: {  	_ =	shalt  }
0x54: {  	_ =	shalt  }
0x55: {  	_ =	shalt  }
0x56: {  	_ =	shalt  }
0x57: {  	_ =	shalt  }
0x58: {  	_ =	shalt  }
0x59: {  	_ =	shalt  }
0x5a: {  	_ =	shalt  }
0x5b: {  	_ =	shalt  }
0x5c: {  	_ =	shalt  }
0x5d: {  	_ =	shalt  }
0x5e: {  	_ =	shalt  }
0x5f: {  	_ =	shalt  }
0x60: {  	_ =	shalt  }
0x61: {  	_ =	shalt  }
0x62: {  	_ =	shalt  }
0x63: {  	_ =	shalt  }
0x64: {  	_ =	shalt  }
0x65: {  	_ =	shalt  }
0x66: {  	_ =	shalt  }
0x67: {  	_ =	shalt  }
0x68: {  	_ =	shalt  }
0x69: {  	_ =	shalt  }
0x6a: {  	_ =	shalt  }
0x6b: {  	_ =	shalt  }
0x6c: {  	_ =	shalt  }
0x6d: {  	_ =	shalt  }
0x6e: {  	_ =	shalt  }
0x6f: {  	_ =	shalt  }
0x70: {  	_ =	shalt  }
0x71: {  	_ =	shalt  }
0x72: {  	_ =	shalt  }
0x73: {  	_ =	shalt  }
0x74: {  	_ =	shalt  }
0x75: {  	_ =	shalt  }
0x76: {  	_ =	shalt  }
0x77: {  	_ =	shalt  }
0x78: {  	_ =	shalt  }
0x79: {  	_ =	shalt  }
0x7a: {  	_ =	shalt  }
0x7b: {  	_ =	shalt  }
0x7c: {  	_ =	shalt  }
0x7d: {  	_ =	shalt  }
0x7e: {  	_ =	shalt  }
0x7f: {  	_ =	shalt  }
0x80: {  	_ =	shalt  }
0x81: {  	_ =	shalt  }
0x82: {  	_ =	shalt  }
0x83: {  	_ =	shalt  }
0x84: {  	_ =	shalt  }
0x85: {  	_ =	shalt  }
0x86: {  	_ =	shalt  }
0x87: {  	_ =	shalt  }
.Lfunc_end0:
.L_simem_size_0:
called_computation.1_lowered:
.L_overlay_start_0:
0x88: {  	s2 =	sld [smem:$0x3FD9]  }
0x89: {  	s3 =	sld [smem:$0x3FFE];
	_ =	sdelay $0x1  }
0x8a: {  	s1 =	srdreg.scid  }
0x8b: {  	s0 =	sand.u32 $0x1, s1  }
0x8c: {  	s17 =	sshll.u32 s0, $0xA;
	s2 =	sadd.s32 s3, s2  }
0x8d: {  	s2 =	sadd.s32 s2, s17  }
0x8e: {  	[smem:$0x3FC1] =	sst s2  }
0x8f: {  	_ = 	snop  }
0x90: {  	s2 =	sld [smem:$0x3FD0];
	(tm) =	ssettm $0x1  }
0x91: {  	s18 =	sld [smem:$0x3FFB];
	_ =	sdelay $0x3  }
0x92: {  	_ =	strace s18  }
0x93: {  	s3 =	sld [smem:$0x3FFC];
	_ =	sdelay $0x3  }
0x94: {  	_ =	strace s3  }
0x95: {  	s3 =	sld [smem:$0x3FFD];
	_ =	sdelay $0x3  }
0x96: {  	_ =	strace s3  }
0x97: {  	_ =	strace $0x8FFFFFFF  }
0x98: {  	s19 =	sld [smem:$0x3FDB];
	_ =	sdelay $0x1  }
0x99: {  	s4 =	simm.s32 $_scs_section_size  }
0x9a: {  	s5 =	simm.s32 $_size__tile_overlayer_lowered;
	s6 =	simm.s32 $_tile_overlayer_lowered  }
0x9b: {  	s22 =	simm.s32 $0x1BFF;
	s21 =	sshll.u32 s6, $0x1;
	s3 =	sadd.s32 s4, s19  }
0x9c: {  	s7 =	simm.s32 $0x0;
	s20 =	sshll.u32 s5, $0x1;
	s5 =	sadd.s32 s21, s3  }
0x9d: {  	[timem:s7], [sflag:s22] =	dma.local [hbm:s5], s20  }
0x9e: {  	_ =	swait.ge [sflag:s22], s20  }
0x9f: {  	s4 =	ssub.s32 $0x0, s20;
	[sflag:s22] =	ssyncset.done $0x0  }
0xa0: {  	[sflag:s22] =	ssyncadd.s32 s4;
	_ =	sdelay $0x1  }
0xa1: {  	s23 =	simm.s32 $0x1B8B  }
0xa2: {  	_ =	swait.ge [sflag:s23], $0x1  }
0xa3: {  	[sflag:s23] =	ssyncset.done $0x0  }
0xa4: {  	s25 =	simm.s32 $0x1B8E;
	s24 =	sld [smem:$0x3FFE];
	[sflag:s23] =	ssyncadd.s32 $0xFFFFFFFF  }
0xa5: {  	s26 =	simm.s32 $execute0_lowered;
	[smem:$0x3FD2] =	sst s25  }
0xa6: {  	s5 =	sshll.u32 s26, $0x1;
	_ =	strace $0x80000046;
	[dreg:$0x1] =	wrdreg $0xFFFFFFFF  }
0xa7: {  	s28 =	simm.s32 $_size_execute0_lowered;
	s3 =	sadd.s32 s3, s5;
	[dreg:$0x0] =	wrdreg $0x0  }
0xa8: {  	s5 =	sshll.u32 s28, $0x1;
	[dreg:$0x2] =	wrdreg s3  }
0xa9: {  	[dreg:$0x3] =	wrdreg s5  }
0xaa: {  	[dreg:$0x4] =	wrdreg $0xC0  }
0xab: {  	_ =	task [dreg:s7], $0x5FFFF  }
0xac: {  	[dreg:$0x1] =	wrdreg $0xFFFFFFFF  }
0xad: {  	[dreg:$0x0] =	wrdreg $0x60  }
0xae: {  	[dreg:$0x2] =	wrdreg s24  }
0xaf: {  	[dreg:$0x3] =	wrdreg s2  }
0xb0: {  	[dreg:$0x4] =	wrdreg $0x0  }
0xb1: {  	[dreg:$0x5] =	wrdreg $0xA  }
0xb2: {  	_ =	task.clear_ibuf [dreg:s7], $0x6FFFF;
	_ =	strace $0x90000046  }
0xb3: {  	s29 =	simm.s32 $0xA;
	_ =	strace $0x80000048  }
0xb4: {  	_ =	swait.ge [sflag:s29], $0x1  }
0xb5: {  	[sflag:s29] =	ssyncadd.s32 $0xFFFFFFFF  }
0xb6: {  	_ =	strace $0x90000048  }
0xb7: {  	_ =	sfence  }
0xb8: {  	s30 =	sld [smem:$0x0];
	_ =	sdelay $0x2  }
0xb9: {  	s31 =	sshll.u32 s1, $0xD;
	s1 =	sshrl.u32 s1, $0x2  }
0xba: {  	s3 =	sand.u32 $0x4000, s31;
	s1 =	sadd.s32 s1, s30  }
0xbb: {  	s0 =	sor.u32 s3, s0;
	s1 =	sshll.u32 s1, $0x11  }
0xbc: {  	s0 =	sor.u32 s1, s0  }
0xbd: {  	s0 =	sadd.s32 $0x8F2B, s0  }
0xbe: {  	[sflag:s0] =	ssyncadd.remote.s32 $0x1  }
0xbf: {  	_ =	sfence.sel $0xFFFF  }
0xc0: {  	[dreg:$0x0] =	wrdreg $0xFFFFFFFF;
	(pc) =	sbr.abs _section_cstart, $3  }
0xc1: {  	[dreg:$0x1] =	wrdreg $0xFFFFFFFF  }
0xc2: {  	_ =	task.clear_ibuf [dreg:s7], $0x2FFFF;
	_ =	strace $0x9FFFFFFF  }
0xc3: {  	(tm) =	ssettm $0x7FFFFFFF  }
tec
execute0_lowered:
.L_overlay_start_1:
0x0: {  	(tag) =	ssettag $0x1  }
0x1: {  	s0 =	rddreg [dreg:$0x0]  }
0x2: {  	s16 =	rddreg [dreg:$0x1]  }
0x3: {  	s1 =	rddreg [dreg:$0x2];
	s2 =	simm.s32 $0x0  }
0x4: {  	s6 =	srdreg.scid;
	s20 =	simm.s32 $0x138C0;
	s21 =	simm.s32 $0x14CC0  }
0x5: {  	s22 =	simm.s32 $0x80;
	s23 =	simm.s32 $0x1A0C0;
	s28 =	simm.s32 $0x15FC0  }
0x6: {  	s29 =	simm.s32 $0x16040;
	[smem:$0x7FF] =	sst s2;
	s2 =	stileid.u32  }
0x7: {  	s30 =	simm.s32 $0x0;
	s4 =	sadd.s32 $0x28E00, s0;
	s7 =	smul.u32 $0x4E000, s2  }
0x8: {  	s5 =	sadd.s32 $0x1C00, s0;
	s14 =	sadd.s32 $0x50000, s0;
	s13 =	smul.u32 $0x270, s2  }
0x9: {  	s0 =	sadd.s32 $0x55000, s0;
	s12 =	sand.u32 $0x1, s6;
	s15 =	smul.u32 $0x500, s2  }
0xa: {  	s11 =	sadd.s32 $0x138000, s1;
	_ =	strace $0x80000047;
	s18 =	smul.u32 $0x2800, s2  }
0xb: {  	s8 =	ssub.s32 $0x2, s12;
	s19 =	smul.u32 $0x2710, s12;
	p0 =	seq.s32 s12, $0x1  }
0xc: {  	p1 =	sne.s32 s2, $0xF;
	p2 =	seq.s32 s2, $0xF;
	s25 =	sshrl.u32 s8, $0x1  }
0xd: {  	s24 =	sshrl.u32 s7, $0x2;
	s17 =	ssub.s32 s8, s25;
	s12 =	sadd.s32 s14, s15  }
0xe: {  	s18 =	sshrl.u32 s18, $0x3;
	s19 =	sadd.s32 s13, s19;
	s13 =	sadd.s32 s0, s15  }
0xf: {  	s25 =	simm.s32 $0x2;
	s6 =	sadd.s32 s24, s1;
	s26 =	sadd.s32 $0x280, s18  }
.Ltmp0:
0x10: {  	s31 =	sshll.u32 s19, $0x4;
	s17 =	smax.u32 s17, $0x1;
	(pc) =	sbr.rel .LBB2_1-.Ltmp0, $4  }
0x11: {  	s18 =	simm.s32 $0x160C0;
	s19 =	simm.s32 $0x3;
	s24 =	simm.s32 $0x1  }
0x12: {  	s3 =	sadd.s32 $0x4000, s6;
	s8 =	sadd.s32 $0x8000, s6;
	s9 =	sadd.s32 $0xC000, s6  }
0x13: {  	s10 =	sadd.s32 $0x10000, s6;
	s14 =	sadd.s32 s14, s26;
	s15 =	sadd.s32 s0, s26  }
0x14: {  	v0 =	vimm.f32 $0.0e+00;
	s16 =	sadd.s32 s16, s31;
	s26 =	simm.s32 $0x14C40;
	[dreg:$0x4] =	wrdreg s3  }
.LBB2_8:
0x15: {  	s0 =	sadd.s32 $0x13940, s31;
	[sflag:s19] =	ssyncadd.s32 $0xFFFFC000  }
0x16: {  	[tilespmem:s23], [sflag:$0x2] =	stream.indirect.gather [hbm4b:s4+s22], $0x80, s0, s22, $0xb8;
	[tilespmem:$0x1E0C0] =	vst v63  }
0x17: {  	_ =	swait.ge [sflag:s24], $0x4000  }
0x18: {  	[sflag:s24] =	ssyncset.done $0x0  }
0x19: {  	s3 =	sadd.s32 $0x14CC0, s31;
	[sflag:s24] =	ssyncadd.s32 $0xFFFFC000  }
0x1a: {  	[spmem:s1] =	stream.indirect.scatter.add.f32 [tilespmem:s18], [sflag:$0x3], $0x80, s3, s22, $0xb8;
	[tilespmem:$0x1E0C0] =	vst v63  }
0x1b: {  	_ =	swait.ge [sflag:s19], $0x4000  }
0x1c: {  	[sflag:s19] =	ssyncset.done $0x0  }
0x1d: {  	s7 =	sadd.s32 $0x139C0, s31;
	[sflag:s19] =	ssyncadd.s32 $0xFFFFC000  }
0x1e: {  	[tilespmem:s18], [sflag:$0x1] =	stream.indirect.gather [hbm4b:s4+s22], $0x80, s7, s22, $0xb8;
	[tilespmem:$0x1E0C0] =	vst v63  }
0x1f: {  	_ =	swait.ge [sflag:s25], $0x4000  }
0x20: {  	[sflag:s25] =	ssyncset.done $0x0  }
0x21: {  	s31 =	sadd.s32 $0x14D40, s31;
	[sflag:s25] =	ssyncadd.s32 $0xFFFFC000  }
0x22: {  	[spmem:s1] =	stream.indirect.scatter.add.f32 [tilespmem:s23], [sflag:$0x3], $0x80, s31, s22, $0xb8;
	[tilespmem:$0x1E0C0] =	vst v63  }
0x23: {  	_ =	swait.ge [sflag:s19], $0x4000  }
0x24: {  	[sflag:s19] =	ssyncset.done $0x0  }
0x25: {  	[sflag:s19] =	ssyncadd.s32 $0xFFFFC000  }
0x26: {  	[tilespmem:s23], [sflag:$0x2] =	stream.indirect.gather [hbm4b:s4+s22], $0x80, s26, s22, $0xb8;
	[tilespmem:$0x1E0C0] =	vst v63  }
.LBB2_14:
0x27: {  	_ =	swait.ge [sflag:s24], $0x4000  }
0x28: {  	[sflag:s24] =	ssyncset.done $0x0  }
0x29: {  	[sflag:s24] =	ssyncadd.s32 $0xFFFFC000  }
0x2a: {  	[spmem:s1] =	stream.indirect.scatter.add.f32 [tilespmem:s18], [sflag:$0x3], $0x80, s28, s22, $0xb8;
	[tilespmem:$0x1E0C0] =	vst v63  }
0x2b: {  	_ =	swait.ge [sflag:s19], $0x4000  }
0x2c: {  	[sflag:s19] =	ssyncset.done $0x0  }
0x2d: {  	[sflag:s19] =	ssyncadd.s32 $0xFFFFC000  }
0x2e: {  	_ =	swait.ge [sflag:s25], $0x4000  }
0x2f: {  	[sflag:s25] =	ssyncset.done $0x0  }
0x30: {  	[sflag:s25] =	ssyncadd.s32 $0xFFFFC000  }
0x31: {  	[spmem:s1] =	stream.indirect.scatter.add.f32 [tilespmem:s23], [sflag:$0x3], $0x80, s29, s22, $0xb8;
	[tilespmem:$0x1E0C0] =	vst v63  }
0x32: {  	_ =	swait.ge [sflag:s19], $0x4000  }
0x33: {  	[sflag:s19] =	ssyncset.done $0x0  }
0x34: {  	[sflag:s19] =	ssyncadd.s32 $0xFFFFC000  }
0x35: {  	s0 =	sshrl.u32 @p2 s6, $0x3;
	s2 =	simm.s32 @p2 $0x1FC3;
	[bflag:$0x0] =	sbarrier.arrive $0xFFFF  }
0x36: {  	[hbm:s16], [sflag:s2] =	dma.local @p2 [spmem:s0], $0x2800  }
0x37: {  	s0 =	simm.s32 @p2 $0x3  }
0x38: {  	s30 =	sadd.s32 $0x1, s30;
	s2 =	stileid.u32;
	_ =	swait.ge @p2 [sflag:s0], $0x2800  }
0x39: {  	p3 =	sne.s32 s30, s17;
	s2 =	sshll.u32 @!p2 s2, $0x6;
	[sflag:s0] =	ssyncset.done @p2 $0x0  }
0x3a: {  	[sflag:s0] =	ssyncadd.s32 @p2 $0xFFFFD800;
	s0 =	sor.u32 @!p2 $0x1C03, s2;
	s2 =	sshrl.u32 @!p2 s6, $0x3  }
0x3b: {  	[hbm:s16], [sflag:s0] =	dma.local @!p2 [spmem:s2], $0x2700  }
.Ltmp1:
0x3c: {  	_ = 	snop;
	(pc) =	sbr.rel @!p3 .LBB2_15-.Ltmp1, $4  }
0x3d: {  	s0 =	simm.s32 @!p2 $0x3  }
0x3e: {  	_ =	swait.ge @!p2 [sflag:s0], $0x2700  }
0x3f: {  	[sflag:s0] =	ssyncset.done @!p2 $0x0  }
0x40: {  	[sflag:s0] =	ssyncadd.s32 @!p2 $0xFFFFD900  }
.LBB2_1:
0x41: {  	s31 =	simm.s32 $0x0;
	s0 =	simm.s32 $0x200  }
.LBB2_2:
0x42: {  	p3 =	sne.s32 s0, $0xFE00;
	[tilespmem:s31+$0x16130] =	vst v0  }
0x43: {  	[tilespmem:s31+$0x160C0] =	vst v0  }
0x44: {  	[tilespmem:s31+$0x160D0] =	vst v0  }
.Ltmp2:
0x45: {  	[tilespmem:s31+$0x160E0] =	vst v0;
	(pc) =	sbr.rel @p3 .LBB2_2-.Ltmp2, $4  }
0x46: {  	[tilespmem:s31+$0x160F0] =	vst v0  }
0x47: {  	[tilespmem:s31+$0x16100] =	vst v0  }
0x48: {  	[tilespmem:s31+$0x16110] =	vst v0  }
0x49: {  	[tilespmem:s31+$0x16120] =	vst v0;
	s31 =	sshra.s32 s0, $0x2;
	s0 =	sadd.s32 $0x200, s0  }
0x4a: {  	[tilespmem:s31+$0x16130] =	vst v0  }
0x4b: {  	[tilespmem:s31+$0x160C0] =	vst v0  }
0x4c: {  	[tilespmem:s31+$0x160D0] =	vst v0  }
0x4d: {  	[tilespmem:s31+$0x160E0] =	vst v0  }
0x4e: {  	[tilespmem:s31+$0x160F0] =	vst v0  }
0x4f: {  	[tilespmem:s31+$0x16100] =	vst v0  }
0x50: {  	[tilespmem:s31+$0x16110] =	vst v0  }
0x51: {  	[tilespmem:s31+$0x16120] =	vst v0  }
0x52: {  	[spmem:s6] =	stream.linear.scatter [tilespmem:s18], [sflag:$0x3], $0x4000, $0x38;
	[tilespmem:$0x1E0C0] =	vst v63  }
0x53: {  	_ =	swait.ge [sflag:s19], $0x4000  }
0x54: {  	[sflag:s19] =	ssyncset.done $0x0  }
0x55: {  	s0 =	rddreg [dreg:$0x4];
	[sflag:s19] =	ssyncadd.s32 $0xFFFFC000  }
0x56: {  	[spmem:s0] =	stream.linear.scatter [tilespmem:s18], [sflag:$0x3], $0x4000, $0x38;
	[tilespmem:$0x1E0C0] =	vst v63  }
0x57: {  	_ =	swait.ge [sflag:s19], $0x4000  }
0x58: {  	[sflag:s19] =	ssyncset.done $0x0  }
0x59: {  	[sflag:s19] =	ssyncadd.s32 $0xFFFFC000  }
0x5a: {  	[spmem:s8] =	stream.linear.scatter [tilespmem:s18], [sflag:$0x3], $0x4000, $0x38;
	[tilespmem:$0x1E0C0] =	vst v63  }
0x5b: {  	_ =	swait.ge [sflag:s19], $0x4000  }
0x5c: {  	[sflag:s19] =	ssyncset.done $0x0  }
0x5d: {  	[sflag:s19] =	ssyncadd.s32 $0xFFFFC000  }
0x5e: {  	[spmem:s9] =	stream.linear.scatter [tilespmem:s18], [sflag:$0x3], $0x4000, $0x38;
	[tilespmem:$0x1E0C0] =	vst v63  }
0x5f: {  	_ =	swait.ge [sflag:s19], $0x4000  }
0x60: {  	[sflag:s19] =	ssyncset.done $0x0  }
0x61: {  	[sflag:s19] =	ssyncadd.s32 $0xFFFFC000  }
0x62: {  	[spmem:s10] =	stream.linear.scatter [tilespmem:s18], [sflag:$0x3], $0x3800, $0x38;
	[tilespmem:$0x1E0C0] =	vst v63  }
0x63: {  	_ =	swait.ge [sflag:s19], $0x3800  }
0x64: {  	[sflag:s19] =	ssyncset.done $0x0  }
0x65: {  	s0 =	simm.s32 @!p1 $0x160C0;
	[sflag:s19] =	ssyncadd.s32 $0xFFFFC800  }
0x66: {  	[spmem:s11] =	stream.linear.scatter @!p1 [tilespmem:s0], [sflag:$0x3], $0xC00, $0x38;
	[tilespmem:$0x1E0C0] =	vst v63  }
0x67: {  	s0 =	simm.s32 @!p1 $0x3  }
0x68: {  	_ =	swait.ge @!p1 [sflag:s0], $0xC00  }
0x69: {  	[sflag:s0] =	ssyncset.done @!p1 $0x0  }
0x6a: {  	[sflag:s0] =	ssyncadd.s32 @!p1 $0xFFFFF400  }
0x6b: {  	s31 =	simm.s32 $0x0;
	[bflag:$0x0] =	sbarrier.arrive $0xFFFF  }
0x6c: {  	[tilespmem:s20], [sflag:$0x3] =	stream.linear.gather [hbm4b:s12+s31], $0x1400, $0x38;
	[tilespmem:$0x1E0C0] =	vst v63  }
0x6d: {  	_ =	swait.ge [sflag:s19], $0x1400  }
0x6e: {  	[sflag:s19] =	ssyncset.done $0x0  }
.Ltmp3:
0x6f: {  	[sflag:s19] =	ssyncadd.s32 $0xFFFFEC00;
	(pc) =	sbr.rel @!p0 .LBB2_4-.Ltmp3, $4  }
0x70: {  	[tilespmem:s21], [sflag:$0x3] =	stream.linear.gather [hbm4b:s13+s31], $0x1400, $0x38;
	[tilespmem:$0x1E0C0] =	vst v63  }
0x71: {  	_ =	swait.ge [sflag:s19], $0x1400  }
0x72: {  	[sflag:s19] =	ssyncset.done $0x0  }
0x73: {  	[sflag:s19] =	ssyncadd.s32 $0xFFFFEC00  }
0x74: {  	[tilespmem:s18], [sflag:$0x1] =	stream.indirect.gather [hbm4b:s5+s22], $0x80, s20, s22, $0xb8;
	[tilespmem:$0x1E0C0] =	vst v63  }
0x75: {  	s0 =	simm.s32 $0x13940  }
0x76: {  	[tilespmem:s23], [sflag:$0x2] =	stream.indirect.gather [hbm4b:s5+s22], $0x80, s0, s22, $0xb8;
	[tilespmem:$0x1E0C0] =	vst v63  }
0x77: {  	_ =	swait.ge [sflag:s24], $0x4000  }
0x78: {  	[sflag:s24] =	ssyncset.done $0x0  }
0x79: {  	s2 =	simm.s32 $0x14CC0;
	[sflag:s24] =	ssyncadd.s32 $0xFFFFC000  }
0x7a: {  	[spmem:s1] =	stream.indirect.scatter.add.f32 [tilespmem:s18], [sflag:$0x3], $0x80, s2, s22, $0xb8;
	[tilespmem:$0x1E0C0] =	vst v63  }
0x7b: {  	_ =	swait.ge [sflag:s19], $0x4000  }
0x7c: {  	[sflag:s19] =	ssyncset.done $0x0  }
0x7d: {  	s3 =	simm.s32 $0x139C0;
	[sflag:s19] =	ssyncadd.s32 $0xFFFFC000  }
0x7e: {  	[tilespmem:s18], [sflag:$0x1] =	stream.indirect.gather [hbm4b:s5+s22], $0x80, s3, s22, $0xb8;
	[tilespmem:$0x1E0C0] =	vst v63  }
0x7f: {  	_ =	swait.ge [sflag:s25], $0x4000  }
0x80: {  	[sflag:s25] =	ssyncset.done $0x0  }
0x81: {  	s7 =	simm.s32 $0x14D40;
	[sflag:s25] =	ssyncadd.s32 $0xFFFFC000  }
0x82: {  	[spmem:s1] =	stream.indirect.scatter.add.f32 [tilespmem:s23], [sflag:$0x3], $0x80, s7, s22, $0xb8;
	[tilespmem:$0x1E0C0] =	vst v63  }
0x83: {  	_ =	swait.ge [sflag:s19], $0x4000  }
0x84: {  	s31 =	simm.s32 $0x100;
	s0 =	simm.s32 $0x800;
	[sflag:s19] =	ssyncset.done $0x0  }
.LBB2_10:
0x85: {  	s2 =	sadd.s32 $0x13940, s31  }
0x86: {  	[sflag:s19] =	ssyncadd.s32 $0xFFFFC000;
	s3 =	smov.u32 s0;
	s7 =	sadd.s32 $0x400, s0  }
0x87: {  	[tilespmem:s23], [sflag:$0x2] =	stream.indirect.gather [hbm4b:s5+s22], $0x80, s2, s22, $0xb8;
	[tilespmem:$0x1E0C0] =	vst v63  }
0x88: {  	p3 =	sne.s32 s0, $0x4800;
	_ =	swait.ge [sflag:s24], $0x4000  }
0x89: {  	[sflag:s24] =	ssyncset.done $0x0  }
0x8a: {  	s0 =	sadd.s32 $0x14CC0, s31;
	[sflag:s24] =	ssyncadd.s32 $0xFFFFC000  }
0x8b: {  	[spmem:s1] =	stream.indirect.scatter.add.f32 [tilespmem:s18], [sflag:$0x3], $0x80, s0, s22, $0xb8;
	[tilespmem:$0x1E0C0] =	vst v63  }
0x8c: {  	_ =	swait.ge [sflag:s19], $0x4000  }
0x8d: {  	[sflag:s19] =	ssyncset.done $0x0  }
0x8e: {  	s0 =	sadd.s32 $0x139C0, s31;
	[sflag:s19] =	ssyncadd.s32 $0xFFFFC000  }
0x8f: {  	[tilespmem:s18], [sflag:$0x1] =	stream.indirect.gather [hbm4b:s5+s22], $0x80, s0, s22, $0xb8;
	[tilespmem:$0x1E0C0] =	vst v63  }
0x90: {  	_ =	swait.ge [sflag:s25], $0x4000  }
.Ltmp4:
0x91: {  	[sflag:s25] =	ssyncset.done $0x0;
	(pc) =	sbr.rel @p3 .LBB2_10-.Ltmp4, $4  }
0x92: {  	s0 =	sadd.s32 $0x14D40, s31;
	[sflag:s25] =	ssyncadd.s32 $0xFFFFC000  }
0x93: {  	[spmem:s1] =	stream.indirect.scatter.add.f32 [tilespmem:s23], [sflag:$0x3], $0x80, s0, s22, $0xb8;
	[tilespmem:$0x1E0C0] =	vst v63  }
0x94: {  	_ =	swait.ge [sflag:s19], $0x4000  }
0x95: {  	s31 =	sshra.s32 s3, $0x2;
	s0 =	smov.u32 s7;
	[sflag:s19] =	ssyncset.done $0x0  }
0x96: {  	s0 =	sadd.s32 $0x13940, s31;
	[sflag:s19] =	ssyncadd.s32 $0xFFFFC000  }
0x97: {  	[tilespmem:s23], [sflag:$0x2] =	stream.indirect.gather [hbm4b:s5+s22], $0x80, s0, s22, $0xb8;
	[tilespmem:$0x1E0C0] =	vst v63  }
0x98: {  	_ =	swait.ge [sflag:s24], $0x4000  }
0x99: {  	[sflag:s24] =	ssyncset.done $0x0  }
0x9a: {  	s3 =	sadd.s32 $0x14CC0, s31;
	[sflag:s24] =	ssyncadd.s32 $0xFFFFC000  }
0x9b: {  	[spmem:s1] =	stream.indirect.scatter.add.f32 [tilespmem:s18], [sflag:$0x3], $0x80, s3, s22, $0xb8;
	[tilespmem:$0x1E0C0] =	vst v63  }
0x9c: {  	_ =	swait.ge [sflag:s19], $0x4000  }
0x9d: {  	[sflag:s19] =	ssyncset.done $0x0  }
0x9e: {  	s7 =	sadd.s32 $0x139C0, s31;
	[sflag:s19] =	ssyncadd.s32 $0xFFFFC000  }
0x9f: {  	[tilespmem:s18], [sflag:$0x1] =	stream.indirect.gather [hbm4b:s5+s22], $0x80, s7, s22, $0xb8;
	[tilespmem:$0x1E0C0] =	vst v63  }
0xa0: {  	_ =	swait.ge [sflag:s25], $0x4000  }
0xa1: {  	[sflag:s25] =	ssyncset.done $0x0  }
0xa2: {  	s2 =	sadd.s32 $0x14D40, s31;
	[sflag:s25] =	ssyncadd.s32 $0xFFFFC000  }
0xa3: {  	[spmem:s1] =	stream.indirect.scatter.add.f32 [tilespmem:s23], [sflag:$0x3], $0x80, s2, s22, $0xb8;
	[tilespmem:$0x1E0C0] =	vst v63  }
0xa4: {  	_ =	swait.ge [sflag:s19], $0x4000  }
0xa5: {  	[sflag:s19] =	ssyncset.done $0x0  }
0xa6: {  	[sflag:s19] =	ssyncadd.s32 $0xFFFFC000  }
0xa7: {  	[tilespmem:s23], [sflag:$0x2] =	stream.indirect.gather [hbm4b:s5+s22], $0x80, s26, s22, $0xb8;
	[tilespmem:$0x1E0C0] =	vst v63  }
0xa8: {  	_ =	swait.ge [sflag:s24], $0x4000  }
0xa9: {  	[sflag:s24] =	ssyncset.done $0x0  }
0xaa: {  	[sflag:s24] =	ssyncadd.s32 $0xFFFFC000  }
0xab: {  	[spmem:s1] =	stream.indirect.scatter.add.f32 [tilespmem:s18], [sflag:$0x3], $0x80, s28, s22, $0xb8;
	[tilespmem:$0x1E0C0] =	vst v63  }
0xac: {  	_ =	swait.ge [sflag:s19], $0x4000  }
0xad: {  	[sflag:s19] =	ssyncset.done $0x0  }
0xae: {  	[sflag:s19] =	ssyncadd.s32 $0xFFFFC000  }
0xaf: {  	_ =	swait.ge [sflag:s25], $0x4000  }
0xb0: {  	[sflag:s25] =	ssyncset.done $0x0  }
0xb1: {  	[sflag:s25] =	ssyncadd.s32 $0xFFFFC000  }
0xb2: {  	[spmem:s1] =	stream.indirect.scatter.add.f32 [tilespmem:s23], [sflag:$0x3], $0x80, s29, s22, $0xb8;
	[tilespmem:$0x1E0C0] =	vst v63  }
0xb3: {  	_ =	swait.ge [sflag:s19], $0x4000  }
0xb4: {  	[sflag:s19] =	ssyncset.done $0x0  }
0xb5: {  	s3 =	simm.s32 $0x0;
	[sflag:s19] =	ssyncadd.s32 $0xFFFFC000  }
0xb6: {  	[tilespmem:s20], [sflag:$0x3] =	stream.linear.gather [hbm4b:s14+s3], $0x1400, $0x38;
	[tilespmem:$0x1E0C0] =	vst v63  }
0xb7: {  	_ =	swait.ge [sflag:s19], $0x1400  }
0xb8: {  	[sflag:s19] =	ssyncset.done $0x0  }
0xb9: {  	[sflag:s19] =	ssyncadd.s32 $0xFFFFEC00  }
0xba: {  	[tilespmem:s21], [sflag:$0x3] =	stream.linear.gather [hbm4b:s15+s3], $0x1400, $0x38;
	[tilespmem:$0x1E0C0] =	vst v63  }
0xbb: {  	_ =	swait.ge [sflag:s19], $0x1400  }
0xbc: {  	[sflag:s19] =	ssyncset.done $0x0  }
0xbd: {  	[sflag:s19] =	ssyncadd.s32 $0xFFFFEC00  }
0xbe: {  	[tilespmem:s18], [sflag:$0x1] =	stream.indirect.gather [hbm4b:s5+s22], $0x80, s20, s22, $0xb8;
	[tilespmem:$0x1E0C0] =	vst v63  }
0xbf: {  	s7 =	simm.s32 $0x13940  }
0xc0: {  	[tilespmem:s23], [sflag:$0x2] =	stream.indirect.gather [hbm4b:s5+s22], $0x80, s7, s22, $0xb8;
	[tilespmem:$0x1E0C0] =	vst v63  }
0xc1: {  	_ =	swait.ge [sflag:s24], $0x4000  }
0xc2: {  	[sflag:s24] =	ssyncset.done $0x0  }
0xc3: {  	s2 =	simm.s32 $0x14CC0;
	[sflag:s24] =	ssyncadd.s32 $0xFFFFC000  }
0xc4: {  	[spmem:s1] =	stream.indirect.scatter.add.f32 [tilespmem:s18], [sflag:$0x3], $0x80, s2, s22, $0xb8;
	[tilespmem:$0x1E0C0] =	vst v63  }
0xc5: {  	_ =	swait.ge [sflag:s19], $0x4000  }
0xc6: {  	[sflag:s19] =	ssyncset.done $0x0  }
0xc7: {  	s3 =	simm.s32 $0x139C0;
	[sflag:s19] =	ssyncadd.s32 $0xFFFFC000  }
0xc8: {  	[tilespmem:s18], [sflag:$0x1] =	stream.indirect.gather [hbm4b:s5+s22], $0x80, s3, s22, $0xb8;
	[tilespmem:$0x1E0C0] =	vst v63  }
0xc9: {  	_ =	swait.ge [sflag:s25], $0x4000  }
0xca: {  	[sflag:s25] =	ssyncset.done $0x0  }
0xcb: {  	s7 =	simm.s32 $0x14D40;
	[sflag:s25] =	ssyncadd.s32 $0xFFFFC000  }
0xcc: {  	[spmem:s1] =	stream.indirect.scatter.add.f32 [tilespmem:s23], [sflag:$0x3], $0x80, s7, s22, $0xb8;
	[tilespmem:$0x1E0C0] =	vst v63  }
0xcd: {  	_ =	swait.ge [sflag:s19], $0x4000  }
0xce: {  	s31 =	simm.s32 $0x100;
	s0 =	simm.s32 $0x800;
	[sflag:s19] =	ssyncset.done $0x0  }
.LBB2_12:
0xcf: {  	s2 =	sadd.s32 $0x13940, s31  }
0xd0: {  	[sflag:s19] =	ssyncadd.s32 $0xFFFFC000;
	s3 =	smov.u32 s0;
	s7 =	sadd.s32 $0x400, s0  }
0xd1: {  	[tilespmem:s23], [sflag:$0x2] =	stream.indirect.gather [hbm4b:s5+s22], $0x80, s2, s22, $0xb8;
	[tilespmem:$0x1E0C0] =	vst v63  }
0xd2: {  	p3 =	sne.s32 s0, $0x4800;
	_ =	swait.ge [sflag:s24], $0x4000  }
0xd3: {  	[sflag:s24] =	ssyncset.done $0x0  }
0xd4: {  	s0 =	sadd.s32 $0x14CC0, s31;
	[sflag:s24] =	ssyncadd.s32 $0xFFFFC000  }
0xd5: {  	[spmem:s1] =	stream.indirect.scatter.add.f32 [tilespmem:s18], [sflag:$0x3], $0x80, s0, s22, $0xb8;
	[tilespmem:$0x1E0C0] =	vst v63  }
0xd6: {  	_ =	swait.ge [sflag:s19], $0x4000  }
0xd7: {  	[sflag:s19] =	ssyncset.done $0x0  }
0xd8: {  	s0 =	sadd.s32 $0x139C0, s31;
	[sflag:s19] =	ssyncadd.s32 $0xFFFFC000  }
0xd9: {  	[tilespmem:s18], [sflag:$0x1] =	stream.indirect.gather [hbm4b:s5+s22], $0x80, s0, s22, $0xb8;
	[tilespmem:$0x1E0C0] =	vst v63  }
0xda: {  	_ =	swait.ge [sflag:s25], $0x4000  }
.Ltmp5:
0xdb: {  	[sflag:s25] =	ssyncset.done $0x0;
	(pc) =	sbr.rel @p3 .LBB2_12-.Ltmp5, $4  }
0xdc: {  	s0 =	sadd.s32 $0x14D40, s31;
	[sflag:s25] =	ssyncadd.s32 $0xFFFFC000  }
0xdd: {  	[spmem:s1] =	stream.indirect.scatter.add.f32 [tilespmem:s23], [sflag:$0x3], $0x80, s0, s22, $0xb8;
	[tilespmem:$0x1E0C0] =	vst v63  }
0xde: {  	_ =	swait.ge [sflag:s19], $0x4000  }
0xdf: {  	s31 =	sshra.s32 s3, $0x2;
	s0 =	smov.u32 s7;
	[sflag:s19] =	ssyncset.done $0x0  }
0xe0: {  	s0 =	sadd.s32 $0x13940, s31;
	[sflag:s19] =	ssyncadd.s32 $0xFFFFC000  }
0xe1: {  	[tilespmem:s23], [sflag:$0x2] =	stream.indirect.gather [hbm4b:s5+s22], $0x80, s0, s22, $0xb8;
	[tilespmem:$0x1E0C0] =	vst v63  }
0xe2: {  	_ =	swait.ge [sflag:s24], $0x4000  }
0xe3: {  	[sflag:s24] =	ssyncset.done $0x0  }
0xe4: {  	s3 =	sadd.s32 $0x14CC0, s31;
	[sflag:s24] =	ssyncadd.s32 $0xFFFFC000  }
0xe5: {  	[spmem:s1] =	stream.indirect.scatter.add.f32 [tilespmem:s18], [sflag:$0x3], $0x80, s3, s22, $0xb8;
	[tilespmem:$0x1E0C0] =	vst v63  }
0xe6: {  	_ =	swait.ge [sflag:s19], $0x4000  }
0xe7: {  	[sflag:s19] =	ssyncset.done $0x0  }
0xe8: {  	s7 =	sadd.s32 $0x139C0, s31;
	[sflag:s19] =	ssyncadd.s32 $0xFFFFC000  }
0xe9: {  	[tilespmem:s18], [sflag:$0x1] =	stream.indirect.gather [hbm4b:s5+s22], $0x80, s7, s22, $0xb8;
	[tilespmem:$0x1E0C0] =	vst v63  }
0xea: {  	_ =	swait.ge [sflag:s25], $0x4000  }
0xeb: {  	[sflag:s25] =	ssyncset.done $0x0  }
0xec: {  	s31 =	sadd.s32 $0x14D40, s31;
	[sflag:s25] =	ssyncadd.s32 $0xFFFFC000  }
0xed: {  	[spmem:s1] =	stream.indirect.scatter.add.f32 [tilespmem:s23], [sflag:$0x3], $0x80, s31, s22, $0xb8;
	[tilespmem:$0x1E0C0] =	vst v63  }
.Ltmp6:
0xee: {  	_ = 	snop;
	(pc) =	sbr.rel .LBB2_14-.Ltmp6, $4  }
0xef: {  	_ =	swait.ge [sflag:s19], $0x4000  }
0xf0: {  	[sflag:s19] =	ssyncset.done $0x0  }
0xf1: {  	[sflag:s19] =	ssyncadd.s32 $0xFFFFC000  }
0xf2: {  	[tilespmem:s23], [sflag:$0x2] =	stream.indirect.gather [hbm4b:s5+s22], $0x80, s26, s22, $0xb8;
	[tilespmem:$0x1E0C0] =	vst v63  }
.LBB2_4:
0xf3: {  	[tilespmem:s18], [sflag:$0x1] =	stream.indirect.gather [hbm4b:s4+s22], $0x80, s20, s22, $0xb8;
	[tilespmem:$0x1E0C0] =	vst v63  }
0xf4: {  	s0 =	simm.s32 $0x13940  }
0xf5: {  	[tilespmem:s23], [sflag:$0x2] =	stream.indirect.gather [hbm4b:s4+s22], $0x80, s0, s22, $0xb8;
	[tilespmem:$0x1E0C0] =	vst v63  }
0xf6: {  	_ =	swait.ge [sflag:s24], $0x4000  }
0xf7: {  	[sflag:s24] =	ssyncset.done $0x0  }
0xf8: {  	s2 =	simm.s32 $0x14CC0;
	[sflag:s24] =	ssyncadd.s32 $0xFFFFC000  }
0xf9: {  	[spmem:s1] =	stream.indirect.scatter.add.f32 [tilespmem:s18], [sflag:$0x3], $0x80, s2, s22, $0xb8;
	[tilespmem:$0x1E0C0] =	vst v63  }
0xfa: {  	_ =	swait.ge [sflag:s19], $0x4000  }
0xfb: {  	[sflag:s19] =	ssyncset.done $0x0  }
0xfc: {  	s3 =	simm.s32 $0x139C0;
	[sflag:s19] =	ssyncadd.s32 $0xFFFFC000  }
0xfd: {  	[tilespmem:s18], [sflag:$0x1] =	stream.indirect.gather [hbm4b:s4+s22], $0x80, s3, s22, $0xb8;
	[tilespmem:$0x1E0C0] =	vst v63  }
0xfe: {  	_ =	swait.ge [sflag:s25], $0x4000  }
0xff: {  	[sflag:s25] =	ssyncset.done $0x0  }
0x100: {  	s7 =	simm.s32 $0x14D40;
	[sflag:s25] =	ssyncadd.s32 $0xFFFFC000  }
0x101: {  	[spmem:s1] =	stream.indirect.scatter.add.f32 [tilespmem:s23], [sflag:$0x3], $0x80, s7, s22, $0xb8;
	[tilespmem:$0x1E0C0] =	vst v63  }
0x102: {  	_ =	swait.ge [sflag:s19], $0x4000  }
0x103: {  	s31 =	simm.s32 $0x100;
	s0 =	simm.s32 $0x800;
	[sflag:s19] =	ssyncset.done $0x0  }
.LBB2_5:
0x104: {  	s2 =	sadd.s32 $0x13940, s31  }
0x105: {  	[sflag:s19] =	ssyncadd.s32 $0xFFFFC000;
	s3 =	smov.u32 s0;
	s7 =	sadd.s32 $0x400, s0  }
0x106: {  	[tilespmem:s23], [sflag:$0x2] =	stream.indirect.gather [hbm4b:s4+s22], $0x80, s2, s22, $0xb8;
	[tilespmem:$0x1E0C0] =	vst v63  }
0x107: {  	p3 =	sne.s32 s0, $0x4800;
	_ =	swait.ge [sflag:s24], $0x4000  }
0x108: {  	[sflag:s24] =	ssyncset.done $0x0  }
0x109: {  	s0 =	sadd.s32 $0x14CC0, s31;
	[sflag:s24] =	ssyncadd.s32 $0xFFFFC000  }
0x10a: {  	[spmem:s1] =	stream.indirect.scatter.add.f32 [tilespmem:s18], [sflag:$0x3], $0x80, s0, s22, $0xb8;
	[tilespmem:$0x1E0C0] =	vst v63  }
0x10b: {  	_ =	swait.ge [sflag:s19], $0x4000  }
0x10c: {  	[sflag:s19] =	ssyncset.done $0x0  }
0x10d: {  	s0 =	sadd.s32 $0x139C0, s31;
	[sflag:s19] =	ssyncadd.s32 $0xFFFFC000  }
0x10e: {  	[tilespmem:s18], [sflag:$0x1] =	stream.indirect.gather [hbm4b:s4+s22], $0x80, s0, s22, $0xb8;
	[tilespmem:$0x1E0C0] =	vst v63  }
0x10f: {  	_ =	swait.ge [sflag:s25], $0x4000  }
.Ltmp7:
0x110: {  	[sflag:s25] =	ssyncset.done $0x0;
	(pc) =	sbr.rel @p3 .LBB2_5-.Ltmp7, $4  }
0x111: {  	s0 =	sadd.s32 $0x14D40, s31;
	[sflag:s25] =	ssyncadd.s32 $0xFFFFC000  }
0x112: {  	[spmem:s1] =	stream.indirect.scatter.add.f32 [tilespmem:s23], [sflag:$0x3], $0x80, s0, s22, $0xb8;
	[tilespmem:$0x1E0C0] =	vst v63  }
0x113: {  	_ =	swait.ge [sflag:s19], $0x4000  }
0x114: {  	s31 =	sshra.s32 s3, $0x2;
	s0 =	smov.u32 s7;
	[sflag:s19] =	ssyncset.done $0x0  }
0x115: {  	s0 =	sadd.s32 $0x13940, s31;
	[sflag:s19] =	ssyncadd.s32 $0xFFFFC000  }
0x116: {  	[tilespmem:s23], [sflag:$0x2] =	stream.indirect.gather [hbm4b:s4+s22], $0x80, s0, s22, $0xb8;
	[tilespmem:$0x1E0C0] =	vst v63  }
0x117: {  	_ =	swait.ge [sflag:s24], $0x4000  }
0x118: {  	[sflag:s24] =	ssyncset.done $0x0  }
0x119: {  	s3 =	sadd.s32 $0x14CC0, s31;
	[sflag:s24] =	ssyncadd.s32 $0xFFFFC000  }
0x11a: {  	[spmem:s1] =	stream.indirect.scatter.add.f32 [tilespmem:s18], [sflag:$0x3], $0x80, s3, s22, $0xb8;
	[tilespmem:$0x1E0C0] =	vst v63  }
0x11b: {  	_ =	swait.ge [sflag:s19], $0x4000  }
0x11c: {  	[sflag:s19] =	ssyncset.done $0x0  }
0x11d: {  	s7 =	sadd.s32 $0x139C0, s31;
	[sflag:s19] =	ssyncadd.s32 $0xFFFFC000  }
0x11e: {  	[tilespmem:s18], [sflag:$0x1] =	stream.indirect.gather [hbm4b:s4+s22], $0x80, s7, s22, $0xb8;
	[tilespmem:$0x1E0C0] =	vst v63  }
0x11f: {  	_ =	swait.ge [sflag:s25], $0x4000  }
0x120: {  	[sflag:s25] =	ssyncset.done $0x0  }
0x121: {  	s2 =	sadd.s32 $0x14D40, s31;
	[sflag:s25] =	ssyncadd.s32 $0xFFFFC000  }
0x122: {  	[spmem:s1] =	stream.indirect.scatter.add.f32 [tilespmem:s23], [sflag:$0x3], $0x80, s2, s22, $0xb8;
	[tilespmem:$0x1E0C0] =	vst v63  }
0x123: {  	_ =	swait.ge [sflag:s19], $0x4000  }
0x124: {  	[sflag:s19] =	ssyncset.done $0x0  }
0x125: {  	[sflag:s19] =	ssyncadd.s32 $0xFFFFC000  }
0x126: {  	[tilespmem:s23], [sflag:$0x2] =	stream.indirect.gather [hbm4b:s4+s22], $0x80, s26, s22, $0xb8;
	[tilespmem:$0x1E0C0] =	vst v63  }
0x127: {  	_ =	swait.ge [sflag:s24], $0x4000  }
0x128: {  	[sflag:s24] =	ssyncset.done $0x0  }
0x129: {  	[sflag:s24] =	ssyncadd.s32 $0xFFFFC000  }
0x12a: {  	[spmem:s1] =	stream.indirect.scatter.add.f32 [tilespmem:s18], [sflag:$0x3], $0x80, s28, s22, $0xb8;
	[tilespmem:$0x1E0C0] =	vst v63  }
0x12b: {  	_ =	swait.ge [sflag:s19], $0x4000  }
0x12c: {  	[sflag:s19] =	ssyncset.done $0x0  }
0x12d: {  	[sflag:s19] =	ssyncadd.s32 $0xFFFFC000  }
0x12e: {  	_ =	swait.ge [sflag:s25], $0x4000  }
0x12f: {  	[sflag:s25] =	ssyncset.done $0x0  }
0x130: {  	[sflag:s25] =	ssyncadd.s32 $0xFFFFC000  }
0x131: {  	[spmem:s1] =	stream.indirect.scatter.add.f32 [tilespmem:s23], [sflag:$0x3], $0x80, s29, s22, $0xb8;
	[tilespmem:$0x1E0C0] =	vst v63  }
0x132: {  	_ =	swait.ge [sflag:s19], $0x4000  }
0x133: {  	[sflag:s19] =	ssyncset.done $0x0  }
0x134: {  	s3 =	simm.s32 $0x0;
	[sflag:s19] =	ssyncadd.s32 $0xFFFFC000  }
0x135: {  	[tilespmem:s20], [sflag:$0x3] =	stream.linear.gather [hbm4b:s14+s3], $0x1400, $0x38;
	[tilespmem:$0x1E0C0] =	vst v63  }
0x136: {  	_ =	swait.ge [sflag:s19], $0x1400  }
0x137: {  	[sflag:s19] =	ssyncset.done $0x0  }
0x138: {  	[sflag:s19] =	ssyncadd.s32 $0xFFFFEC00  }
0x139: {  	[tilespmem:s21], [sflag:$0x3] =	stream.linear.gather [hbm4b:s15+s3], $0x1400, $0x38;
	[tilespmem:$0x1E0C0] =	vst v63  }
0x13a: {  	_ =	swait.ge [sflag:s19], $0x1400  }
0x13b: {  	[sflag:s19] =	ssyncset.done $0x0  }
0x13c: {  	[sflag:s19] =	ssyncadd.s32 $0xFFFFEC00  }
0x13d: {  	[tilespmem:s18], [sflag:$0x1] =	stream.indirect.gather [hbm4b:s4+s22], $0x80, s20, s22, $0xb8;
	[tilespmem:$0x1E0C0] =	vst v63  }
0x13e: {  	s7 =	simm.s32 $0x13940  }
0x13f: {  	[tilespmem:s23], [sflag:$0x2] =	stream.indirect.gather [hbm4b:s4+s22], $0x80, s7, s22, $0xb8;
	[tilespmem:$0x1E0C0] =	vst v63  }
0x140: {  	_ =	swait.ge [sflag:s24], $0x4000  }
0x141: {  	[sflag:s24] =	ssyncset.done $0x0  }
0x142: {  	s2 =	simm.s32 $0x14CC0;
	[sflag:s24] =	ssyncadd.s32 $0xFFFFC000  }
0x143: {  	[spmem:s1] =	stream.indirect.scatter.add.f32 [tilespmem:s18], [sflag:$0x3], $0x80, s2, s22, $0xb8;
	[tilespmem:$0x1E0C0] =	vst v63  }
0x144: {  	_ =	swait.ge [sflag:s19], $0x4000  }
0x145: {  	[sflag:s19] =	ssyncset.done $0x0  }
0x146: {  	s3 =	simm.s32 $0x139C0;
	[sflag:s19] =	ssyncadd.s32 $0xFFFFC000  }
0x147: {  	[tilespmem:s18], [sflag:$0x1] =	stream.indirect.gather [hbm4b:s4+s22], $0x80, s3, s22, $0xb8;
	[tilespmem:$0x1E0C0] =	vst v63  }
0x148: {  	_ =	swait.ge [sflag:s25], $0x4000  }
0x149: {  	[sflag:s25] =	ssyncset.done $0x0  }
0x14a: {  	s7 =	simm.s32 $0x14D40;
	[sflag:s25] =	ssyncadd.s32 $0xFFFFC000  }
0x14b: {  	[spmem:s1] =	stream.indirect.scatter.add.f32 [tilespmem:s23], [sflag:$0x3], $0x80, s7, s22, $0xb8;
	[tilespmem:$0x1E0C0] =	vst v63  }
0x14c: {  	_ =	swait.ge [sflag:s19], $0x4000  }
0x14d: {  	s31 =	simm.s32 $0x100;
	s0 =	simm.s32 $0x800;
	[sflag:s19] =	ssyncset.done $0x0  }
.LBB2_7:
0x14e: {  	s2 =	sadd.s32 $0x13940, s31  }
0x14f: {  	[sflag:s19] =	ssyncadd.s32 $0xFFFFC000;
	s3 =	smov.u32 s0;
	s7 =	sadd.s32 $0x400, s0  }
0x150: {  	[tilespmem:s23], [sflag:$0x2] =	stream.indirect.gather [hbm4b:s4+s22], $0x80, s2, s22, $0xb8;
	[tilespmem:$0x1E0C0] =	vst v63  }
0x151: {  	p3 =	seq.s32 s0, $0x4800;
	_ =	swait.ge [sflag:s24], $0x4000  }
0x152: {  	[sflag:s24] =	ssyncset.done $0x0  }
0x153: {  	s0 =	sadd.s32 $0x14CC0, s31;
	[sflag:s24] =	ssyncadd.s32 $0xFFFFC000  }
0x154: {  	[spmem:s1] =	stream.indirect.scatter.add.f32 [tilespmem:s18], [sflag:$0x3], $0x80, s0, s22, $0xb8;
	[tilespmem:$0x1E0C0] =	vst v63  }
0x155: {  	_ =	swait.ge [sflag:s19], $0x4000  }
0x156: {  	[sflag:s19] =	ssyncset.done $0x0  }
0x157: {  	s0 =	sadd.s32 $0x139C0, s31;
	[sflag:s19] =	ssyncadd.s32 $0xFFFFC000  }
0x158: {  	[tilespmem:s18], [sflag:$0x1] =	stream.indirect.gather [hbm4b:s4+s22], $0x80, s0, s22, $0xb8;
	[tilespmem:$0x1E0C0] =	vst v63  }
0x159: {  	_ =	swait.ge [sflag:s25], $0x4000  }
.Ltmp8:
0x15a: {  	[sflag:s25] =	ssyncset.done $0x0;
	(pc) =	sbr.rel @!p3 .LBB2_7-.Ltmp8, $4  }
0x15b: {  	s0 =	sadd.s32 $0x14D40, s31;
	[sflag:s25] =	ssyncadd.s32 $0xFFFFC000  }
0x15c: {  	[spmem:s1] =	stream.indirect.scatter.add.f32 [tilespmem:s23], [sflag:$0x3], $0x80, s0, s22, $0xb8;
	[tilespmem:$0x1E0C0] =	vst v63  }
0x15d: {  	_ =	swait.ge [sflag:s19], $0x4000  }
0x15e: {  	s31 =	sshra.s32 s3, $0x2;
	s0 =	smov.u32 s7;
	[sflag:s19] =	ssyncset.done $0x0  }
.Ltmp9:
0x15f: {  	_ = 	snop;
	(pc) =	sbr.rel .LBB2_8-.Ltmp9, $1  }
0x160: {  	_ =	sdelay $0x3  }
.LBB2_15:
0x161: {  	_ =	sfence.sel $0x180000  }
0x162: {  	[bflag:$0x0] =	sbarrier.arrive $0xFFFF  }
0x163: {  	_ =	strace $0x90000047  }
0x164: {  	s0 =	stileid.u32;
	[bflag:$0x2] =	sbarrier.arrive $0xFFFF  }
0x165: {  	p0 =	sne.s32 s0, $0x0;
	s0 =	rddreg [dreg:$0x3]  }
0x166: {  	s0 =	sadd.s32 @!p0 $0x100000, s0  }
0x167: {  	[sflag:s0] =	ssyncadd.tile.s32 @!p0 $0x1;
	_ =	shalt  }
.Lfunc_end2:
_tile_overlayer_lowered:
.L_overlay_start_2:
0x168: {  	(tag) =	ssettag $0x2  }
0x169: {  	s0 =	rddreg [dreg:$0x0];
	s2 =	stileid.u32  }
0x16a: {  	s1 =	rddreg [dreg:$0x1];
	p0 =	sne.s32 s2, $0x0  }
0x16b: {  	s3 =	rddreg [dreg:$0x2];
	[bflag:$0x3] =	sbarrier.arrive $0xFFFF;
	s2 =	simm.s32 @!p0 $0x1C03  }
0x16c: {  	[timem:s3], [sflag:s2] =	dma.local @!p0 [hbm:s0], s1  }
0x16d: {  	s0 =	simm.s32 @!p0 $0x3  }
0x16e: {  	_ =	swait.ge @!p0 [sflag:s0], s1  }
0x16f: {  	s1 =	ssub.s32 @!p0 $0x0, s1;
	[sflag:s0] =	ssyncset.done @!p0 $0x0  }
0x170: {  	[sflag:s0] =	ssyncadd.s32 @!p0 s1  }
0x171: {  	[bflag:$0x3] =	sbarrier.arrive $0xFFFF  }
0x172: {  	_ =	shalt  }

</sc_bundles>
